<compile_context>
chip_gen: v7x
topology: tpu7x:2x2x1
jax: 0.10.2.dev20260603
libtpu: 0.0.44.dev20260713+nightly
codegen_flags: <defaults>
</compile_context>

<pallas_src>
import functools

import jax
import jax.numpy as jnp
from jax import lax
from jax.experimental import pallas as pl
from jax.experimental.pallas import tpu as pltpu
from jax.experimental.pallas import tpu_sc as plsc

_NUM_EMB = 1000000
_DIM = 64
_BATCH = 16384
_NC = 2
_NS = 16
_NW = _NC * _NS
_BPW = _BATCH // _NW
_GRP = 16
_NGRP = _BPW // _GRP

_mesh = plsc.VectorSubcoreMesh(core_axis_name="c", subcore_axis_name="s")


@functools.partial(
    pl.kernel,
    mesh=_mesh,
    out_type=jax.ShapeDtypeStruct((_DIM, _BATCH), jnp.float32),
    scratch_types=[
        pltpu.VMEM((_BPW,), jnp.int32),
        pltpu.VMEM((4, _GRP * 8, _DIM), jnp.float32),
        pltpu.VMEM((_DIM, _BPW), jnp.float32),
        pltpu.SemaphoreType.DMA,
    ],
    compiler_params=pltpu.CompilerParams(
        use_tc_tiling_on_sc=True, needs_layout_passes=False
    ),
)
def _gather_kernel(idx_hbm, tab_hbm, out_hbm, idx_v, slab_v, out_v, sem):
    wid = lax.axis_index("s") * _NC + lax.axis_index("c")
    base = wid * _BPW
    pltpu.sync_copy(idx_hbm.at[pl.ds(base, _BPW)], idx_v)

    iota16 = lax.iota(jnp.int32, 16)
    iota8x = iota16 * 8

    def fire(g):
        vec = idx_v[pl.ds(g * _GRP, 16)]
        for k in range(_GRP):
            tb = pl.multiple_of((vec[k] >> 3) << 3, 8)
            pltpu.async_copy(
                tab_hbm.at[pl.ds(tb, 8), :],
                slab_v.at[g & 3, pl.ds(k * 8, 8)],
                sem,
            )

    fire(0)
    fire(1)
    fire(2)

    def group_body(g, carry):
        @pl.when(g < _NGRP - 3)
        def _():
            fire(g + 3)

        pltpu.make_async_copy(
            tab_hbm.at[pl.ds(0, _GRP * 8), :], slab_v.at[g & 3], sem
        ).wait()

        vec = idx_v[pl.ds(g * _GRP, 16)]
        row16 = iota8x + (vec & 7)
        buf16 = jnp.full((16,), g & 3, jnp.int32)
        for f in range(_DIM):
            v16 = plsc.load_gather(
                slab_v, [buf16, row16, jnp.full((16,), f, jnp.int32)]
            )
            out_v[f, pl.ds(g * _GRP, 16)] = v16
        return carry

    lax.fori_loop(0, _NGRP, group_body, 0)
    pltpu.sync_copy(out_v, out_hbm.at[:, pl.ds(base, _BPW)])


def kernel(indices, drug_feature):
    idx = indices.astype(jnp.int32)
    out_t = _gather_kernel(idx, drug_feature)
    return out_t.T

# --- scband reference (transcript-rebuilt; emitter-appended) ---
"""Pipeline reference for scband-feature-layer-67147518706392 (READ-ONLY COPY).

The authoritative reference and input builder live on the scoring server;
editing this copy changes nothing except your own understanding.
"""

import jax, jax.numpy as jnp
import numpy as np

NUM_EMBEDDINGS = 1000000
EMBEDDING_DIM = 64
BATCH = 16384

def setup_inputs(seed: int = 0) -> dict:
    key = jax.random.key(seed)
    k_idx, k_tab = jax.random.split(key)
    indices = jax.random.randint(k_idx, (BATCH,), 0, NUM_EMBEDDINGS, dtype=jnp.int64 if jax.config.jax_enable_x64 else jnp.int32)
    drug_feature = jax.random.normal(k_tab, (NUM_EMBEDDINGS, EMBEDDING_DIM), dtype=jnp.float32)
    return {"indices": indices, "drug_feature": drug_feature}

def reference(indices, drug_feature):
    # Faithful translation of FeatureLayer.call:
    #   drug_f = tf.gather(self.drug_feature_tensor, tf.cast(drug, 'int32'))
    idx = indices.astype(jnp.int32)
    drug_f = jnp.take(drug_feature, idx, axis=0)
    return drug_f

if __name__ == "__main__":
    import jax
    _d = setup_inputs()
    print(jax.jit(kernel)(*tuple(_d.values())))

</pallas_src>

<mosaic_0001>
#map = affine_map<(d0, d1) -> (0)>
#map1 = affine_map<(d0, d1) -> (0, 0)>
module attributes {stable_mosaic.version = 14 : i64} {
  func.func @_gather_kernel(%arg0: i32, %arg1: i32, %arg2: memref<16384xi32, #tpu.memory_space<hbm>>, %arg3: memref<1000000x64xf32, #tpu.memory_space<hbm>>, %arg4: memref<64x16384xf32, #tpu.memory_space<hbm>>, %arg5: memref<512xi32, #tpu.memory_space<vmem>>, %arg6: memref<4x128x64xf32, #tpu.memory_space<vmem>>, %arg7: memref<64x512xf32, #tpu.memory_space<vmem>>, %arg8: memref<!tpu.dma_semaphore, #tpu.memory_space<semaphore_mem>>) attributes {dimension_semantics = [#tpu.dimension_semantics<core_parallel>, #tpu.dimension_semantics<subcore_parallel>], iteration_bounds = array<i64: 2, 16>, scalar_prefetch = 0 : i64, scratch_operands = 4 : i64, tpu.core_type = #tpu.core_type<sc_vector_subcore>, window_params = [{transform_indices = #map}, {transform_indices = #map1}, {transform_indices = #map1}]} {
    %mul3A = arith.constant 2 : i32
    %mul3A_0 = arith.muli %arg1, %mul3A : i32
    %add3A = arith.addi %mul3A_0, %arg0 : i32
    %mul3A_1 = arith.constant 512 : i32
    %mul3A_2 = arith.muli %add3A, %mul3A_1 : i32
    "tpu.region"() ({
      %run_scoped3A = tpu.sem_alloc : memref<!tpu.dma_semaphore, #tpu.memory_space<semaphore_mem>>
      %dma_start3A_970 = tpu.memref_slice %arg2[%mul3A_2] : memref<16384xi32, #tpu.memory_space<hbm>> -> memref<512xi32, #tpu.memory_space<hbm>>
      %dma_start3A_971 = tpu.memref_slice %arg2[%mul3A_2] : memref<16384xi32, #tpu.memory_space<hbm>> -> memref<512xi32, #tpu.memory_space<hbm>>
      tpu.enqueue_dma source(%dma_start3A_971 : memref<512xi32, #tpu.memory_space<hbm>>) target(%arg5 : memref<512xi32, #tpu.memory_space<vmem>>) target_semaphore(%run_scoped3A : memref<!tpu.dma_semaphore, #tpu.memory_space<semaphore_mem>>)
      %dma_wait3A = tpu.memref_slice %arg2[%mul3A_2] : memref<16384xi32, #tpu.memory_space<hbm>> -> memref<512xi32, #tpu.memory_space<hbm>>
      %dma_wait3A_972 = tpu.memref_slice %arg2[%mul3A_2] : memref<16384xi32, #tpu.memory_space<hbm>> -> memref<512xi32, #tpu.memory_space<hbm>>
      tpu.wait_dma2 semaphore(%run_scoped3A : memref<!tpu.dma_semaphore, #tpu.memory_space<semaphore_mem>>) src(%dma_wait3A_972 : memref<512xi32, #tpu.memory_space<hbm>>) dst(%arg5 : memref<512xi32, #tpu.memory_space<vmem>>)
      tpu.yield
    }) : () -> ()
    %iota3A = tpu.iota {dimensions = array<i32: 0>} : vector<16xi32>
    %mul3A_3 = arith.constant 8 : i32
    %mul3A_4 = vector.broadcast %mul3A_3 : i32 to vector<16xi32>
    %mul3A_5 = arith.muli %iota3A, %mul3A_4 : vector<16xi32>
    %get3A = arith.constant 0 : index
    %get3A_6 = tpu.vector_load %arg5[%get3A] {strides = array<i32>} : memref<512xi32, #tpu.memory_space<vmem>>, vector<16xi32>,
    %slice3A = vector.extract_strided_slice %get3A_6 {offsets = [0], sizes = [1], strides = [1]} : vector<16xi32> to vector<1xi32>
    %squeeze3A = vector.extract %slice3A[0] : i32 from vector<1xi32>
    %shift_right_arithmetic3A = arith.constant 3 : i32
    %shift_right_arithmetic3A_7 = arith.shrsi %squeeze3A, %shift_right_arithmetic3A : i32
    %shift_left3A = arith.constant 3 : i32
    %shift_left3A_8 = arith.shli %shift_right_arithmetic3A_7, %shift_left3A : i32
    %multiple_of3A = tpu.assume_multiple %shift_left3A_8, 8 : i32
    %dma_start3A = arith.constant 0 : i32
    %dma_start3A_9 = arith.constant 0 : i32
    %dma_start3A_10 = arith.constant 0 : i32
    %dma_start3A_11 = tpu.memref_slice %arg6[%dma_start3A, %dma_start3A_9, %dma_start3A_10] : memref<4x128x64xf32, #tpu.memory_space<vmem>> -> memref<1x8x64xf32, #tpu.memory_space<vmem>>
    %dma_start3A_12 = tpu.memref_squeeze %dma_start3A_11 : memref<1x8x64xf32, #tpu.memory_space<vmem>> -> memref<8x64xf32, #tpu.memory_space<vmem>>
    %dma_start3A_13 = arith.constant 0 : i32
    %dma_start3A_14 = tpu.memref_slice %arg3[%multiple_of3A, %dma_start3A_13] : memref<1000000x64xf32, #tpu.memory_space<hbm>> -> memref<8x64xf32, #tpu.memory_space<hbm>>
    %dma_start3A_15 = arith.constant 0 : i32
    %dma_start3A_16 = arith.constant 0 : i32
    %dma_start3A_17 = tpu.memref_slice %arg6[%dma_start3A, %dma_start3A_15, %dma_start3A_16] : memref<4x128x64xf32, #tpu.memory_space<vmem>> -> memref<1x8x64xf32, #tpu.memory_space<vmem>>
    %dma_start3A_18 = tpu.memref_squeeze %dma_start3A_17 : memref<1x8x64xf32, #tpu.memory_space<vmem>> -> memref<8x64xf32, #tpu.memory_space<vmem>>
    %dma_start3A_19 = arith.constant 0 : i32
    %dma_start3A_20 = tpu.memref_slice %arg3[%multiple_of3A, %dma_start3A_19] : memref<1000000x64xf32, #tpu.memory_space<hbm>> -> memref<8x64xf32, #tpu.memory_space<hbm>>
    tpu.enqueue_dma source(%dma_start3A_20 : memref<8x64xf32, #tpu.memory_space<hbm>>) target(%dma_start3A_18 : memref<8x64xf32, #tpu.memory_space<vmem>>) target_semaphore(%arg8 : memref<!tpu.dma_semaphore, #tpu.memory_space<semaphore_mem>>)
    %slice3A_21 = vector.extract_strided_slice %get3A_6 {offsets = [1], sizes = [1], strides = [1]} : vector<16xi32> to vector<1xi32>
    %squeeze3A_22 = vector.extract %slice3A_21[0] : i32 from vector<1xi32>
    %shift_right_arithmetic3A_23 = arith.constant 3 : i32
    %shift_right_arithmetic3A_24 = arith.shrsi %squeeze3A_22, %shift_right_arithmetic3A_23 : i32
    %shift_left3A_25 = arith.constant 3 : i32
    %shift_left3A_26 = arith.shli %shift_right_arithmetic3A_24, %shift_left3A_25 : i32
    %multiple_of3A_27 = tpu.assume_multiple %shift_left3A_26, 8 : i32
    %dma_start3A_28 = arith.constant 0 : i32
    %dma_start3A_29 = arith.constant 8 : i32
    %dma_start3A_30 = arith.constant 0 : i32
    %dma_start3A_31 = tpu.memref_slice %arg6[%dma_start3A_28, %dma_start3A_29, %dma_start3A_30] : memref<4x128x64xf32, #tpu.memory_space<vmem>> -> memref<1x8x64xf32, #tpu.memory_space<vmem>>
    %dma_start3A_32 = tpu.memref_squeeze %dma_start3A_31 : memref<1x8x64xf32, #tpu.memory_space<vmem>> -> memref<8x64xf32, #tpu.memory_space<vmem>>
    %dma_start3A_33 = arith.constant 0 : i32
    %dma_start3A_34 = tpu.memref_slice %arg3[%multiple_of3A_27, %dma_start3A_33] : memref<1000000x64xf32, #tpu.memory_space<hbm>> -> memref<8x64xf32, #tpu.memory_space<hbm>>
    %dma_start3A_35 = arith.constant 8 : i32
    %dma_start3A_36 = arith.constant 0 : i32
    %dma_start3A_37 = tpu.memref_slice %arg6[%dma_start3A_28, %dma_start3A_35, %dma_start3A_36] : memref<4x128x64xf32, #tpu.memory_space<vmem>> -> memref<1x8x64xf32, #tpu.memory_space<vmem>>
    %dma_start3A_38 = tpu.memref_squeeze %dma_start3A_37 : memref<1x8x64xf32, #tpu.memory_space<vmem>> -> memref<8x64xf32, #tpu.memory_space<vmem>>
    %dma_start3A_39 = arith.constant 0 : i32
    %dma_start3A_40 = tpu.memref_slice %arg3[%multiple_of3A_27, %dma_start3A_39] : memref<1000000x64xf32, #tpu.memory_space<hbm>> -> memref<8x64xf32, #tpu.memory_space<hbm>>
    tpu.enqueue_dma source(%dma_start3A_40 : memref<8x64xf32, #tpu.memory_space<hbm>>) target(%dma_start3A_38 : memref<8x64xf32, #tpu.memory_space<vmem>>) target_semaphore(%arg8 : memref<!tpu.dma_semaphore, #tpu.memory_space<semaphore_mem>>)
    %slice3A_41 = vector.extract_strided_slice %get3A_6 {offsets = [2], sizes = [1], strides = [1]} : vector<16xi32> to vector<1xi32>
    %squeeze3A_42 = vector.extract %slice3A_41[0] : i32 from vector<1xi32>
    %shift_right_arithmetic3A_43 = arith.constant 3 : i32
    %shift_right_arithmetic3A_44 = arith.shrsi %squeeze3A_42, %shift_right_arithmetic3A_43 : i32
    %shift_left3A_45 = arith.constant 3 : i32
    %shift_left3A_46 = arith.shli %shift_right_arithmetic3A_44, %shift_left3A_45 : i32
    %multiple_of3A_47 = tpu.assume_multiple %shift_left3A_46, 8 : i32
    %dma_start3A_48 = arith.constant 0 : i32
    %dma_start3A_49 = arith.constant 16 : i32
    %dma_start3A_50 = arith.constant 0 : i32
    %dma_start3A_51 = tpu.memref_slice %arg6[%dma_start3A_48, %dma_start3A_49, %dma_start3A_50] : memref<4x128x64xf32, #tpu.memory_space<vmem>> -> memref<1x8x64xf32, #tpu.memory_space<vmem>>
    %dma_start3A_52 = tpu.memref_squeeze %dma_start3A_51 : memref<1x8x64xf32, #tpu.memory_space<vmem>> -> memref<8x64xf32, #tpu.memory_space<vmem>>
    %dma_start3A_53 = arith.constant 0 : i32
    %dma_start3A_54 = tpu.memref_slice %arg3[%multiple_of3A_47, %dma_start3A_53] : memref<1000000x64xf32, #tpu.memory_space<hbm>> -> memref<8x64xf32, #tpu.memory_space<hbm>>
    %dma_start3A_55 = arith.constant 16 : i32
    %dma_start3A_56 = arith.constant 0 : i32
    %dma_start3A_57 = tpu.memref_slice %arg6[%dma_start3A_48, %dma_start3A_55, %dma_start3A_56] : memref<4x128x64xf32, #tpu.memory_space<vmem>> -> memref<1x8x64xf32, #tpu.memory_space<vmem>>
    %dma_start3A_58 = tpu.memref_squeeze %dma_start3A_57 : memref<1x8x64xf32, #tpu.memory_space<vmem>> -> memref<8x64xf32, #tpu.memory_space<vmem>>
    %dma_start3A_59 = arith.constant 0 : i32
    %dma_start3A_60 = tpu.memref_slice %arg3[%multiple_of3A_47, %dma_start3A_59] : memref<1000000x64xf32, #tpu.memory_space<hbm>> -> memref<8x64xf32, #tpu.memory_space<hbm>>
    tpu.enqueue_dma source(%dma_start3A_60 : memref<8x64xf32, #tpu.memory_space<hbm>>) target(%dma_start3A_58 : memref<8x64xf32, #tpu.memory_space<vmem>>) target_semaphore(%arg8 : memref<!tpu.dma_semaphore, #tpu.memory_space<semaphore_mem>>)
    %slice3A_61 = vector.extract_strided_slice %get3A_6 {offsets = [3], sizes = [1], strides = [1]} : vector<16xi32> to vector<1xi32>
    %squeeze3A_62 = vector.extract %slice3A_61[0] : i32 from vector<1xi32>
    %shift_right_arithmetic3A_63 = arith.constant 3 : i32
    %shift_right_arithmetic3A_64 = arith.shrsi %squeeze3A_62, %shift_right_arithmetic3A_63 : i32
    %shift_left3A_65 = arith.constant 3 : i32
    %shift_left3A_66 = arith.shli %shift_right_arithmetic3A_64, %shift_left3A_65 : i32
    %multiple_of3A_67 = tpu.assume_multiple %shift_left3A_66, 8 : i32
    %dma_start3A_68 = arith.constant 0 : i32
    %dma_start3A_69 = arith.constant 24 : i32
    %dma_start3A_70 = arith.constant 0 : i32
    %dma_start3A_71 = tpu.memref_slice %arg6[%dma_start3A_68, %dma_start3A_69, %dma_start3A_70] : memref<4x128x64xf32, #tpu.memory_space<vmem>> -> memref<1x8x64xf32, #tpu.memory_space<vmem>>
    %dma_start3A_72 = tpu.memref_squeeze %dma_start3A_71 : memref<1x8x64xf32, #tpu.memory_space<vmem>> -> memref<8x64xf32, #tpu.memory_space<vmem>>
    %dma_start3A_73 = arith.constant 0 : i32
    %dma_start3A_74 = tpu.memref_slice %arg3[%multiple_of3A_67, %dma_start3A_73] : memref<1000000x64xf32, #tpu.memory_space<hbm>> -> memref<8x64xf32, #tpu.memory_space<hbm>>
    %dma_start3A_75 = arith.constant 24 : i32
    %dma_start3A_76 = arith.constant 0 : i32
    %dma_start3A_77 = tpu.memref_slice %arg6[%dma_start3A_68, %dma_start3A_75, %dma_start3A_76] : memref<4x128x64xf32, #tpu.memory_space<vmem>> -> memref<1x8x64xf32, #tpu.memory_space<vmem>>
    %dma_start3A_78 = tpu.memref_squeeze %dma_start3A_77 : memref<1x8x64xf32, #tpu.memory_space<vmem>> -> memref<8x64xf32, #tpu.memory_space<vmem>>
    %dma_start3A_79 = arith.constant 0 : i32
    %dma_start3A_80 = tpu.memref_slice %arg3[%multiple_of3A_67, %dma_start3A_79] : memref<1000000x64xf32, #tpu.memory_space<hbm>> -> memref<8x64xf32, #tpu.memory_space<hbm>>
    tpu.enqueue_dma source(%dma_start3A_80 : memref<8x64xf32, #tpu.memory_space<hbm>>) target(%dma_start3A_78 : memref<8x64xf32, #tpu.memory_space<vmem>>) target_semaphore(%arg8 : memref<!tpu.dma_semaphore, #tpu.memory_space<semaphore_mem>>)
    %slice3A_81 = vector.extract_strided_slice %get3A_6 {offsets = [4], sizes = [1], strides = [1]} : vector<16xi32> to vector<1xi32>
    %squeeze3A_82 = vector.extract %slice3A_81[0] : i32 from vector<1xi32>
    %shift_right_arithmetic3A_83 = arith.constant 3 : i32
    %shift_right_arithmetic3A_84 = arith.shrsi %squeeze3A_82, %shift_right_arithmetic3A_83 : i32
    %shift_left3A_85 = arith.constant 3 : i32
    %shift_left3A_86 = arith.shli %shift_right_arithmetic3A_84, %shift_left3A_85 : i32
    %multiple_of3A_87 = tpu.assume_multiple %shift_left3A_86, 8 : i32
    %dma_start3A_88 = arith.constant 0 : i32
    %dma_start3A_89 = arith.constant 32 : i32
    %dma_start3A_90 = arith.constant 0 : i32
    %dma_start3A_91 = tpu.memref_slice %arg6[%dma_start3A_88, %dma_start3A_89, %dma_start3A_90] : memref<4x128x64xf32, #tpu.memory_space<vmem>> -> memref<1x8x64xf32, #tpu.memory_space<vmem>>
    %dma_start3A_92 = tpu.memref_squeeze %dma_start3A_91 : memref<1x8x64xf32, #tpu.memory_space<vmem>> -> memref<8x64xf32, #tpu.memory_space<vmem>>
    %dma_start3A_93 = arith.constant 0 : i32
    %dma_start3A_94 = tpu.memref_slice %arg3[%multiple_of3A_87, %dma_start3A_93] : memref<1000000x64xf32, #tpu.memory_space<hbm>> -> memref<8x64xf32, #tpu.memory_space<hbm>>
    %dma_start3A_95 = arith.constant 32 : i32
    %dma_start3A_96 = arith.constant 0 : i32
    %dma_start3A_97 = tpu.memref_slice %arg6[%dma_start3A_88, %dma_start3A_95, %dma_start3A_96] : memref<4x128x64xf32, #tpu.memory_space<vmem>> -> memref<1x8x64xf32, #tpu.memory_space<vmem>>
    %dma_start3A_98 = tpu.memref_squeeze %dma_start3A_97 : memref<1x8x64xf32, #tpu.memory_space<vmem>> -> memref<8x64xf32, #tpu.memory_space<vmem>>
    %dma_start3A_99 = arith.constant 0 : i32
    %dma_start3A_100 = tpu.memref_slice %arg3[%multiple_of3A_87, %dma_start3A_99] : memref<1000000x64xf32, #tpu.memory_space<hbm>> -> memref<8x64xf32, #tpu.memory_space<hbm>>
    tpu.enqueue_dma source(%dma_start3A_100 : memref<8x64xf32, #tpu.memory_space<hbm>>) target(%dma_start3A_98 : memref<8x64xf32, #tpu.memory_space<vmem>>) target_semaphore(%arg8 : memref<!tpu.dma_semaphore, #tpu.memory_space<semaphore_mem>>)
    %slice3A_101 = vector.extract_strided_slice %get3A_6 {offsets = [5], sizes = [1], strides = [1]} : vector<16xi32> to vector<1xi32>
    %squeeze3A_102 = vector.extract %slice3A_101[0] : i32 from vector<1xi32>
    %shift_right_arithmetic3A_103 = arith.constant 3 : i32
    %shift_right_arithmetic3A_104 = arith.shrsi %squeeze3A_102, %shift_right_arithmetic3A_103 : i32
    %shift_left3A_105 = arith.constant 3 : i32
    %shift_left3A_106 = arith.shli %shift_right_arithmetic3A_104, %shift_left3A_105 : i32
    %multiple_of3A_107 = tpu.assume_multiple %shift_left3A_106, 8 : i32
    %dma_start3A_108 = arith.constant 0 : i32
    %dma_start3A_109 = arith.constant 40 : i32
    %dma_start3A_110 = arith.constant 0 : i32
    %dma_start3A_111 = tpu.memref_slice %arg6[%dma_start3A_108, %dma_start3A_109, %dma_start3A_110] : memref<4x128x64xf32, #tpu.memory_space<vmem>> -> memref<1x8x64xf32, #tpu.memory_space<vmem>>
    %dma_start3A_112 = tpu.memref_squeeze %dma_start3A_111 : memref<1x8x64xf32, #tpu.memory_space<vmem>> -> memref<8x64xf32, #tpu.memory_space<vmem>>
    %dma_start3A_113 = arith.constant 0 : i32
    %dma_start3A_114 = tpu.memref_slice %arg3[%multiple_of3A_107, %dma_start3A_113] : memref<1000000x64xf32, #tpu.memory_space<hbm>> -> memref<8x64xf32, #tpu.memory_space<hbm>>
    %dma_start3A_115 = arith.constant 40 : i32
    %dma_start3A_116 = arith.constant 0 : i32
    %dma_start3A_117 = tpu.memref_slice %arg6[%dma_start3A_108, %dma_start3A_115, %dma_start3A_116] : memref<4x128x64xf32, #tpu.memory_space<vmem>> -> memref<1x8x64xf32, #tpu.memory_space<vmem>>
    %dma_start3A_118 = tpu.memref_squeeze %dma_start3A_117 : memref<1x8x64xf32, #tpu.memory_space<vmem>> -> memref<8x64xf32, #tpu.memory_space<vmem>>
    %dma_start3A_119 = arith.constant 0 : i32
    %dma_start3A_120 = tpu.memref_slice %arg3[%multiple_of3A_107, %dma_start3A_119] : memref<1000000x64xf32, #tpu.memory_space<hbm>> -> memref<8x64xf32, #tpu.memory_space<hbm>>
    tpu.enqueue_dma source(%dma_start3A_120 : memref<8x64xf32, #tpu.memory_space<hbm>>) target(%dma_start3A_118 : memref<8x64xf32, #tpu.memory_space<vmem>>) target_semaphore(%arg8 : memref<!tpu.dma_semaphore, #tpu.memory_space<semaphore_mem>>)
    %slice3A_121 = vector.extract_strided_slice %get3A_6 {offsets = [6], sizes = [1], strides = [1]} : vector<16xi32> to vector<1xi32>
    %squeeze3A_122 = vector.extract %slice3A_121[0] : i32 from vector<1xi32>
    %shift_right_arithmetic3A_123 = arith.constant 3 : i32
    %shift_right_arithmetic3A_124 = arith.shrsi %squeeze3A_122, %shift_right_arithmetic3A_123 : i32
    %shift_left3A_125 = arith.constant 3 : i32
    %shift_left3A_126 = arith.shli %shift_right_arithmetic3A_124, %shift_left3A_125 : i32
    %multiple_of3A_127 = tpu.assume_multiple %shift_left3A_126, 8 : i32
    %dma_start3A_128 = arith.constant 0 : i32
    %dma_start3A_129 = arith.constant 48 : i32
    %dma_start3A_130 = arith.constant 0 : i32
    %dma_start3A_131 = tpu.memref_slice %arg6[%dma_start3A_128, %dma_start3A_129, %dma_start3A_130] : memref<4x128x64xf32, #tpu.memory_space<vmem>> -> memref<1x8x64xf32, #tpu.memory_space<vmem>>
    %dma_start3A_132 = tpu.memref_squeeze %dma_start3A_131 : memref<1x8x64xf32, #tpu.memory_space<vmem>> -> memref<8x64xf32, #tpu.memory_space<vmem>>
    %dma_start3A_133 = arith.constant 0 : i32
    %dma_start3A_134 = tpu.memref_slice %arg3[%multiple_of3A_127, %dma_start3A_133] : memref<1000000x64xf32, #tpu.memory_space<hbm>> -> memref<8x64xf32, #tpu.memory_space<hbm>>
    %dma_start3A_135 = arith.constant 48 : i32
    %dma_start3A_136 = arith.constant 0 : i32
    %dma_start3A_137 = tpu.memref_slice %arg6[%dma_start3A_128, %dma_start3A_135, %dma_start3A_136] : memref<4x128x64xf32, #tpu.memory_space<vmem>> -> memref<1x8x64xf32, #tpu.memory_space<vmem>>
    %dma_start3A_138 = tpu.memref_squeeze %dma_start3A_137 : memref<1x8x64xf32, #tpu.memory_space<vmem>> -> memref<8x64xf32, #tpu.memory_space<vmem>>
    %dma_start3A_139 = arith.constant 0 : i32
    %dma_start3A_140 = tpu.memref_slice %arg3[%multiple_of3A_127, %dma_start3A_139] : memref<1000000x64xf32, #tpu.memory_space<hbm>> -> memref<8x64xf32, #tpu.memory_space<hbm>>
    tpu.enqueue_dma source(%dma_start3A_140 : memref<8x64xf32, #tpu.memory_space<hbm>>) target(%dma_start3A_138 : memref<8x64xf32, #tpu.memory_space<vmem>>) target_semaphore(%arg8 : memref<!tpu.dma_semaphore, #tpu.memory_space<semaphore_mem>>)
    %slice3A_141 = vector.extract_strided_slice %get3A_6 {offsets = [7], sizes = [1], strides = [1]} : vector<16xi32> to vector<1xi32>
    %squeeze3A_142 = vector.extract %slice3A_141[0] : i32 from vector<1xi32>
    %shift_right_arithmetic3A_143 = arith.constant 3 : i32
    %shift_right_arithmetic3A_144 = arith.shrsi %squeeze3A_142, %shift_right_arithmetic3A_143 : i32
    %shift_left3A_145 = arith.constant 3 : i32
    %shift_left3A_146 = arith.shli %shift_right_arithmetic3A_144, %shift_left3A_145 : i32
    %multiple_of3A_147 = tpu.assume_multiple %shift_left3A_146, 8 : i32
    %dma_start3A_148 = arith.constant 0 : i32
    %dma_start3A_149 = arith.constant 56 : i32
    %dma_start3A_150 = arith.constant 0 : i32
    %dma_start3A_151 = tpu.memref_slice %arg6[%dma_start3A_148, %dma_start3A_149, %dma_start3A_150] : memref<4x128x64xf32, #tpu.memory_space<vmem>> -> memref<1x8x64xf32, #tpu.memory_space<vmem>>
    %dma_start3A_152 = tpu.memref_squeeze %dma_start3A_151 : memref<1x8x64xf32, #tpu.memory_space<vmem>> -> memref<8x64xf32, #tpu.memory_space<vmem>>
    %dma_start3A_153 = arith.constant 0 : i32
    %dma_start3A_154 = tpu.memref_slice %arg3[%multiple_of3A_147, %dma_start3A_153] : memref<1000000x64xf32, #tpu.memory_space<hbm>> -> memref<8x64xf32, #tpu.memory_space<hbm>>
    %dma_start3A_155 = arith.constant 56 : i32
    %dma_start3A_156 = arith.constant 0 : i32
    %dma_start3A_157 = tpu.memref_slice %arg6[%dma_start3A_148, %dma_start3A_155, %dma_start3A_156] : memref<4x128x64xf32, #tpu.memory_space<vmem>> -> memref<1x8x64xf32, #tpu.memory_space<vmem>>
    %dma_start3A_158 = tpu.memref_squeeze %dma_start3A_157 : memref<1x8x64xf32, #tpu.memory_space<vmem>> -> memref<8x64xf32, #tpu.memory_space<vmem>>
    %dma_start3A_159 = arith.constant 0 : i32
    %dma_start3A_160 = tpu.memref_slice %arg3[%multiple_of3A_147, %dma_start3A_159] : memref<1000000x64xf32, #tpu.memory_space<hbm>> -> memref<8x64xf32, #tpu.memory_space<hbm>>
    tpu.enqueue_dma source(%dma_start3A_160 : memref<8x64xf32, #tpu.memory_space<hbm>>) target(%dma_start3A_158 : memref<8x64xf32, #tpu.memory_space<vmem>>) target_semaphore(%arg8 : memref<!tpu.dma_semaphore, #tpu.memory_space<semaphore_mem>>)
    %slice3A_161 = vector.extract_strided_slice %get3A_6 {offsets = [8], sizes = [1], strides = [1]} : vector<16xi32> to vector<1xi32>
    %squeeze3A_162 = vector.extract %slice3A_161[0] : i32 from vector<1xi32>
    %shift_right_arithmetic3A_163 = arith.constant 3 : i32
    %shift_right_arithmetic3A_164 = arith.shrsi %squeeze3A_162, %shift_right_arithmetic3A_163 : i32
    %shift_left3A_165 = arith.constant 3 : i32
    %shift_left3A_166 = arith.shli %shift_right_arithmetic3A_164, %shift_left3A_165 : i32
    %multiple_of3A_167 = tpu.assume_multiple %shift_left3A_166, 8 : i32
    %dma_start3A_168 = arith.constant 0 : i32
    %dma_start3A_169 = arith.constant 64 : i32
    %dma_start3A_170 = arith.constant 0 : i32
    %dma_start3A_171 = tpu.memref_slice %arg6[%dma_start3A_168, %dma_start3A_169, %dma_start3A_170] : memref<4x128x64xf32, #tpu.memory_space<vmem>> -> memref<1x8x64xf32, #tpu.memory_space<vmem>>
    %dma_start3A_172 = tpu.memref_squeeze %dma_start3A_171 : memref<1x8x64xf32, #tpu.memory_space<vmem>> -> memref<8x64xf32, #tpu.memory_space<vmem>>
    %dma_start3A_173 = arith.constant 0 : i32
    %dma_start3A_174 = tpu.memref_slice %arg3[%multiple_of3A_167, %dma_start3A_173] : memref<1000000x64xf32, #tpu.memory_space<hbm>> -> memref<8x64xf32, #tpu.memory_space<hbm>>
    %dma_start3A_175 = arith.constant 64 : i32
    %dma_start3A_176 = arith.constant 0 : i32
    %dma_start3A_177 = tpu.memref_slice %arg6[%dma_start3A_168, %dma_start3A_175, %dma_start3A_176] : memref<4x128x64xf32, #tpu.memory_space<vmem>> -> memref<1x8x64xf32, #tpu.memory_space<vmem>>
    %dma_start3A_178 = tpu.memref_squeeze %dma_start3A_177 : memref<1x8x64xf32, #tpu.memory_space<vmem>> -> memref<8x64xf32, #tpu.memory_space<vmem>>
    %dma_start3A_179 = arith.constant 0 : i32
    %dma_start3A_180 = tpu.memref_slice %arg3[%multiple_of3A_167, %dma_start3A_179] : memref<1000000x64xf32, #tpu.memory_space<hbm>> -> memref<8x64xf32, #tpu.memory_space<hbm>>
    tpu.enqueue_dma source(%dma_start3A_180 : memref<8x64xf32, #tpu.memory_space<hbm>>) target(%dma_start3A_178 : memref<8x64xf32, #tpu.memory_space<vmem>>) target_semaphore(%arg8 : memref<!tpu.dma_semaphore, #tpu.memory_space<semaphore_mem>>)
    %slice3A_181 = vector.extract_strided_slice %get3A_6 {offsets = [9], sizes = [1], strides = [1]} : vector<16xi32> to vector<1xi32>
    %squeeze3A_182 = vector.extract %slice3A_181[0] : i32 from vector<1xi32>
    %shift_right_arithmetic3A_183 = arith.constant 3 : i32
    %shift_right_arithmetic3A_184 = arith.shrsi %squeeze3A_182, %shift_right_arithmetic3A_183 : i32
    %shift_left3A_185 = arith.constant 3 : i32
    %shift_left3A_186 = arith.shli %shift_right_arithmetic3A_184, %shift_left3A_185 : i32
    %multiple_of3A_187 = tpu.assume_multiple %shift_left3A_186, 8 : i32
    %dma_start3A_188 = arith.constant 0 : i32
    %dma_start3A_189 = arith.constant 72 : i32
    %dma_start3A_190 = arith.constant 0 : i32
    %dma_start3A_191 = tpu.memref_slice %arg6[%dma_start3A_188, %dma_start3A_189, %dma_start3A_190] : memref<4x128x64xf32, #tpu.memory_space<vmem>> -> memref<1x8x64xf32, #tpu.memory_space<vmem>>
    %dma_start3A_192 = tpu.memref_squeeze %dma_start3A_191 : memref<1x8x64xf32, #tpu.memory_space<vmem>> -> memref<8x64xf32, #tpu.memory_space<vmem>>
    %dma_start3A_193 = arith.constant 0 : i32
    %dma_start3A_194 = tpu.memref_slice %arg3[%multiple_of3A_187, %dma_start3A_193] : memref<1000000x64xf32, #tpu.memory_space<hbm>> -> memref<8x64xf32, #tpu.memory_space<hbm>>
    %dma_start3A_195 = arith.constant 72 : i32
    %dma_start3A_196 = arith.constant 0 : i32
    %dma_start3A_197 = tpu.memref_slice %arg6[%dma_start3A_188, %dma_start3A_195, %dma_start3A_196] : memref<4x128x64xf32, #tpu.memory_space<vmem>> -> memref<1x8x64xf32, #tpu.memory_space<vmem>>
    %dma_start3A_198 = tpu.memref_squeeze %dma_start3A_197 : memref<1x8x64xf32, #tpu.memory_space<vmem>> -> memref<8x64xf32, #tpu.memory_space<vmem>>
    %dma_start3A_199 = arith.constant 0 : i32
    %dma_start3A_200 = tpu.memref_slice %arg3[%multiple_of3A_187, %dma_start3A_199] : memref<1000000x64xf32, #tpu.memory_space<hbm>> -> memref<8x64xf32, #tpu.memory_space<hbm>>
    tpu.enqueue_dma source(%dma_start3A_200 : memref<8x64xf32, #tpu.memory_space<hbm>>) target(%dma_start3A_198 : memref<8x64xf32, #tpu.memory_space<vmem>>) target_semaphore(%arg8 : memref<!tpu.dma_semaphore, #tpu.memory_space<semaphore_mem>>)
    %slice3A_201 = vector.extract_strided_slice %get3A_6 {offsets = [10], sizes = [1], strides = [1]} : vector<16xi32> to vector<1xi32>
    %squeeze3A_202 = vector.extract %slice3A_201[0] : i32 from vector<1xi32>
    %shift_right_arithmetic3A_203 = arith.constant 3 : i32
    %shift_right_arithmetic3A_204 = arith.shrsi %squeeze3A_202, %shift_right_arithmetic3A_203 : i32
    %shift_left3A_205 = arith.constant 3 : i32
    %shift_left3A_206 = arith.shli %shift_right_arithmetic3A_204, %shift_left3A_205 : i32
    %multiple_of3A_207 = tpu.assume_multiple %shift_left3A_206, 8 : i32
    %dma_start3A_208 = arith.constant 0 : i32
    %dma_start3A_209 = arith.constant 80 : i32
    %dma_start3A_210 = arith.constant 0 : i32
    %dma_start3A_211 = tpu.memref_slice %arg6[%dma_start3A_208, %dma_start3A_209, %dma_start3A_210] : memref<4x128x64xf32, #tpu.memory_space<vmem>> -> memref<1x8x64xf32, #tpu.memory_space<vmem>>
    %dma_start3A_212 = tpu.memref_squeeze %dma_start3A_211 : memref<1x8x64xf32, #tpu.memory_space<vmem>> -> memref<8x64xf32, #tpu.memory_space<vmem>>
    %dma_start3A_213 = arith.constant 0 : i32
    %dma_start3A_214 = tpu.memref_slice %arg3[%multiple_of3A_207, %dma_start3A_213] : memref<1000000x64xf32, #tpu.memory_space<hbm>> -> memref<8x64xf32, #tpu.memory_space<hbm>>
    %dma_start3A_215 = arith.constant 80 : i32
    %dma_start3A_216 = arith.constant 0 : i32
    %dma_start3A_217 = tpu.memref_slice %arg6[%dma_start3A_208, %dma_start3A_215, %dma_start3A_216] : memref<4x128x64xf32, #tpu.memory_space<vmem>> -> memref<1x8x64xf32, #tpu.memory_space<vmem>>
    %dma_start3A_218 = tpu.memref_squeeze %dma_start3A_217 : memref<1x8x64xf32, #tpu.memory_space<vmem>> -> memref<8x64xf32, #tpu.memory_space<vmem>>
    %dma_start3A_219 = arith.constant 0 : i32
    %dma_start3A_220 = tpu.memref_slice %arg3[%multiple_of3A_207, %dma_start3A_219] : memref<1000000x64xf32, #tpu.memory_space<hbm>> -> memref<8x64xf32, #tpu.memory_space<hbm>>
    tpu.enqueue_dma source(%dma_start3A_220 : memref<8x64xf32, #tpu.memory_space<hbm>>) target(%dma_start3A_218 : memref<8x64xf32, #tpu.memory_space<vmem>>) target_semaphore(%arg8 : memref<!tpu.dma_semaphore, #tpu.memory_space<semaphore_mem>>)
    %slice3A_221 = vector.extract_strided_slice %get3A_6 {offsets = [11], sizes = [1], strides = [1]} : vector<16xi32> to vector<1xi32>
    %squeeze3A_222 = vector.extract %slice3A_221[0] : i32 from vector<1xi32>
    %shift_right_arithmetic3A_223 = arith.constant 3 : i32
    %shift_right_arithmetic3A_224 = arith.shrsi %squeeze3A_222, %shift_right_arithmetic3A_223 : i32
    %shift_left3A_225 = arith.constant 3 : i32
    %shift_left3A_226 = arith.shli %shift_right_arithmetic3A_224, %shift_left3A_225 : i32
    %multiple_of3A_227 = tpu.assume_multiple %shift_left3A_226, 8 : i32
    %dma_start3A_228 = arith.constant 0 : i32
    %dma_start3A_229 = arith.constant 88 : i32
    %dma_start3A_230 = arith.constant 0 : i32
    %dma_start3A_231 = tpu.memref_slice %arg6[%dma_start3A_228, %dma_start3A_229, %dma_start3A_230] : memref<4x128x64xf32, #tpu.memory_space<vmem>> -> memref<1x8x64xf32, #tpu.memory_space<vmem>>
    %dma_start3A_232 = tpu.memref_squeeze %dma_start3A_231 : memref<1x8x64xf32, #tpu.memory_space<vmem>> -> memref<8x64xf32, #tpu.memory_space<vmem>>
    %dma_start3A_233 = arith.constant 0 : i32
    %dma_start3A_234 = tpu.memref_slice %arg3[%multiple_of3A_227, %dma_start3A_233] : memref<1000000x64xf32, #tpu.memory_space<hbm>> -> memref<8x64xf32, #tpu.memory_space<hbm>>
    %dma_start3A_235 = arith.constant 88 : i32
    %dma_start3A_236 = arith.constant 0 : i32
    %dma_start3A_237 = tpu.memref_slice %arg6[%dma_start3A_228, %dma_start3A_235, %dma_start3A_236] : memref<4x128x64xf32, #tpu.memory_space<vmem>> -> memref<1x8x64xf32, #tpu.memory_space<vmem>>
    %dma_start3A_238 = tpu.memref_squeeze %dma_start3A_237 : memref<1x8x64xf32, #tpu.memory_space<vmem>> -> memref<8x64xf32, #tpu.memory_space<vmem>>
    %dma_start3A_239 = arith.constant 0 : i32
    %dma_start3A_240 = tpu.memref_slice %arg3[%multiple_of3A_227, %dma_start3A_239] : memref<1000000x64xf32, #tpu.memory_space<hbm>> -> memref<8x64xf32, #tpu.memory_space<hbm>>
    tpu.enqueue_dma source(%dma_start3A_240 : memref<8x64xf32, #tpu.memory_space<hbm>>) target(%dma_start3A_238 : memref<8x64xf32, #tpu.memory_space<vmem>>) target_semaphore(%arg8 : memref<!tpu.dma_semaphore, #tpu.memory_space<semaphore_mem>>)
    %slice3A_241 = vector.extract_strided_slice %get3A_6 {offsets = [12], sizes = [1], strides = [1]} : vector<16xi32> to vector<1xi32>
    %squeeze3A_242 = vector.extract %slice3A_241[0] : i32 from vector<1xi32>
    %shift_right_arithmetic3A_243 = arith.constant 3 : i32
    %shift_right_arithmetic3A_244 = arith.shrsi %squeeze3A_242, %shift_right_arithmetic3A_243 : i32
    %shift_left3A_245 = arith.constant 3 : i32
    %shift_left3A_246 = arith.shli %shift_right_arithmetic3A_244, %shift_left3A_245 : i32
    %multiple_of3A_247 = tpu.assume_multiple %shift_left3A_246, 8 : i32
    %dma_start3A_248 = arith.constant 0 : i32
    %dma_start3A_249 = arith.constant 96 : i32
    %dma_start3A_250 = arith.constant 0 : i32
    %dma_start3A_251 = tpu.memref_slice %arg6[%dma_start3A_248, %dma_start3A_249, %dma_start3A_250] : memref<4x128x64xf32, #tpu.memory_space<vmem>> -> memref<1x8x64xf32, #tpu.memory_space<vmem>>
    %dma_start3A_252 = tpu.memref_squeeze %dma_start3A_251 : memref<1x8x64xf32, #tpu.memory_space<vmem>> -> memref<8x64xf32, #tpu.memory_space<vmem>>
    %dma_start3A_253 = arith.constant 0 : i32
    %dma_start3A_254 = tpu.memref_slice %arg3[%multiple_of3A_247, %dma_start3A_253] : memref<1000000x64xf32, #tpu.memory_space<hbm>> -> memref<8x64xf32, #tpu.memory_space<hbm>>
    %dma_start3A_255 = arith.constant 96 : i32
    %dma_start3A_256 = arith.constant 0 : i32
    %dma_start3A_257 = tpu.memref_slice %arg6[%dma_start3A_248, %dma_start3A_255, %dma_start3A_256] : memref<4x128x64xf32, #tpu.memory_space<vmem>> -> memref<1x8x64xf32, #tpu.memory_space<vmem>>
    %dma_start3A_258 = tpu.memref_squeeze %dma_start3A_257 : memref<1x8x64xf32, #tpu.memory_space<vmem>> -> memref<8x64xf32, #tpu.memory_space<vmem>>
    %dma_start3A_259 = arith.constant 0 : i32
    %dma_start3A_260 = tpu.memref_slice %arg3[%multiple_of3A_247, %dma_start3A_259] : memref<1000000x64xf32, #tpu.memory_space<hbm>> -> memref<8x64xf32, #tpu.memory_space<hbm>>
    tpu.enqueue_dma source(%dma_start3A_260 : memref<8x64xf32, #tpu.memory_space<hbm>>) target(%dma_start3A_258 : memref<8x64xf32, #tpu.memory_space<vmem>>) target_semaphore(%arg8 : memref<!tpu.dma_semaphore, #tpu.memory_space<semaphore_mem>>)
    %slice3A_261 = vector.extract_strided_slice %get3A_6 {offsets = [13], sizes = [1], strides = [1]} : vector<16xi32> to vector<1xi32>
    %squeeze3A_262 = vector.extract %slice3A_261[0] : i32 from vector<1xi32>
    %shift_right_arithmetic3A_263 = arith.constant 3 : i32
    %shift_right_arithmetic3A_264 = arith.shrsi %squeeze3A_262, %shift_right_arithmetic3A_263 : i32
    %shift_left3A_265 = arith.constant 3 : i32
    %shift_left3A_266 = arith.shli %shift_right_arithmetic3A_264, %shift_left3A_265 : i32
    %multiple_of3A_267 = tpu.assume_multiple %shift_left3A_266, 8 : i32
    %dma_start3A_268 = arith.constant 0 : i32
    %dma_start3A_269 = arith.constant 104 : i32
    %dma_start3A_270 = arith.constant 0 : i32
    %dma_start3A_271 = tpu.memref_slice %arg6[%dma_start3A_268, %dma_start3A_269, %dma_start3A_270] : memref<4x128x64xf32, #tpu.memory_space<vmem>> -> memref<1x8x64xf32, #tpu.memory_space<vmem>>
    %dma_start3A_272 = tpu.memref_squeeze %dma_start3A_271 : memref<1x8x64xf32, #tpu.memory_space<vmem>> -> memref<8x64xf32, #tpu.memory_space<vmem>>
    %dma_start3A_273 = arith.constant 0 : i32
    %dma_start3A_274 = tpu.memref_slice %arg3[%multiple_of3A_267, %dma_start3A_273] : memref<1000000x64xf32, #tpu.memory_space<hbm>> -> memref<8x64xf32, #tpu.memory_space<hbm>>
    %dma_start3A_275 = arith.constant 104 : i32
    %dma_start3A_276 = arith.constant 0 : i32
    %dma_start3A_277 = tpu.memref_slice %arg6[%dma_start3A_268, %dma_start3A_275, %dma_start3A_276] : memref<4x128x64xf32, #tpu.memory_space<vmem>> -> memref<1x8x64xf32, #tpu.memory_space<vmem>>
    %dma_start3A_278 = tpu.memref_squeeze %dma_start3A_277 : memref<1x8x64xf32, #tpu.memory_space<vmem>> -> memref<8x64xf32, #tpu.memory_space<vmem>>
    %dma_start3A_279 = arith.constant 0 : i32
    %dma_start3A_280 = tpu.memref_slice %arg3[%multiple_of3A_267, %dma_start3A_279] : memref<1000000x64xf32, #tpu.memory_space<hbm>> -> memref<8x64xf32, #tpu.memory_space<hbm>>
    tpu.enqueue_dma source(%dma_start3A_280 : memref<8x64xf32, #tpu.memory_space<hbm>>) target(%dma_start3A_278 : memref<8x64xf32, #tpu.memory_space<vmem>>) target_semaphore(%arg8 : memref<!tpu.dma_semaphore, #tpu.memory_space<semaphore_mem>>)
    %slice3A_281 = vector.extract_strided_slice %get3A_6 {offsets = [14], sizes = [1], strides = [1]} : vector<16xi32> to vector<1xi32>
    %squeeze3A_282 = vector.extract %slice3A_281[0] : i32 from vector<1xi32>
    %shift_right_arithmetic3A_283 = arith.constant 3 : i32
    %shift_right_arithmetic3A_284 = arith.shrsi %squeeze3A_282, %shift_right_arithmetic3A_283 : i32
    %shift_left3A_285 = arith.constant 3 : i32
    %shift_left3A_286 = arith.shli %shift_right_arithmetic3A_284, %shift_left3A_285 : i32
    %multiple_of3A_287 = tpu.assume_multiple %shift_left3A_286, 8 : i32
    %dma_start3A_288 = arith.constant 0 : i32
    %dma_start3A_289 = arith.constant 112 : i32
    %dma_start3A_290 = arith.constant 0 : i32
    %dma_start3A_291 = tpu.memref_slice %arg6[%dma_start3A_288, %dma_start3A_289, %dma_start3A_290] : memref<4x128x64xf32, #tpu.memory_space<vmem>> -> memref<1x8x64xf32, #tpu.memory_space<vmem>>
    %dma_start3A_292 = tpu.memref_squeeze %dma_start3A_291 : memref<1x8x64xf32, #tpu.memory_space<vmem>> -> memref<8x64xf32, #tpu.memory_space<vmem>>
    %dma_start3A_293 = arith.constant 0 : i32
    %dma_start3A_294 = tpu.memref_slice %arg3[%multiple_of3A_287, %dma_start3A_293] : memref<1000000x64xf32, #tpu.memory_space<hbm>> -> memref<8x64xf32, #tpu.memory_space<hbm>>
    %dma_start3A_295 = arith.constant 112 : i32
    %dma_start3A_296 = arith.constant 0 : i32
    %dma_start3A_297 = tpu.memref_slice %arg6[%dma_start3A_288, %dma_start3A_295, %dma_start3A_296] : memref<4x128x64xf32, #tpu.memory_space<vmem>> -> memref<1x8x64xf32, #tpu.memory_space<vmem>>
    %dma_start3A_298 = tpu.memref_squeeze %dma_start3A_297 : memref<1x8x64xf32, #tpu.memory_space<vmem>> -> memref<8x64xf32, #tpu.memory_space<vmem>>
    %dma_start3A_299 = arith.constant 0 : i32
    %dma_start3A_300 = tpu.memref_slice %arg3[%multiple_of3A_287, %dma_start3A_299] : memref<1000000x64xf32, #tpu.memory_space<hbm>> -> memref<8x64xf32, #tpu.memory_space<hbm>>
    tpu.enqueue_dma source(%dma_start3A_300 : memref<8x64xf32, #tpu.memory_space<hbm>>) target(%dma_start3A_298 : memref<8x64xf32, #tpu.memory_space<vmem>>) target_semaphore(%arg8 : memref<!tpu.dma_semaphore, #tpu.memory_space<semaphore_mem>>)
    %slice3A_301 = vector.extract_strided_slice %get3A_6 {offsets = [15], sizes = [1], strides = [1]} : vector<16xi32> to vector<1xi32>
    %squeeze3A_302 = vector.extract %slice3A_301[0] : i32 from vector<1xi32>
    %shift_right_arithmetic3A_303 = arith.constant 3 : i32
    %shift_right_arithmetic3A_304 = arith.shrsi %squeeze3A_302, %shift_right_arithmetic3A_303 : i32
    %shift_left3A_305 = arith.constant 3 : i32
    %shift_left3A_306 = arith.shli %shift_right_arithmetic3A_304, %shift_left3A_305 : i32
    %multiple_of3A_307 = tpu.assume_multiple %shift_left3A_306, 8 : i32
    %dma_start3A_308 = arith.constant 0 : i32
    %dma_start3A_309 = arith.constant 120 : i32
    %dma_start3A_310 = arith.constant 0 : i32
    %dma_start3A_311 = tpu.memref_slice %arg6[%dma_start3A_308, %dma_start3A_309, %dma_start3A_310] : memref<4x128x64xf32, #tpu.memory_space<vmem>> -> memref<1x8x64xf32, #tpu.memory_space<vmem>>
    %dma_start3A_312 = tpu.memref_squeeze %dma_start3A_311 : memref<1x8x64xf32, #tpu.memory_space<vmem>> -> memref<8x64xf32, #tpu.memory_space<vmem>>
    %dma_start3A_313 = arith.constant 0 : i32
    %dma_start3A_314 = tpu.memref_slice %arg3[%multiple_of3A_307, %dma_start3A_313] : memref<1000000x64xf32, #tpu.memory_space<hbm>> -> memref<8x64xf32, #tpu.memory_space<hbm>>
    %dma_start3A_315 = arith.constant 120 : i32
    %dma_start3A_316 = arith.constant 0 : i32
    %dma_start3A_317 = tpu.memref_slice %arg6[%dma_start3A_308, %dma_start3A_315, %dma_start3A_316] : memref<4x128x64xf32, #tpu.memory_space<vmem>> -> memref<1x8x64xf32, #tpu.memory_space<vmem>>
    %dma_start3A_318 = tpu.memref_squeeze %dma_start3A_317 : memref<1x8x64xf32, #tpu.memory_space<vmem>> -> memref<8x64xf32, #tpu.memory_space<vmem>>
    %dma_start3A_319 = arith.constant 0 : i32
    %dma_start3A_320 = tpu.memref_slice %arg3[%multiple_of3A_307, %dma_start3A_319] : memref<1000000x64xf32, #tpu.memory_space<hbm>> -> memref<8x64xf32, #tpu.memory_space<hbm>>
    tpu.enqueue_dma source(%dma_start3A_320 : memref<8x64xf32, #tpu.memory_space<hbm>>) target(%dma_start3A_318 : memref<8x64xf32, #tpu.memory_space<vmem>>) target_semaphore(%arg8 : memref<!tpu.dma_semaphore, #tpu.memory_space<semaphore_mem>>)
    %get3A_321 = arith.constant 16 : index
    %get3A_322 = tpu.vector_load %arg5[%get3A_321] {strides = array<i32>} : memref<512xi32, #tpu.memory_space<vmem>>, vector<16xi32>,
    %slice3A_323 = vector.extract_strided_slice %get3A_322 {offsets = [0], sizes = [1], strides = [1]} : vector<16xi32> to vector<1xi32>
    %squeeze3A_324 = vector.extract %slice3A_323[0] : i32 from vector<1xi32>
    %shift_right_arithmetic3A_325 = arith.constant 3 : i32
    %shift_right_arithmetic3A_326 = arith.shrsi %squeeze3A_324, %shift_right_arithmetic3A_325 : i32
    %shift_left3A_327 = arith.constant 3 : i32
    %shift_left3A_328 = arith.shli %shift_right_arithmetic3A_326, %shift_left3A_327 : i32
    %multiple_of3A_329 = tpu.assume_multiple %shift_left3A_328, 8 : i32
    %dma_start3A_330 = arith.constant 1 : i32
    %dma_start3A_331 = arith.constant 0 : i32
    %dma_start3A_332 = arith.constant 0 : i32
    %dma_start3A_333 = tpu.memref_slice %arg6[%dma_start3A_330, %dma_start3A_331, %dma_start3A_332] : memref<4x128x64xf32, #tpu.memory_space<vmem>> -> memref<1x8x64xf32, #tpu.memory_space<vmem>>
    %dma_start3A_334 = tpu.memref_squeeze %dma_start3A_333 : memref<1x8x64xf32, #tpu.memory_space<vmem>> -> memref<8x64xf32, #tpu.memory_space<vmem>>
    %dma_start3A_335 = arith.constant 0 : i32
    %dma_start3A_336 = tpu.memref_slice %arg3[%multiple_of3A_329, %dma_start3A_335] : memref<1000000x64xf32, #tpu.memory_space<hbm>> -> memref<8x64xf32, #tpu.memory_space<hbm>>
    %dma_start3A_337 = arith.constant 0 : i32
    %dma_start3A_338 = arith.constant 0 : i32
    %dma_start3A_339 = tpu.memref_slice %arg6[%dma_start3A_330, %dma_start3A_337, %dma_start3A_338] : memref<4x128x64xf32, #tpu.memory_space<vmem>> -> memref<1x8x64xf32, #tpu.memory_space<vmem>>
    %dma_start3A_340 = tpu.memref_squeeze %dma_start3A_339 : memref<1x8x64xf32, #tpu.memory_space<vmem>> -> memref<8x64xf32, #tpu.memory_space<vmem>>
    %dma_start3A_341 = arith.constant 0 : i32
    %dma_start3A_342 = tpu.memref_slice %arg3[%multiple_of3A_329, %dma_start3A_341] : memref<1000000x64xf32, #tpu.memory_space<hbm>> -> memref<8x64xf32, #tpu.memory_space<hbm>>
    tpu.enqueue_dma source(%dma_start3A_342 : memref<8x64xf32, #tpu.memory_space<hbm>>) target(%dma_start3A_340 : memref<8x64xf32, #tpu.memory_space<vmem>>) target_semaphore(%arg8 : memref<!tpu.dma_semaphore, #tpu.memory_space<semaphore_mem>>)
    %slice3A_343 = vector.extract_strided_slice %get3A_322 {offsets = [1], sizes = [1], strides = [1]} : vector<16xi32> to vector<1xi32>
    %squeeze3A_344 = vector.extract %slice3A_343[0] : i32 from vector<1xi32>
    %shift_right_arithmetic3A_345 = arith.constant 3 : i32
    %shift_right_arithmetic3A_346 = arith.shrsi %squeeze3A_344, %shift_right_arithmetic3A_345 : i32
    %shift_left3A_347 = arith.constant 3 : i32
    %shift_left3A_348 = arith.shli %shift_right_arithmetic3A_346, %shift_left3A_347 : i32
    %multiple_of3A_349 = tpu.assume_multiple %shift_left3A_348, 8 : i32
    %dma_start3A_350 = arith.constant 1 : i32
    %dma_start3A_351 = arith.constant 8 : i32
    %dma_start3A_352 = arith.constant 0 : i32
    %dma_start3A_353 = tpu.memref_slice %arg6[%dma_start3A_350, %dma_start3A_351, %dma_start3A_352] : memref<4x128x64xf32, #tpu.memory_space<vmem>> -> memref<1x8x64xf32, #tpu.memory_space<vmem>>
    %dma_start3A_354 = tpu.memref_squeeze %dma_start3A_353 : memref<1x8x64xf32, #tpu.memory_space<vmem>> -> memref<8x64xf32, #tpu.memory_space<vmem>>
    %dma_start3A_355 = arith.constant 0 : i32
    %dma_start3A_356 = tpu.memref_slice %arg3[%multiple_of3A_349, %dma_start3A_355] : memref<1000000x64xf32, #tpu.memory_space<hbm>> -> memref<8x64xf32, #tpu.memory_space<hbm>>
    %dma_start3A_357 = arith.constant 8 : i32
    %dma_start3A_358 = arith.constant 0 : i32
    %dma_start3A_359 = tpu.memref_slice %arg6[%dma_start3A_350, %dma_start3A_357, %dma_start3A_358] : memref<4x128x64xf32, #tpu.memory_space<vmem>> -> memref<1x8x64xf32, #tpu.memory_space<vmem>>
    %dma_start3A_360 = tpu.memref_squeeze %dma_start3A_359 : memref<1x8x64xf32, #tpu.memory_space<vmem>> -> memref<8x64xf32, #tpu.memory_space<vmem>>
    %dma_start3A_361 = arith.constant 0 : i32
    %dma_start3A_362 = tpu.memref_slice %arg3[%multiple_of3A_349, %dma_start3A_361] : memref<1000000x64xf32, #tpu.memory_space<hbm>> -> memref<8x64xf32, #tpu.memory_space<hbm>>
    tpu.enqueue_dma source(%dma_start3A_362 : memref<8x64xf32, #tpu.memory_space<hbm>>) target(%dma_start3A_360 : memref<8x64xf32, #tpu.memory_space<vmem>>) target_semaphore(%arg8 : memref<!tpu.dma_semaphore, #tpu.memory_space<semaphore_mem>>)
    %slice3A_363 = vector.extract_strided_slice %get3A_322 {offsets = [2], sizes = [1], strides = [1]} : vector<16xi32> to vector<1xi32>
    %squeeze3A_364 = vector.extract %slice3A_363[0] : i32 from vector<1xi32>
    %shift_right_arithmetic3A_365 = arith.constant 3 : i32
    %shift_right_arithmetic3A_366 = arith.shrsi %squeeze3A_364, %shift_right_arithmetic3A_365 : i32
    %shift_left3A_367 = arith.constant 3 : i32
    %shift_left3A_368 = arith.shli %shift_right_arithmetic3A_366, %shift_left3A_367 : i32
    %multiple_of3A_369 = tpu.assume_multiple %shift_left3A_368, 8 : i32
    %dma_start3A_370 = arith.constant 1 : i32
    %dma_start3A_371 = arith.constant 16 : i32
    %dma_start3A_372 = arith.constant 0 : i32
    %dma_start3A_373 = tpu.memref_slice %arg6[%dma_start3A_370, %dma_start3A_371, %dma_start3A_372] : memref<4x128x64xf32, #tpu.memory_space<vmem>> -> memref<1x8x64xf32, #tpu.memory_space<vmem>>
    %dma_start3A_374 = tpu.memref_squeeze %dma_start3A_373 : memref<1x8x64xf32, #tpu.memory_space<vmem>> -> memref<8x64xf32, #tpu.memory_space<vmem>>
    %dma_start3A_375 = arith.constant 0 : i32
    %dma_start3A_376 = tpu.memref_slice %arg3[%multiple_of3A_369, %dma_start3A_375] : memref<1000000x64xf32, #tpu.memory_space<hbm>> -> memref<8x64xf32, #tpu.memory_space<hbm>>
    %dma_start3A_377 = arith.constant 16 : i32
    %dma_start3A_378 = arith.constant 0 : i32
    %dma_start3A_379 = tpu.memref_slice %arg6[%dma_start3A_370, %dma_start3A_377, %dma_start3A_378] : memref<4x128x64xf32, #tpu.memory_space<vmem>> -> memref<1x8x64xf32, #tpu.memory_space<vmem>>
    %dma_start3A_380 = tpu.memref_squeeze %dma_start3A_379 : memref<1x8x64xf32, #tpu.memory_space<vmem>> -> memref<8x64xf32, #tpu.memory_space<vmem>>
    %dma_start3A_381 = arith.constant 0 : i32
    %dma_start3A_382 = tpu.memref_slice %arg3[%multiple_of3A_369, %dma_start3A_381] : memref<1000000x64xf32, #tpu.memory_space<hbm>> -> memref<8x64xf32, #tpu.memory_space<hbm>>
    tpu.enqueue_dma source(%dma_start3A_382 : memref<8x64xf32, #tpu.memory_space<hbm>>) target(%dma_start3A_380 : memref<8x64xf32, #tpu.memory_space<vmem>>) target_semaphore(%arg8 : memref<!tpu.dma_semaphore, #tpu.memory_space<semaphore_mem>>)
    %slice3A_383 = vector.extract_strided_slice %get3A_322 {offsets = [3], sizes = [1], strides = [1]} : vector<16xi32> to vector<1xi32>
    %squeeze3A_384 = vector.extract %slice3A_383[0] : i32 from vector<1xi32>
    %shift_right_arithmetic3A_385 = arith.constant 3 : i32
    %shift_right_arithmetic3A_386 = arith.shrsi %squeeze3A_384, %shift_right_arithmetic3A_385 : i32
    %shift_left3A_387 = arith.constant 3 : i32
    %shift_left3A_388 = arith.shli %shift_right_arithmetic3A_386, %shift_left3A_387 : i32
    %multiple_of3A_389 = tpu.assume_multiple %shift_left3A_388, 8 : i32
    %dma_start3A_390 = arith.constant 1 : i32
    %dma_start3A_391 = arith.constant 24 : i32
    %dma_start3A_392 = arith.constant 0 : i32
    %dma_start3A_393 = tpu.memref_slice %arg6[%dma_start3A_390, %dma_start3A_391, %dma_start3A_392] : memref<4x128x64xf32, #tpu.memory_space<vmem>> -> memref<1x8x64xf32, #tpu.memory_space<vmem>>
    %dma_start3A_394 = tpu.memref_squeeze %dma_start3A_393 : memref<1x8x64xf32, #tpu.memory_space<vmem>> -> memref<8x64xf32, #tpu.memory_space<vmem>>
    %dma_start3A_395 = arith.constant 0 : i32
    %dma_start3A_396 = tpu.memref_slice %arg3[%multiple_of3A_389, %dma_start3A_395] : memref<1000000x64xf32, #tpu.memory_space<hbm>> -> memref<8x64xf32, #tpu.memory_space<hbm>>
    %dma_start3A_397 = arith.constant 24 : i32
    %dma_start3A_398 = arith.constant 0 : i32
    %dma_start3A_399 = tpu.memref_slice %arg6[%dma_start3A_390, %dma_start3A_397, %dma_start3A_398] : memref<4x128x64xf32, #tpu.memory_space<vmem>> -> memref<1x8x64xf32, #tpu.memory_space<vmem>>
    %dma_start3A_400 = tpu.memref_squeeze %dma_start3A_399 : memref<1x8x64xf32, #tpu.memory_space<vmem>> -> memref<8x64xf32, #tpu.memory_space<vmem>>
    %dma_start3A_401 = arith.constant 0 : i32
    %dma_start3A_402 = tpu.memref_slice %arg3[%multiple_of3A_389, %dma_start3A_401] : memref<1000000x64xf32, #tpu.memory_space<hbm>> -> memref<8x64xf32, #tpu.memory_space<hbm>>
    tpu.enqueue_dma source(%dma_start3A_402 : memref<8x64xf32, #tpu.memory_space<hbm>>) target(%dma_start3A_400 : memref<8x64xf32, #tpu.memory_space<vmem>>) target_semaphore(%arg8 : memref<!tpu.dma_semaphore, #tpu.memory_space<semaphore_mem>>)
    %slice3A_403 = vector.extract_strided_slice %get3A_322 {offsets = [4], sizes = [1], strides = [1]} : vector<16xi32> to vector<1xi32>
    %squeeze3A_404 = vector.extract %slice3A_403[0] : i32 from vector<1xi32>
    %shift_right_arithmetic3A_405 = arith.constant 3 : i32
    %shift_right_arithmetic3A_406 = arith.shrsi %squeeze3A_404, %shift_right_arithmetic3A_405 : i32
    %shift_left3A_407 = arith.constant 3 : i32
    %shift_left3A_408 = arith.shli %shift_right_arithmetic3A_406, %shift_left3A_407 : i32
    %multiple_of3A_409 = tpu.assume_multiple %shift_left3A_408, 8 : i32
    %dma_start3A_410 = arith.constant 1 : i32
    %dma_start3A_411 = arith.constant 32 : i32
    %dma_start3A_412 = arith.constant 0 : i32
    %dma_start3A_413 = tpu.memref_slice %arg6[%dma_start3A_410, %dma_start3A_411, %dma_start3A_412] : memref<4x128x64xf32, #tpu.memory_space<vmem>> -> memref<1x8x64xf32, #tpu.memory_space<vmem>>
    %dma_start3A_414 = tpu.memref_squeeze %dma_start3A_413 : memref<1x8x64xf32, #tpu.memory_space<vmem>> -> memref<8x64xf32, #tpu.memory_space<vmem>>
    %dma_start3A_415 = arith.constant 0 : i32
    %dma_start3A_416 = tpu.memref_slice %arg3[%multiple_of3A_409, %dma_start3A_415] : memref<1000000x64xf32, #tpu.memory_space<hbm>> -> memref<8x64xf32, #tpu.memory_space<hbm>>
    %dma_start3A_417 = arith.constant 32 : i32
    %dma_start3A_418 = arith.constant 0 : i32
    %dma_start3A_419 = tpu.memref_slice %arg6[%dma_start3A_410, %dma_start3A_417, %dma_start3A_418] : memref<4x128x64xf32, #tpu.memory_space<vmem>> -> memref<1x8x64xf32, #tpu.memory_space<vmem>>
    %dma_start3A_420 = tpu.memref_squeeze %dma_start3A_419 : memref<1x8x64xf32, #tpu.memory_space<vmem>> -> memref<8x64xf32, #tpu.memory_space<vmem>>
    %dma_start3A_421 = arith.constant 0 : i32
    %dma_start3A_422 = tpu.memref_slice %arg3[%multiple_of3A_409, %dma_start3A_421] : memref<1000000x64xf32, #tpu.memory_space<hbm>> -> memref<8x64xf32, #tpu.memory_space<hbm>>
    tpu.enqueue_dma source(%dma_start3A_422 : memref<8x64xf32, #tpu.memory_space<hbm>>) target(%dma_start3A_420 : memref<8x64xf32, #tpu.memory_space<vmem>>) target_semaphore(%arg8 : memref<!tpu.dma_semaphore, #tpu.memory_space<semaphore_mem>>)
    %slice3A_423 = vector.extract_strided_slice %get3A_322 {offsets = [5], sizes = [1], strides = [1]} : vector<16xi32> to vector<1xi32>
    %squeeze3A_424 = vector.extract %slice3A_423[0] : i32 from vector<1xi32>
    %shift_right_arithmetic3A_425 = arith.constant 3 : i32
    %shift_right_arithmetic3A_426 = arith.shrsi %squeeze3A_424, %shift_right_arithmetic3A_425 : i32
    %shift_left3A_427 = arith.constant 3 : i32
    %shift_left3A_428 = arith.shli %shift_right_arithmetic3A_426, %shift_left3A_427 : i32
    %multiple_of3A_429 = tpu.assume_multiple %shift_left3A_428, 8 : i32
    %dma_start3A_430 = arith.constant 1 : i32
    %dma_start3A_431 = arith.constant 40 : i32
    %dma_start3A_432 = arith.constant 0 : i32
    %dma_start3A_433 = tpu.memref_slice %arg6[%dma_start3A_430, %dma_start3A_431, %dma_start3A_432] : memref<4x128x64xf32, #tpu.memory_space<vmem>> -> memref<1x8x64xf32, #tpu.memory_space<vmem>>
    %dma_start3A_434 = tpu.memref_squeeze %dma_start3A_433 : memref<1x8x64xf32, #tpu.memory_space<vmem>> -> memref<8x64xf32, #tpu.memory_space<vmem>>
    %dma_start3A_435 = arith.constant 0 : i32
    %dma_start3A_436 = tpu.memref_slice %arg3[%multiple_of3A_429, %dma_start3A_435] : memref<1000000x64xf32, #tpu.memory_space<hbm>> -> memref<8x64xf32, #tpu.memory_space<hbm>>
    %dma_start3A_437 = arith.constant 40 : i32
    %dma_start3A_438 = arith.constant 0 : i32
    %dma_start3A_439 = tpu.memref_slice %arg6[%dma_start3A_430, %dma_start3A_437, %dma_start3A_438] : memref<4x128x64xf32, #tpu.memory_space<vmem>> -> memref<1x8x64xf32, #tpu.memory_space<vmem>>
    %dma_start3A_440 = tpu.memref_squeeze %dma_start3A_439 : memref<1x8x64xf32, #tpu.memory_space<vmem>> -> memref<8x64xf32, #tpu.memory_space<vmem>>
    %dma_start3A_441 = arith.constant 0 : i32
    %dma_start3A_442 = tpu.memref_slice %arg3[%multiple_of3A_429, %dma_start3A_441] : memref<1000000x64xf32, #tpu.memory_space<hbm>> -> memref<8x64xf32, #tpu.memory_space<hbm>>
    tpu.enqueue_dma source(%dma_start3A_442 : memref<8x64xf32, #tpu.memory_space<hbm>>) target(%dma_start3A_440 : memref<8x64xf32, #tpu.memory_space<vmem>>) target_semaphore(%arg8 : memref<!tpu.dma_semaphore, #tpu.memory_space<semaphore_mem>>)
    %slice3A_443 = vector.extract_strided_slice %get3A_322 {offsets = [6], sizes = [1], strides = [1]} : vector<16xi32> to vector<1xi32>
    %squeeze3A_444 = vector.extract %slice3A_443[0] : i32 from vector<1xi32>
    %shift_right_arithmetic3A_445 = arith.constant 3 : i32
    %shift_right_arithmetic3A_446 = arith.shrsi %squeeze3A_444, %shift_right_arithmetic3A_445 : i32
    %shift_left3A_447 = arith.constant 3 : i32
    %shift_left3A_448 = arith.shli %shift_right_arithmetic3A_446, %shift_left3A_447 : i32
    %multiple_of3A_449 = tpu.assume_multiple %shift_left3A_448, 8 : i32
    %dma_start3A_450 = arith.constant 1 : i32
    %dma_start3A_451 = arith.constant 48 : i32
    %dma_start3A_452 = arith.constant 0 : i32
    %dma_start3A_453 = tpu.memref_slice %arg6[%dma_start3A_450, %dma_start3A_451, %dma_start3A_452] : memref<4x128x64xf32, #tpu.memory_space<vmem>> -> memref<1x8x64xf32, #tpu.memory_space<vmem>>
    %dma_start3A_454 = tpu.memref_squeeze %dma_start3A_453 : memref<1x8x64xf32, #tpu.memory_space<vmem>> -> memref<8x64xf32, #tpu.memory_space<vmem>>
    %dma_start3A_455 = arith.constant 0 : i32
    %dma_start3A_456 = tpu.memref_slice %arg3[%multiple_of3A_449, %dma_start3A_455] : memref<1000000x64xf32, #tpu.memory_space<hbm>> -> memref<8x64xf32, #tpu.memory_space<hbm>>
    %dma_start3A_457 = arith.constant 48 : i32
    %dma_start3A_458 = arith.constant 0 : i32
    %dma_start3A_459 = tpu.memref_slice %arg6[%dma_start3A_450, %dma_start3A_457, %dma_start3A_458] : memref<4x128x64xf32, #tpu.memory_space<vmem>> -> memref<1x8x64xf32, #tpu.memory_space<vmem>>
    %dma_start3A_460 = tpu.memref_squeeze %dma_start3A_459 : memref<1x8x64xf32, #tpu.memory_space<vmem>> -> memref<8x64xf32, #tpu.memory_space<vmem>>
    %dma_start3A_461 = arith.constant 0 : i32
    %dma_start3A_462 = tpu.memref_slice %arg3[%multiple_of3A_449, %dma_start3A_461] : memref<1000000x64xf32, #tpu.memory_space<hbm>> -> memref<8x64xf32, #tpu.memory_space<hbm>>
    tpu.enqueue_dma source(%dma_start3A_462 : memref<8x64xf32, #tpu.memory_space<hbm>>) target(%dma_start3A_460 : memref<8x64xf32, #tpu.memory_space<vmem>>) target_semaphore(%arg8 : memref<!tpu.dma_semaphore, #tpu.memory_space<semaphore_mem>>)
    %slice3A_463 = vector.extract_strided_slice %get3A_322 {offsets = [7], sizes = [1], strides = [1]} : vector<16xi32> to vector<1xi32>
    %squeeze3A_464 = vector.extract %slice3A_463[0] : i32 from vector<1xi32>
    %shift_right_arithmetic3A_465 = arith.constant 3 : i32
    %shift_right_arithmetic3A_466 = arith.shrsi %squeeze3A_464, %shift_right_arithmetic3A_465 : i32
    %shift_left3A_467 = arith.constant 3 : i32
    %shift_left3A_468 = arith.shli %shift_right_arithmetic3A_466, %shift_left3A_467 : i32
    %multiple_of3A_469 = tpu.assume_multiple %shift_left3A_468, 8 : i32
    %dma_start3A_470 = arith.constant 1 : i32
    %dma_start3A_471 = arith.constant 56 : i32
    %dma_start3A_472 = arith.constant 0 : i32
    %dma_start3A_473 = tpu.memref_slice %arg6[%dma_start3A_470, %dma_start3A_471, %dma_start3A_472] : memref<4x128x64xf32, #tpu.memory_space<vmem>> -> memref<1x8x64xf32, #tpu.memory_space<vmem>>
    %dma_start3A_474 = tpu.memref_squeeze %dma_start3A_473 : memref<1x8x64xf32, #tpu.memory_space<vmem>> -> memref<8x64xf32, #tpu.memory_space<vmem>>
    %dma_start3A_475 = arith.constant 0 : i32
    %dma_start3A_476 = tpu.memref_slice %arg3[%multiple_of3A_469, %dma_start3A_475] : memref<1000000x64xf32, #tpu.memory_space<hbm>> -> memref<8x64xf32, #tpu.memory_space<hbm>>
    %dma_start3A_477 = arith.constant 56 : i32
    %dma_start3A_478 = arith.constant 0 : i32
    %dma_start3A_479 = tpu.memref_slice %arg6[%dma_start3A_470, %dma_start3A_477, %dma_start3A_478] : memref<4x128x64xf32, #tpu.memory_space<vmem>> -> memref<1x8x64xf32, #tpu.memory_space<vmem>>
    %dma_start3A_480 = tpu.memref_squeeze %dma_start3A_479 : memref<1x8x64xf32, #tpu.memory_space<vmem>> -> memref<8x64xf32, #tpu.memory_space<vmem>>
    %dma_start3A_481 = arith.constant 0 : i32
    %dma_start3A_482 = tpu.memref_slice %arg3[%multiple_of3A_469, %dma_start3A_481] : memref<1000000x64xf32, #tpu.memory_space<hbm>> -> memref<8x64xf32, #tpu.memory_space<hbm>>
    tpu.enqueue_dma source(%dma_start3A_482 : memref<8x64xf32, #tpu.memory_space<hbm>>) target(%dma_start3A_480 : memref<8x64xf32, #tpu.memory_space<vmem>>) target_semaphore(%arg8 : memref<!tpu.dma_semaphore, #tpu.memory_space<semaphore_mem>>)
    %slice3A_483 = vector.extract_strided_slice %get3A_322 {offsets = [8], sizes = [1], strides = [1]} : vector<16xi32> to vector<1xi32>
    %squeeze3A_484 = vector.extract %slice3A_483[0] : i32 from vector<1xi32>
    %shift_right_arithmetic3A_485 = arith.constant 3 : i32
    %shift_right_arithmetic3A_486 = arith.shrsi %squeeze3A_484, %shift_right_arithmetic3A_485 : i32
    %shift_left3A_487 = arith.constant 3 : i32
    %shift_left3A_488 = arith.shli %shift_right_arithmetic3A_486, %shift_left3A_487 : i32
    %multiple_of3A_489 = tpu.assume_multiple %shift_left3A_488, 8 : i32
    %dma_start3A_490 = arith.constant 1 : i32
    %dma_start3A_491 = arith.constant 64 : i32
    %dma_start3A_492 = arith.constant 0 : i32
    %dma_start3A_493 = tpu.memref_slice %arg6[%dma_start3A_490, %dma_start3A_491, %dma_start3A_492] : memref<4x128x64xf32, #tpu.memory_space<vmem>> -> memref<1x8x64xf32, #tpu.memory_space<vmem>>
    %dma_start3A_494 = tpu.memref_squeeze %dma_start3A_493 : memref<1x8x64xf32, #tpu.memory_space<vmem>> -> memref<8x64xf32, #tpu.memory_space<vmem>>
    %dma_start3A_495 = arith.constant 0 : i32
    %dma_start3A_496 = tpu.memref_slice %arg3[%multiple_of3A_489, %dma_start3A_495] : memref<1000000x64xf32, #tpu.memory_space<hbm>> -> memref<8x64xf32, #tpu.memory_space<hbm>>
    %dma_start3A_497 = arith.constant 64 : i32
    %dma_start3A_498 = arith.constant 0 : i32
    %dma_start3A_499 = tpu.memref_slice %arg6[%dma_start3A_490, %dma_start3A_497, %dma_start3A_498] : memref<4x128x64xf32, #tpu.memory_space<vmem>> -> memref<1x8x64xf32, #tpu.memory_space<vmem>>
    %dma_start3A_500 = tpu.memref_squeeze %dma_start3A_499 : memref<1x8x64xf32, #tpu.memory_space<vmem>> -> memref<8x64xf32, #tpu.memory_space<vmem>>
    %dma_start3A_501 = arith.constant 0 : i32
    %dma_start3A_502 = tpu.memref_slice %arg3[%multiple_of3A_489, %dma_start3A_501] : memref<1000000x64xf32, #tpu.memory_space<hbm>> -> memref<8x64xf32, #tpu.memory_space<hbm>>
    tpu.enqueue_dma source(%dma_start3A_502 : memref<8x64xf32, #tpu.memory_space<hbm>>) target(%dma_start3A_500 : memref<8x64xf32, #tpu.memory_space<vmem>>) target_semaphore(%arg8 : memref<!tpu.dma_semaphore, #tpu.memory_space<semaphore_mem>>)
    %slice3A_503 = vector.extract_strided_slice %get3A_322 {offsets = [9], sizes = [1], strides = [1]} : vector<16xi32> to vector<1xi32>
    %squeeze3A_504 = vector.extract %slice3A_503[0] : i32 from vector<1xi32>
    %shift_right_arithmetic3A_505 = arith.constant 3 : i32
    %shift_right_arithmetic3A_506 = arith.shrsi %squeeze3A_504, %shift_right_arithmetic3A_505 : i32
    %shift_left3A_507 = arith.constant 3 : i32
    %shift_left3A_508 = arith.shli %shift_right_arithmetic3A_506, %shift_left3A_507 : i32
    %multiple_of3A_509 = tpu.assume_multiple %shift_left3A_508, 8 : i32
    %dma_start3A_510 = arith.constant 1 : i32
    %dma_start3A_511 = arith.constant 72 : i32
    %dma_start3A_512 = arith.constant 0 : i32
    %dma_start3A_513 = tpu.memref_slice %arg6[%dma_start3A_510, %dma_start3A_511, %dma_start3A_512] : memref<4x128x64xf32, #tpu.memory_space<vmem>> -> memref<1x8x64xf32, #tpu.memory_space<vmem>>
    %dma_start3A_514 = tpu.memref_squeeze %dma_start3A_513 : memref<1x8x64xf32, #tpu.memory_space<vmem>> -> memref<8x64xf32, #tpu.memory_space<vmem>>
    %dma_start3A_515 = arith.constant 0 : i32
    %dma_start3A_516 = tpu.memref_slice %arg3[%multiple_of3A_509, %dma_start3A_515] : memref<1000000x64xf32, #tpu.memory_space<hbm>> -> memref<8x64xf32, #tpu.memory_space<hbm>>
    %dma_start3A_517 = arith.constant 72 : i32
    %dma_start3A_518 = arith.constant 0 : i32
    %dma_start3A_519 = tpu.memref_slice %arg6[%dma_start3A_510, %dma_start3A_517, %dma_start3A_518] : memref<4x128x64xf32, #tpu.memory_space<vmem>> -> memref<1x8x64xf32, #tpu.memory_space<vmem>>
    %dma_start3A_520 = tpu.memref_squeeze %dma_start3A_519 : memref<1x8x64xf32, #tpu.memory_space<vmem>> -> memref<8x64xf32, #tpu.memory_space<vmem>>
    %dma_start3A_521 = arith.constant 0 : i32
    %dma_start3A_522 = tpu.memref_slice %arg3[%multiple_of3A_509, %dma_start3A_521] : memref<1000000x64xf32, #tpu.memory_space<hbm>> -> memref<8x64xf32, #tpu.memory_space<hbm>>
    tpu.enqueue_dma source(%dma_start3A_522 : memref<8x64xf32, #tpu.memory_space<hbm>>) target(%dma_start3A_520 : memref<8x64xf32, #tpu.memory_space<vmem>>) target_semaphore(%arg8 : memref<!tpu.dma_semaphore, #tpu.memory_space<semaphore_mem>>)
    %slice3A_523 = vector.extract_strided_slice %get3A_322 {offsets = [10], sizes = [1], strides = [1]} : vector<16xi32> to vector<1xi32>
    %squeeze3A_524 = vector.extract %slice3A_523[0] : i32 from vector<1xi32>
    %shift_right_arithmetic3A_525 = arith.constant 3 : i32
    %shift_right_arithmetic3A_526 = arith.shrsi %squeeze3A_524, %shift_right_arithmetic3A_525 : i32
    %shift_left3A_527 = arith.constant 3 : i32
    %shift_left3A_528 = arith.shli %shift_right_arithmetic3A_526, %shift_left3A_527 : i32
    %multiple_of3A_529 = tpu.assume_multiple %shift_left3A_528, 8 : i32
    %dma_start3A_530 = arith.constant 1 : i32
    %dma_start3A_531 = arith.constant 80 : i32
    %dma_start3A_532 = arith.constant 0 : i32
    %dma_start3A_533 = tpu.memref_slice %arg6[%dma_start3A_530, %dma_start3A_531, %dma_start3A_532] : memref<4x128x64xf32, #tpu.memory_space<vmem>> -> memref<1x8x64xf32, #tpu.memory_space<vmem>>
    %dma_start3A_534 = tpu.memref_squeeze %dma_start3A_533 : memref<1x8x64xf32, #tpu.memory_space<vmem>> -> memref<8x64xf32, #tpu.memory_space<vmem>>
    %dma_start3A_535 = arith.constant 0 : i32
    %dma_start3A_536 = tpu.memref_slice %arg3[%multiple_of3A_529, %dma_start3A_535] : memref<1000000x64xf32, #tpu.memory_space<hbm>> -> memref<8x64xf32, #tpu.memory_space<hbm>>
    %dma_start3A_537 = arith.constant 80 : i32
    %dma_start3A_538 = arith.constant 0 : i32
    %dma_start3A_539 = tpu.memref_slice %arg6[%dma_start3A_530, %dma_start3A_537, %dma_start3A_538] : memref<4x128x64xf32, #tpu.memory_space<vmem>> -> memref<1x8x64xf32, #tpu.memory_space<vmem>>
    %dma_start3A_540 = tpu.memref_squeeze %dma_start3A_539 : memref<1x8x64xf32, #tpu.memory_space<vmem>> -> memref<8x64xf32, #tpu.memory_space<vmem>>
    %dma_start3A_541 = arith.constant 0 : i32
    %dma_start3A_542 = tpu.memref_slice %arg3[%multiple_of3A_529, %dma_start3A_541] : memref<1000000x64xf32, #tpu.memory_space<hbm>> -> memref<8x64xf32, #tpu.memory_space<hbm>>
    tpu.enqueue_dma source(%dma_start3A_542 : memref<8x64xf32, #tpu.memory_space<hbm>>) target(%dma_start3A_540 : memref<8x64xf32, #tpu.memory_space<vmem>>) target_semaphore(%arg8 : memref<!tpu.dma_semaphore, #tpu.memory_space<semaphore_mem>>)
    %slice3A_543 = vector.extract_strided_slice %get3A_322 {offsets = [11], sizes = [1], strides = [1]} : vector<16xi32> to vector<1xi32>
    %squeeze3A_544 = vector.extract %slice3A_543[0] : i32 from vector<1xi32>
    %shift_right_arithmetic3A_545 = arith.constant 3 : i32
    %shift_right_arithmetic3A_546 = arith.shrsi %squeeze3A_544, %shift_right_arithmetic3A_545 : i32
    %shift_left3A_547 = arith.constant 3 : i32
    %shift_left3A_548 = arith.shli %shift_right_arithmetic3A_546, %shift_left3A_547 : i32
    %multiple_of3A_549 = tpu.assume_multiple %shift_left3A_548, 8 : i32
    %dma_start3A_550 = arith.constant 1 : i32
    %dma_start3A_551 = arith.constant 88 : i32
    %dma_start3A_552 = arith.constant 0 : i32
    %dma_start3A_553 = tpu.memref_slice %arg6[%dma_start3A_550, %dma_start3A_551, %dma_start3A_552] : memref<4x128x64xf32, #tpu.memory_space<vmem>> -> memref<1x8x64xf32, #tpu.memory_space<vmem>>
    %dma_start3A_554 = tpu.memref_squeeze %dma_start3A_553 : memref<1x8x64xf32, #tpu.memory_space<vmem>> -> memref<8x64xf32, #tpu.memory_space<vmem>>
    %dma_start3A_555 = arith.constant 0 : i32
    %dma_start3A_556 = tpu.memref_slice %arg3[%multiple_of3A_549, %dma_start3A_555] : memref<1000000x64xf32, #tpu.memory_space<hbm>> -> memref<8x64xf32, #tpu.memory_space<hbm>>
    %dma_start3A_557 = arith.constant 88 : i32
    %dma_start3A_558 = arith.constant 0 : i32
    %dma_start3A_559 = tpu.memref_slice %arg6[%dma_start3A_550, %dma_start3A_557, %dma_start3A_558] : memref<4x128x64xf32, #tpu.memory_space<vmem>> -> memref<1x8x64xf32, #tpu.memory_space<vmem>>
    %dma_start3A_560 = tpu.memref_squeeze %dma_start3A_559 : memref<1x8x64xf32, #tpu.memory_space<vmem>> -> memref<8x64xf32, #tpu.memory_space<vmem>>
    %dma_start3A_561 = arith.constant 0 : i32
    %dma_start3A_562 = tpu.memref_slice %arg3[%multiple_of3A_549, %dma_start3A_561] : memref<1000000x64xf32, #tpu.memory_space<hbm>> -> memref<8x64xf32, #tpu.memory_space<hbm>>
    tpu.enqueue_dma source(%dma_start3A_562 : memref<8x64xf32, #tpu.memory_space<hbm>>) target(%dma_start3A_560 : memref<8x64xf32, #tpu.memory_space<vmem>>) target_semaphore(%arg8 : memref<!tpu.dma_semaphore, #tpu.memory_space<semaphore_mem>>)
    %slice3A_563 = vector.extract_strided_slice %get3A_322 {offsets = [12], sizes = [1], strides = [1]} : vector<16xi32> to vector<1xi32>
    %squeeze3A_564 = vector.extract %slice3A_563[0] : i32 from vector<1xi32>
    %shift_right_arithmetic3A_565 = arith.constant 3 : i32
    %shift_right_arithmetic3A_566 = arith.shrsi %squeeze3A_564, %shift_right_arithmetic3A_565 : i32
    %shift_left3A_567 = arith.constant 3 : i32
    %shift_left3A_568 = arith.shli %shift_right_arithmetic3A_566, %shift_left3A_567 : i32
    %multiple_of3A_569 = tpu.assume_multiple %shift_left3A_568, 8 : i32
    %dma_start3A_570 = arith.constant 1 : i32
    %dma_start3A_571 = arith.constant 96 : i32
    %dma_start3A_572 = arith.constant 0 : i32
    %dma_start3A_573 = tpu.memref_slice %arg6[%dma_start3A_570, %dma_start3A_571, %dma_start3A_572] : memref<4x128x64xf32, #tpu.memory_space<vmem>> -> memref<1x8x64xf32, #tpu.memory_space<vmem>>
    %dma_start3A_574 = tpu.memref_squeeze %dma_start3A_573 : memref<1x8x64xf32, #tpu.memory_space<vmem>> -> memref<8x64xf32, #tpu.memory_space<vmem>>
    %dma_start3A_575 = arith.constant 0 : i32
    %dma_start3A_576 = tpu.memref_slice %arg3[%multiple_of3A_569, %dma_start3A_575] : memref<1000000x64xf32, #tpu.memory_space<hbm>> -> memref<8x64xf32, #tpu.memory_space<hbm>>
    %dma_start3A_577 = arith.constant 96 : i32
    %dma_start3A_578 = arith.constant 0 : i32
    %dma_start3A_579 = tpu.memref_slice %arg6[%dma_start3A_570, %dma_start3A_577, %dma_start3A_578] : memref<4x128x64xf32, #tpu.memory_space<vmem>> -> memref<1x8x64xf32, #tpu.memory_space<vmem>>
    %dma_start3A_580 = tpu.memref_squeeze %dma_start3A_579 : memref<1x8x64xf32, #tpu.memory_space<vmem>> -> memref<8x64xf32, #tpu.memory_space<vmem>>
    %dma_start3A_581 = arith.constant 0 : i32
    %dma_start3A_582 = tpu.memref_slice %arg3[%multiple_of3A_569, %dma_start3A_581] : memref<1000000x64xf32, #tpu.memory_space<hbm>> -> memref<8x64xf32, #tpu.memory_space<hbm>>
    tpu.enqueue_dma source(%dma_start3A_582 : memref<8x64xf32, #tpu.memory_space<hbm>>) target(%dma_start3A_580 : memref<8x64xf32, #tpu.memory_space<vmem>>) target_semaphore(%arg8 : memref<!tpu.dma_semaphore, #tpu.memory_space<semaphore_mem>>)
    %slice3A_583 = vector.extract_strided_slice %get3A_322 {offsets = [13], sizes = [1], strides = [1]} : vector<16xi32> to vector<1xi32>
    %squeeze3A_584 = vector.extract %slice3A_583[0] : i32 from vector<1xi32>
    %shift_right_arithmetic3A_585 = arith.constant 3 : i32
    %shift_right_arithmetic3A_586 = arith.shrsi %squeeze3A_584, %shift_right_arithmetic3A_585 : i32
    %shift_left3A_587 = arith.constant 3 : i32
    %shift_left3A_588 = arith.shli %shift_right_arithmetic3A_586, %shift_left3A_587 : i32
    %multiple_of3A_589 = tpu.assume_multiple %shift_left3A_588, 8 : i32
    %dma_start3A_590 = arith.constant 1 : i32
    %dma_start3A_591 = arith.constant 104 : i32
    %dma_start3A_592 = arith.constant 0 : i32
    %dma_start3A_593 = tpu.memref_slice %arg6[%dma_start3A_590, %dma_start3A_591, %dma_start3A_592] : memref<4x128x64xf32, #tpu.memory_space<vmem>> -> memref<1x8x64xf32, #tpu.memory_space<vmem>>
    %dma_start3A_594 = tpu.memref_squeeze %dma_start3A_593 : memref<1x8x64xf32, #tpu.memory_space<vmem>> -> memref<8x64xf32, #tpu.memory_space<vmem>>
    %dma_start3A_595 = arith.constant 0 : i32
    %dma_start3A_596 = tpu.memref_slice %arg3[%multiple_of3A_589, %dma_start3A_595] : memref<1000000x64xf32, #tpu.memory_space<hbm>> -> memref<8x64xf32, #tpu.memory_space<hbm>>
    %dma_start3A_597 = arith.constant 104 : i32
    %dma_start3A_598 = arith.constant 0 : i32
    %dma_start3A_599 = tpu.memref_slice %arg6[%dma_start3A_590, %dma_start3A_597, %dma_start3A_598] : memref<4x128x64xf32, #tpu.memory_space<vmem>> -> memref<1x8x64xf32, #tpu.memory_space<vmem>>
    %dma_start3A_600 = tpu.memref_squeeze %dma_start3A_599 : memref<1x8x64xf32, #tpu.memory_space<vmem>> -> memref<8x64xf32, #tpu.memory_space<vmem>>
    %dma_start3A_601 = arith.constant 0 : i32
    %dma_start3A_602 = tpu.memref_slice %arg3[%multiple_of3A_589, %dma_start3A_601] : memref<1000000x64xf32, #tpu.memory_space<hbm>> -> memref<8x64xf32, #tpu.memory_space<hbm>>
    tpu.enqueue_dma source(%dma_start3A_602 : memref<8x64xf32, #tpu.memory_space<hbm>>) target(%dma_start3A_600 : memref<8x64xf32, #tpu.memory_space<vmem>>) target_semaphore(%arg8 : memref<!tpu.dma_semaphore, #tpu.memory_space<semaphore_mem>>)
    %slice3A_603 = vector.extract_strided_slice %get3A_322 {offsets = [14], sizes = [1], strides = [1]} : vector<16xi32> to vector<1xi32>
    %squeeze3A_604 = vector.extract %slice3A_603[0] : i32 from vector<1xi32>
    %shift_right_arithmetic3A_605 = arith.constant 3 : i32
    %shift_right_arithmetic3A_606 = arith.shrsi %squeeze3A_604, %shift_right_arithmetic3A_605 : i32
    %shift_left3A_607 = arith.constant 3 : i32
    %shift_left3A_608 = arith.shli %shift_right_arithmetic3A_606, %shift_left3A_607 : i32
    %multiple_of3A_609 = tpu.assume_multiple %shift_left3A_608, 8 : i32
    %dma_start3A_610 = arith.constant 1 : i32
    %dma_start3A_611 = arith.constant 112 : i32
    %dma_start3A_612 = arith.constant 0 : i32
    %dma_start3A_613 = tpu.memref_slice %arg6[%dma_start3A_610, %dma_start3A_611, %dma_start3A_612] : memref<4x128x64xf32, #tpu.memory_space<vmem>> -> memref<1x8x64xf32, #tpu.memory_space<vmem>>
    %dma_start3A_614 = tpu.memref_squeeze %dma_start3A_613 : memref<1x8x64xf32, #tpu.memory_space<vmem>> -> memref<8x64xf32, #tpu.memory_space<vmem>>
    %dma_start3A_615 = arith.constant 0 : i32
    %dma_start3A_616 = tpu.memref_slice %arg3[%multiple_of3A_609, %dma_start3A_615] : memref<1000000x64xf32, #tpu.memory_space<hbm>> -> memref<8x64xf32, #tpu.memory_space<hbm>>
    %dma_start3A_617 = arith.constant 112 : i32
    %dma_start3A_618 = arith.constant 0 : i32
    %dma_start3A_619 = tpu.memref_slice %arg6[%dma_start3A_610, %dma_start3A_617, %dma_start3A_618] : memref<4x128x64xf32, #tpu.memory_space<vmem>> -> memref<1x8x64xf32, #tpu.memory_space<vmem>>
    %dma_start3A_620 = tpu.memref_squeeze %dma_start3A_619 : memref<1x8x64xf32, #tpu.memory_space<vmem>> -> memref<8x64xf32, #tpu.memory_space<vmem>>
    %dma_start3A_621 = arith.constant 0 : i32
    %dma_start3A_622 = tpu.memref_slice %arg3[%multiple_of3A_609, %dma_start3A_621] : memref<1000000x64xf32, #tpu.memory_space<hbm>> -> memref<8x64xf32, #tpu.memory_space<hbm>>
    tpu.enqueue_dma source(%dma_start3A_622 : memref<8x64xf32, #tpu.memory_space<hbm>>) target(%dma_start3A_620 : memref<8x64xf32, #tpu.memory_space<vmem>>) target_semaphore(%arg8 : memref<!tpu.dma_semaphore, #tpu.memory_space<semaphore_mem>>)
    %slice3A_623 = vector.extract_strided_slice %get3A_322 {offsets = [15], sizes = [1], strides = [1]} : vector<16xi32> to vector<1xi32>
    %squeeze3A_624 = vector.extract %slice3A_623[0] : i32 from vector<1xi32>
    %shift_right_arithmetic3A_625 = arith.constant 3 : i32
    %shift_right_arithmetic3A_626 = arith.shrsi %squeeze3A_624, %shift_right_arithmetic3A_625 : i32
    %shift_left3A_627 = arith.constant 3 : i32
    %shift_left3A_628 = arith.shli %shift_right_arithmetic3A_626, %shift_left3A_627 : i32
    %multiple_of3A_629 = tpu.assume_multiple %shift_left3A_628, 8 : i32
    %dma_start3A_630 = arith.constant 1 : i32
    %dma_start3A_631 = arith.constant 120 : i32
    %dma_start3A_632 = arith.constant 0 : i32
    %dma_start3A_633 = tpu.memref_slice %arg6[%dma_start3A_630, %dma_start3A_631, %dma_start3A_632] : memref<4x128x64xf32, #tpu.memory_space<vmem>> -> memref<1x8x64xf32, #tpu.memory_space<vmem>>
    %dma_start3A_634 = tpu.memref_squeeze %dma_start3A_633 : memref<1x8x64xf32, #tpu.memory_space<vmem>> -> memref<8x64xf32, #tpu.memory_space<vmem>>
    %dma_start3A_635 = arith.constant 0 : i32
    %dma_start3A_636 = tpu.memref_slice %arg3[%multiple_of3A_629, %dma_start3A_635] : memref<1000000x64xf32, #tpu.memory_space<hbm>> -> memref<8x64xf32, #tpu.memory_space<hbm>>
    %dma_start3A_637 = arith.constant 120 : i32
    %dma_start3A_638 = arith.constant 0 : i32
    %dma_start3A_639 = tpu.memref_slice %arg6[%dma_start3A_630, %dma_start3A_637, %dma_start3A_638] : memref<4x128x64xf32, #tpu.memory_space<vmem>> -> memref<1x8x64xf32, #tpu.memory_space<vmem>>
    %dma_start3A_640 = tpu.memref_squeeze %dma_start3A_639 : memref<1x8x64xf32, #tpu.memory_space<vmem>> -> memref<8x64xf32, #tpu.memory_space<vmem>>
    %dma_start3A_641 = arith.constant 0 : i32
    %dma_start3A_642 = tpu.memref_slice %arg3[%multiple_of3A_629, %dma_start3A_641] : memref<1000000x64xf32, #tpu.memory_space<hbm>> -> memref<8x64xf32, #tpu.memory_space<hbm>>
    tpu.enqueue_dma source(%dma_start3A_642 : memref<8x64xf32, #tpu.memory_space<hbm>>) target(%dma_start3A_640 : memref<8x64xf32, #tpu.memory_space<vmem>>) target_semaphore(%arg8 : memref<!tpu.dma_semaphore, #tpu.memory_space<semaphore_mem>>)
    %get3A_643 = arith.constant 32 : index
    %get3A_644 = tpu.vector_load %arg5[%get3A_643] {strides = array<i32>} : memref<512xi32, #tpu.memory_space<vmem>>, vector<16xi32>,
    %slice3A_645 = vector.extract_strided_slice %get3A_644 {offsets = [0], sizes = [1], strides = [1]} : vector<16xi32> to vector<1xi32>
    %squeeze3A_646 = vector.extract %slice3A_645[0] : i32 from vector<1xi32>
    %shift_right_arithmetic3A_647 = arith.constant 3 : i32
    %shift_right_arithmetic3A_648 = arith.shrsi %squeeze3A_646, %shift_right_arithmetic3A_647 : i32
    %shift_left3A_649 = arith.constant 3 : i32
    %shift_left3A_650 = arith.shli %shift_right_arithmetic3A_648, %shift_left3A_649 : i32
    %multiple_of3A_651 = tpu.assume_multiple %shift_left3A_650, 8 : i32
    %dma_start3A_652 = arith.constant 2 : i32
    %dma_start3A_653 = arith.constant 0 : i32
    %dma_start3A_654 = arith.constant 0 : i32
    %dma_start3A_655 = tpu.memref_slice %arg6[%dma_start3A_652, %dma_start3A_653, %dma_start3A_654] : memref<4x128x64xf32, #tpu.memory_space<vmem>> -> memref<1x8x64xf32, #tpu.memory_space<vmem>>
    %dma_start3A_656 = tpu.memref_squeeze %dma_start3A_655 : memref<1x8x64xf32, #tpu.memory_space<vmem>> -> memref<8x64xf32, #tpu.memory_space<vmem>>
    %dma_start3A_657 = arith.constant 0 : i32
    %dma_start3A_658 = tpu.memref_slice %arg3[%multiple_of3A_651, %dma_start3A_657] : memref<1000000x64xf32, #tpu.memory_space<hbm>> -> memref<8x64xf32, #tpu.memory_space<hbm>>
    %dma_start3A_659 = arith.constant 0 : i32
    %dma_start3A_660 = arith.constant 0 : i32
    %dma_start3A_661 = tpu.memref_slice %arg6[%dma_start3A_652, %dma_start3A_659, %dma_start3A_660] : memref<4x128x64xf32, #tpu.memory_space<vmem>> -> memref<1x8x64xf32, #tpu.memory_space<vmem>>
    %dma_start3A_662 = tpu.memref_squeeze %dma_start3A_661 : memref<1x8x64xf32, #tpu.memory_space<vmem>> -> memref<8x64xf32, #tpu.memory_space<vmem>>
    %dma_start3A_663 = arith.constant 0 : i32
    %dma_start3A_664 = tpu.memref_slice %arg3[%multiple_of3A_651, %dma_start3A_663] : memref<1000000x64xf32, #tpu.memory_space<hbm>> -> memref<8x64xf32, #tpu.memory_space<hbm>>
    tpu.enqueue_dma source(%dma_start3A_664 : memref<8x64xf32, #tpu.memory_space<hbm>>) target(%dma_start3A_662 : memref<8x64xf32, #tpu.memory_space<vmem>>) target_semaphore(%arg8 : memref<!tpu.dma_semaphore, #tpu.memory_space<semaphore_mem>>)
    %slice3A_665 = vector.extract_strided_slice %get3A_644 {offsets = [1], sizes = [1], strides = [1]} : vector<16xi32> to vector<1xi32>
    %squeeze3A_666 = vector.extract %slice3A_665[0] : i32 from vector<1xi32>
    %shift_right_arithmetic3A_667 = arith.constant 3 : i32
    %shift_right_arithmetic3A_668 = arith.shrsi %squeeze3A_666, %shift_right_arithmetic3A_667 : i32
    %shift_left3A_669 = arith.constant 3 : i32
    %shift_left3A_670 = arith.shli %shift_right_arithmetic3A_668, %shift_left3A_669 : i32
    %multiple_of3A_671 = tpu.assume_multiple %shift_left3A_670, 8 : i32
    %dma_start3A_672 = arith.constant 2 : i32
    %dma_start3A_673 = arith.constant 8 : i32
    %dma_start3A_674 = arith.constant 0 : i32
    %dma_start3A_675 = tpu.memref_slice %arg6[%dma_start3A_672, %dma_start3A_673, %dma_start3A_674] : memref<4x128x64xf32, #tpu.memory_space<vmem>> -> memref<1x8x64xf32, #tpu.memory_space<vmem>>
    %dma_start3A_676 = tpu.memref_squeeze %dma_start3A_675 : memref<1x8x64xf32, #tpu.memory_space<vmem>> -> memref<8x64xf32, #tpu.memory_space<vmem>>
    %dma_start3A_677 = arith.constant 0 : i32
    %dma_start3A_678 = tpu.memref_slice %arg3[%multiple_of3A_671, %dma_start3A_677] : memref<1000000x64xf32, #tpu.memory_space<hbm>> -> memref<8x64xf32, #tpu.memory_space<hbm>>
    %dma_start3A_679 = arith.constant 8 : i32
    %dma_start3A_680 = arith.constant 0 : i32
    %dma_start3A_681 = tpu.memref_slice %arg6[%dma_start3A_672, %dma_start3A_679, %dma_start3A_680] : memref<4x128x64xf32, #tpu.memory_space<vmem>> -> memref<1x8x64xf32, #tpu.memory_space<vmem>>
    %dma_start3A_682 = tpu.memref_squeeze %dma_start3A_681 : memref<1x8x64xf32, #tpu.memory_space<vmem>> -> memref<8x64xf32, #tpu.memory_space<vmem>>
    %dma_start3A_683 = arith.constant 0 : i32
    %dma_start3A_684 = tpu.memref_slice %arg3[%multiple_of3A_671, %dma_start3A_683] : memref<1000000x64xf32, #tpu.memory_space<hbm>> -> memref<8x64xf32, #tpu.memory_space<hbm>>
    tpu.enqueue_dma source(%dma_start3A_684 : memref<8x64xf32, #tpu.memory_space<hbm>>) target(%dma_start3A_682 : memref<8x64xf32, #tpu.memory_space<vmem>>) target_semaphore(%arg8 : memref<!tpu.dma_semaphore, #tpu.memory_space<semaphore_mem>>)
    %slice3A_685 = vector.extract_strided_slice %get3A_644 {offsets = [2], sizes = [1], strides = [1]} : vector<16xi32> to vector<1xi32>
    %squeeze3A_686 = vector.extract %slice3A_685[0] : i32 from vector<1xi32>
    %shift_right_arithmetic3A_687 = arith.constant 3 : i32
    %shift_right_arithmetic3A_688 = arith.shrsi %squeeze3A_686, %shift_right_arithmetic3A_687 : i32
    %shift_left3A_689 = arith.constant 3 : i32
    %shift_left3A_690 = arith.shli %shift_right_arithmetic3A_688, %shift_left3A_689 : i32
    %multiple_of3A_691 = tpu.assume_multiple %shift_left3A_690, 8 : i32
    %dma_start3A_692 = arith.constant 2 : i32
    %dma_start3A_693 = arith.constant 16 : i32
    %dma_start3A_694 = arith.constant 0 : i32
    %dma_start3A_695 = tpu.memref_slice %arg6[%dma_start3A_692, %dma_start3A_693, %dma_start3A_694] : memref<4x128x64xf32, #tpu.memory_space<vmem>> -> memref<1x8x64xf32, #tpu.memory_space<vmem>>
    %dma_start3A_696 = tpu.memref_squeeze %dma_start3A_695 : memref<1x8x64xf32, #tpu.memory_space<vmem>> -> memref<8x64xf32, #tpu.memory_space<vmem>>
    %dma_start3A_697 = arith.constant 0 : i32
    %dma_start3A_698 = tpu.memref_slice %arg3[%multiple_of3A_691, %dma_start3A_697] : memref<1000000x64xf32, #tpu.memory_space<hbm>> -> memref<8x64xf32, #tpu.memory_space<hbm>>
    %dma_start3A_699 = arith.constant 16 : i32
    %dma_start3A_700 = arith.constant 0 : i32
    %dma_start3A_701 = tpu.memref_slice %arg6[%dma_start3A_692, %dma_start3A_699, %dma_start3A_700] : memref<4x128x64xf32, #tpu.memory_space<vmem>> -> memref<1x8x64xf32, #tpu.memory_space<vmem>>
    %dma_start3A_702 = tpu.memref_squeeze %dma_start3A_701 : memref<1x8x64xf32, #tpu.memory_space<vmem>> -> memref<8x64xf32, #tpu.memory_space<vmem>>
    %dma_start3A_703 = arith.constant 0 : i32
    %dma_start3A_704 = tpu.memref_slice %arg3[%multiple_of3A_691, %dma_start3A_703] : memref<1000000x64xf32, #tpu.memory_space<hbm>> -> memref<8x64xf32, #tpu.memory_space<hbm>>
    tpu.enqueue_dma source(%dma_start3A_704 : memref<8x64xf32, #tpu.memory_space<hbm>>) target(%dma_start3A_702 : memref<8x64xf32, #tpu.memory_space<vmem>>) target_semaphore(%arg8 : memref<!tpu.dma_semaphore, #tpu.memory_space<semaphore_mem>>)
    %slice3A_705 = vector.extract_strided_slice %get3A_644 {offsets = [3], sizes = [1], strides = [1]} : vector<16xi32> to vector<1xi32>
    %squeeze3A_706 = vector.extract %slice3A_705[0] : i32 from vector<1xi32>
    %shift_right_arithmetic3A_707 = arith.constant 3 : i32
    %shift_right_arithmetic3A_708 = arith.shrsi %squeeze3A_706, %shift_right_arithmetic3A_707 : i32
    %shift_left3A_709 = arith.constant 3 : i32
    %shift_left3A_710 = arith.shli %shift_right_arithmetic3A_708, %shift_left3A_709 : i32
    %multiple_of3A_711 = tpu.assume_multiple %shift_left3A_710, 8 : i32
    %dma_start3A_712 = arith.constant 2 : i32
    %dma_start3A_713 = arith.constant 24 : i32
    %dma_start3A_714 = arith.constant 0 : i32
    %dma_start3A_715 = tpu.memref_slice %arg6[%dma_start3A_712, %dma_start3A_713, %dma_start3A_714] : memref<4x128x64xf32, #tpu.memory_space<vmem>> -> memref<1x8x64xf32, #tpu.memory_space<vmem>>
    %dma_start3A_716 = tpu.memref_squeeze %dma_start3A_715 : memref<1x8x64xf32, #tpu.memory_space<vmem>> -> memref<8x64xf32, #tpu.memory_space<vmem>>
    %dma_start3A_717 = arith.constant 0 : i32
    %dma_start3A_718 = tpu.memref_slice %arg3[%multiple_of3A_711, %dma_start3A_717] : memref<1000000x64xf32, #tpu.memory_space<hbm>> -> memref<8x64xf32, #tpu.memory_space<hbm>>
    %dma_start3A_719 = arith.constant 24 : i32
    %dma_start3A_720 = arith.constant 0 : i32
    %dma_start3A_721 = tpu.memref_slice %arg6[%dma_start3A_712, %dma_start3A_719, %dma_start3A_720] : memref<4x128x64xf32, #tpu.memory_space<vmem>> -> memref<1x8x64xf32, #tpu.memory_space<vmem>>
    %dma_start3A_722 = tpu.memref_squeeze %dma_start3A_721 : memref<1x8x64xf32, #tpu.memory_space<vmem>> -> memref<8x64xf32, #tpu.memory_space<vmem>>
    %dma_start3A_723 = arith.constant 0 : i32
    %dma_start3A_724 = tpu.memref_slice %arg3[%multiple_of3A_711, %dma_start3A_723] : memref<1000000x64xf32, #tpu.memory_space<hbm>> -> memref<8x64xf32, #tpu.memory_space<hbm>>
    tpu.enqueue_dma source(%dma_start3A_724 : memref<8x64xf32, #tpu.memory_space<hbm>>) target(%dma_start3A_722 : memref<8x64xf32, #tpu.memory_space<vmem>>) target_semaphore(%arg8 : memref<!tpu.dma_semaphore, #tpu.memory_space<semaphore_mem>>)
    %slice3A_725 = vector.extract_strided_slice %get3A_644 {offsets = [4], sizes = [1], strides = [1]} : vector<16xi32> to vector<1xi32>
    %squeeze3A_726 = vector.extract %slice3A_725[0] : i32 from vector<1xi32>
    %shift_right_arithmetic3A_727 = arith.constant 3 : i32
    %shift_right_arithmetic3A_728 = arith.shrsi %squeeze3A_726, %shift_right_arithmetic3A_727 : i32
    %shift_left3A_729 = arith.constant 3 : i32
    %shift_left3A_730 = arith.shli %shift_right_arithmetic3A_728, %shift_left3A_729 : i32
    %multiple_of3A_731 = tpu.assume_multiple %shift_left3A_730, 8 : i32
    %dma_start3A_732 = arith.constant 2 : i32
    %dma_start3A_733 = arith.constant 32 : i32
    %dma_start3A_734 = arith.constant 0 : i32
    %dma_start3A_735 = tpu.memref_slice %arg6[%dma_start3A_732, %dma_start3A_733, %dma_start3A_734] : memref<4x128x64xf32, #tpu.memory_space<vmem>> -> memref<1x8x64xf32, #tpu.memory_space<vmem>>
    %dma_start3A_736 = tpu.memref_squeeze %dma_start3A_735 : memref<1x8x64xf32, #tpu.memory_space<vmem>> -> memref<8x64xf32, #tpu.memory_space<vmem>>
    %dma_start3A_737 = arith.constant 0 : i32
    %dma_start3A_738 = tpu.memref_slice %arg3[%multiple_of3A_731, %dma_start3A_737] : memref<1000000x64xf32, #tpu.memory_space<hbm>> -> memref<8x64xf32, #tpu.memory_space<hbm>>
    %dma_start3A_739 = arith.constant 32 : i32
    %dma_start3A_740 = arith.constant 0 : i32
    %dma_start3A_741 = tpu.memref_slice %arg6[%dma_start3A_732, %dma_start3A_739, %dma_start3A_740] : memref<4x128x64xf32, #tpu.memory_space<vmem>> -> memref<1x8x64xf32, #tpu.memory_space<vmem>>
    %dma_start3A_742 = tpu.memref_squeeze %dma_start3A_741 : memref<1x8x64xf32, #tpu.memory_space<vmem>> -> memref<8x64xf32, #tpu.memory_space<vmem>>
    %dma_start3A_743 = arith.constant 0 : i32
    %dma_start3A_744 = tpu.memref_slice %arg3[%multiple_of3A_731, %dma_start3A_743] : memref<1000000x64xf32, #tpu.memory_space<hbm>> -> memref<8x64xf32, #tpu.memory_space<hbm>>
    tpu.enqueue_dma source(%dma_start3A_744 : memref<8x64xf32, #tpu.memory_space<hbm>>) target(%dma_start3A_742 : memref<8x64xf32, #tpu.memory_space<vmem>>) target_semaphore(%arg8 : memref<!tpu.dma_semaphore, #tpu.memory_space<semaphore_mem>>)
    %slice3A_745 = vector.extract_strided_slice %get3A_644 {offsets = [5], sizes = [1], strides = [1]} : vector<16xi32> to vector<1xi32>
    %squeeze3A_746 = vector.extract %slice3A_745[0] : i32 from vector<1xi32>
    %shift_right_arithmetic3A_747 = arith.constant 3 : i32
    %shift_right_arithmetic3A_748 = arith.shrsi %squeeze3A_746, %shift_right_arithmetic3A_747 : i32
    %shift_left3A_749 = arith.constant 3 : i32
    %shift_left3A_750 = arith.shli %shift_right_arithmetic3A_748, %shift_left3A_749 : i32
    %multiple_of3A_751 = tpu.assume_multiple %shift_left3A_750, 8 : i32
    %dma_start3A_752 = arith.constant 2 : i32
    %dma_start3A_753 = arith.constant 40 : i32
    %dma_start3A_754 = arith.constant 0 : i32
    %dma_start3A_755 = tpu.memref_slice %arg6[%dma_start3A_752, %dma_start3A_753, %dma_start3A_754] : memref<4x128x64xf32, #tpu.memory_space<vmem>> -> memref<1x8x64xf32, #tpu.memory_space<vmem>>
    %dma_start3A_756 = tpu.memref_squeeze %dma_start3A_755 : memref<1x8x64xf32, #tpu.memory_space<vmem>> -> memref<8x64xf32, #tpu.memory_space<vmem>>
    %dma_start3A_757 = arith.constant 0 : i32
    %dma_start3A_758 = tpu.memref_slice %arg3[%multiple_of3A_751, %dma_start3A_757] : memref<1000000x64xf32, #tpu.memory_space<hbm>> -> memref<8x64xf32, #tpu.memory_space<hbm>>
    %dma_start3A_759 = arith.constant 40 : i32
    %dma_start3A_760 = arith.constant 0 : i32
    %dma_start3A_761 = tpu.memref_slice %arg6[%dma_start3A_752, %dma_start3A_759, %dma_start3A_760] : memref<4x128x64xf32, #tpu.memory_space<vmem>> -> memref<1x8x64xf32, #tpu.memory_space<vmem>>
    %dma_start3A_762 = tpu.memref_squeeze %dma_start3A_761 : memref<1x8x64xf32, #tpu.memory_space<vmem>> -> memref<8x64xf32, #tpu.memory_space<vmem>>
    %dma_start3A_763 = arith.constant 0 : i32
    %dma_start3A_764 = tpu.memref_slice %arg3[%multiple_of3A_751, %dma_start3A_763] : memref<1000000x64xf32, #tpu.memory_space<hbm>> -> memref<8x64xf32, #tpu.memory_space<hbm>>
    tpu.enqueue_dma source(%dma_start3A_764 : memref<8x64xf32, #tpu.memory_space<hbm>>) target(%dma_start3A_762 : memref<8x64xf32, #tpu.memory_space<vmem>>) target_semaphore(%arg8 : memref<!tpu.dma_semaphore, #tpu.memory_space<semaphore_mem>>)
    %slice3A_765 = vector.extract_strided_slice %get3A_644 {offsets = [6], sizes = [1], strides = [1]} : vector<16xi32> to vector<1xi32>
    %squeeze3A_766 = vector.extract %slice3A_765[0] : i32 from vector<1xi32>
    %shift_right_arithmetic3A_767 = arith.constant 3 : i32
    %shift_right_arithmetic3A_768 = arith.shrsi %squeeze3A_766, %shift_right_arithmetic3A_767 : i32
    %shift_left3A_769 = arith.constant 3 : i32
    %shift_left3A_770 = arith.shli %shift_right_arithmetic3A_768, %shift_left3A_769 : i32
    %multiple_of3A_771 = tpu.assume_multiple %shift_left3A_770, 8 : i32
    %dma_start3A_772 = arith.constant 2 : i32
    %dma_start3A_773 = arith.constant 48 : i32
    %dma_start3A_774 = arith.constant 0 : i32
    %dma_start3A_775 = tpu.memref_slice %arg6[%dma_start3A_772, %dma_start3A_773, %dma_start3A_774] : memref<4x128x64xf32, #tpu.memory_space<vmem>> -> memref<1x8x64xf32, #tpu.memory_space<vmem>>
    %dma_start3A_776 = tpu.memref_squeeze %dma_start3A_775 : memref<1x8x64xf32, #tpu.memory_space<vmem>> -> memref<8x64xf32, #tpu.memory_space<vmem>>
    %dma_start3A_777 = arith.constant 0 : i32
    %dma_start3A_778 = tpu.memref_slice %arg3[%multiple_of3A_771, %dma_start3A_777] : memref<1000000x64xf32, #tpu.memory_space<hbm>> -> memref<8x64xf32, #tpu.memory_space<hbm>>
    %dma_start3A_779 = arith.constant 48 : i32
    %dma_start3A_780 = arith.constant 0 : i32
    %dma_start3A_781 = tpu.memref_slice %arg6[%dma_start3A_772, %dma_start3A_779, %dma_start3A_780] : memref<4x128x64xf32, #tpu.memory_space<vmem>> -> memref<1x8x64xf32, #tpu.memory_space<vmem>>
    %dma_start3A_782 = tpu.memref_squeeze %dma_start3A_781 : memref<1x8x64xf32, #tpu.memory_space<vmem>> -> memref<8x64xf32, #tpu.memory_space<vmem>>
    %dma_start3A_783 = arith.constant 0 : i32
    %dma_start3A_784 = tpu.memref_slice %arg3[%multiple_of3A_771, %dma_start3A_783] : memref<1000000x64xf32, #tpu.memory_space<hbm>> -> memref<8x64xf32, #tpu.memory_space<hbm>>
    tpu.enqueue_dma source(%dma_start3A_784 : memref<8x64xf32, #tpu.memory_space<hbm>>) target(%dma_start3A_782 : memref<8x64xf32, #tpu.memory_space<vmem>>) target_semaphore(%arg8 : memref<!tpu.dma_semaphore, #tpu.memory_space<semaphore_mem>>)
    %slice3A_785 = vector.extract_strided_slice %get3A_644 {offsets = [7], sizes = [1], strides = [1]} : vector<16xi32> to vector<1xi32>
    %squeeze3A_786 = vector.extract %slice3A_785[0] : i32 from vector<1xi32>
    %shift_right_arithmetic3A_787 = arith.constant 3 : i32
    %shift_right_arithmetic3A_788 = arith.shrsi %squeeze3A_786, %shift_right_arithmetic3A_787 : i32
    %shift_left3A_789 = arith.constant 3 : i32
    %shift_left3A_790 = arith.shli %shift_right_arithmetic3A_788, %shift_left3A_789 : i32
    %multiple_of3A_791 = tpu.assume_multiple %shift_left3A_790, 8 : i32
    %dma_start3A_792 = arith.constant 2 : i32
    %dma_start3A_793 = arith.constant 56 : i32
    %dma_start3A_794 = arith.constant 0 : i32
    %dma_start3A_795 = tpu.memref_slice %arg6[%dma_start3A_792, %dma_start3A_793, %dma_start3A_794] : memref<4x128x64xf32, #tpu.memory_space<vmem>> -> memref<1x8x64xf32, #tpu.memory_space<vmem>>
    %dma_start3A_796 = tpu.memref_squeeze %dma_start3A_795 : memref<1x8x64xf32, #tpu.memory_space<vmem>> -> memref<8x64xf32, #tpu.memory_space<vmem>>
    %dma_start3A_797 = arith.constant 0 : i32
    %dma_start3A_798 = tpu.memref_slice %arg3[%multiple_of3A_791, %dma_start3A_797] : memref<1000000x64xf32, #tpu.memory_space<hbm>> -> memref<8x64xf32, #tpu.memory_space<hbm>>
    %dma_start3A_799 = arith.constant 56 : i32
    %dma_start3A_800 = arith.constant 0 : i32
    %dma_start3A_801 = tpu.memref_slice %arg6[%dma_start3A_792, %dma_start3A_799, %dma_start3A_800] : memref<4x128x64xf32, #tpu.memory_space<vmem>> -> memref<1x8x64xf32, #tpu.memory_space<vmem>>
    %dma_start3A_802 = tpu.memref_squeeze %dma_start3A_801 : memref<1x8x64xf32, #tpu.memory_space<vmem>> -> memref<8x64xf32, #tpu.memory_space<vmem>>
    %dma_start3A_803 = arith.constant 0 : i32
    %dma_start3A_804 = tpu.memref_slice %arg3[%multiple_of3A_791, %dma_start3A_803] : memref<1000000x64xf32, #tpu.memory_space<hbm>> -> memref<8x64xf32, #tpu.memory_space<hbm>>
    tpu.enqueue_dma source(%dma_start3A_804 : memref<8x64xf32, #tpu.memory_space<hbm>>) target(%dma_start3A_802 : memref<8x64xf32, #tpu.memory_space<vmem>>) target_semaphore(%arg8 : memref<!tpu.dma_semaphore, #tpu.memory_space<semaphore_mem>>)
    %slice3A_805 = vector.extract_strided_slice %get3A_644 {offsets = [8], sizes = [1], strides = [1]} : vector<16xi32> to vector<1xi32>
    %squeeze3A_806 = vector.extract %slice3A_805[0] : i32 from vector<1xi32>
    %shift_right_arithmetic3A_807 = arith.constant 3 : i32
    %shift_right_arithmetic3A_808 = arith.shrsi %squeeze3A_806, %shift_right_arithmetic3A_807 : i32
    %shift_left3A_809 = arith.constant 3 : i32
    %shift_left3A_810 = arith.shli %shift_right_arithmetic3A_808, %shift_left3A_809 : i32
    %multiple_of3A_811 = tpu.assume_multiple %shift_left3A_810, 8 : i32
    %dma_start3A_812 = arith.constant 2 : i32
    %dma_start3A_813 = arith.constant 64 : i32
    %dma_start3A_814 = arith.constant 0 : i32
    %dma_start3A_815 = tpu.memref_slice %arg6[%dma_start3A_812, %dma_start3A_813, %dma_start3A_814] : memref<4x128x64xf32, #tpu.memory_space<vmem>> -> memref<1x8x64xf32, #tpu.memory_space<vmem>>
    %dma_start3A_816 = tpu.memref_squeeze %dma_start3A_815 : memref<1x8x64xf32, #tpu.memory_space<vmem>> -> memref<8x64xf32, #tpu.memory_space<vmem>>
    %dma_start3A_817 = arith.constant 0 : i32
    %dma_start3A_818 = tpu.memref_slice %arg3[%multiple_of3A_811, %dma_start3A_817] : memref<1000000x64xf32, #tpu.memory_space<hbm>> -> memref<8x64xf32, #tpu.memory_space<hbm>>
    %dma_start3A_819 = arith.constant 64 : i32
    %dma_start3A_820 = arith.constant 0 : i32
    %dma_start3A_821 = tpu.memref_slice %arg6[%dma_start3A_812, %dma_start3A_819, %dma_start3A_820] : memref<4x128x64xf32, #tpu.memory_space<vmem>> -> memref<1x8x64xf32, #tpu.memory_space<vmem>>
    %dma_start3A_822 = tpu.memref_squeeze %dma_start3A_821 : memref<1x8x64xf32, #tpu.memory_space<vmem>> -> memref<8x64xf32, #tpu.memory_space<vmem>>
    %dma_start3A_823 = arith.constant 0 : i32
    %dma_start3A_824 = tpu.memref_slice %arg3[%multiple_of3A_811, %dma_start3A_823] : memref<1000000x64xf32, #tpu.memory_space<hbm>> -> memref<8x64xf32, #tpu.memory_space<hbm>>
    tpu.enqueue_dma source(%dma_start3A_824 : memref<8x64xf32, #tpu.memory_space<hbm>>) target(%dma_start3A_822 : memref<8x64xf32, #tpu.memory_space<vmem>>) target_semaphore(%arg8 : memref<!tpu.dma_semaphore, #tpu.memory_space<semaphore_mem>>)
    %slice3A_825 = vector.extract_strided_slice %get3A_644 {offsets = [9], sizes = [1], strides = [1]} : vector<16xi32> to vector<1xi32>
    %squeeze3A_826 = vector.extract %slice3A_825[0] : i32 from vector<1xi32>
    %shift_right_arithmetic3A_827 = arith.constant 3 : i32
    %shift_right_arithmetic3A_828 = arith.shrsi %squeeze3A_826, %shift_right_arithmetic3A_827 : i32
    %shift_left3A_829 = arith.constant 3 : i32
    %shift_left3A_830 = arith.shli %shift_right_arithmetic3A_828, %shift_left3A_829 : i32
    %multiple_of3A_831 = tpu.assume_multiple %shift_left3A_830, 8 : i32
    %dma_start3A_832 = arith.constant 2 : i32
    %dma_start3A_833 = arith.constant 72 : i32
    %dma_start3A_834 = arith.constant 0 : i32
    %dma_start3A_835 = tpu.memref_slice %arg6[%dma_start3A_832, %dma_start3A_833, %dma_start3A_834] : memref<4x128x64xf32, #tpu.memory_space<vmem>> -> memref<1x8x64xf32, #tpu.memory_space<vmem>>
    %dma_start3A_836 = tpu.memref_squeeze %dma_start3A_835 : memref<1x8x64xf32, #tpu.memory_space<vmem>> -> memref<8x64xf32, #tpu.memory_space<vmem>>
    %dma_start3A_837 = arith.constant 0 : i32
    %dma_start3A_838 = tpu.memref_slice %arg3[%multiple_of3A_831, %dma_start3A_837] : memref<1000000x64xf32, #tpu.memory_space<hbm>> -> memref<8x64xf32, #tpu.memory_space<hbm>>
    %dma_start3A_839 = arith.constant 72 : i32
    %dma_start3A_840 = arith.constant 0 : i32
    %dma_start3A_841 = tpu.memref_slice %arg6[%dma_start3A_832, %dma_start3A_839, %dma_start3A_840] : memref<4x128x64xf32, #tpu.memory_space<vmem>> -> memref<1x8x64xf32, #tpu.memory_space<vmem>>
    %dma_start3A_842 = tpu.memref_squeeze %dma_start3A_841 : memref<1x8x64xf32, #tpu.memory_space<vmem>> -> memref<8x64xf32, #tpu.memory_space<vmem>>
    %dma_start3A_843 = arith.constant 0 : i32
    %dma_start3A_844 = tpu.memref_slice %arg3[%multiple_of3A_831, %dma_start3A_843] : memref<1000000x64xf32, #tpu.memory_space<hbm>> -> memref<8x64xf32, #tpu.memory_space<hbm>>
    tpu.enqueue_dma source(%dma_start3A_844 : memref<8x64xf32, #tpu.memory_space<hbm>>) target(%dma_start3A_842 : memref<8x64xf32, #tpu.memory_space<vmem>>) target_semaphore(%arg8 : memref<!tpu.dma_semaphore, #tpu.memory_space<semaphore_mem>>)
    %slice3A_845 = vector.extract_strided_slice %get3A_644 {offsets = [10], sizes = [1], strides = [1]} : vector<16xi32> to vector<1xi32>
    %squeeze3A_846 = vector.extract %slice3A_845[0] : i32 from vector<1xi32>
    %shift_right_arithmetic3A_847 = arith.constant 3 : i32
    %shift_right_arithmetic3A_848 = arith.shrsi %squeeze3A_846, %shift_right_arithmetic3A_847 : i32
    %shift_left3A_849 = arith.constant 3 : i32
    %shift_left3A_850 = arith.shli %shift_right_arithmetic3A_848, %shift_left3A_849 : i32
    %multiple_of3A_851 = tpu.assume_multiple %shift_left3A_850, 8 : i32
    %dma_start3A_852 = arith.constant 2 : i32
    %dma_start3A_853 = arith.constant 80 : i32
    %dma_start3A_854 = arith.constant 0 : i32
    %dma_start3A_855 = tpu.memref_slice %arg6[%dma_start3A_852, %dma_start3A_853, %dma_start3A_854] : memref<4x128x64xf32, #tpu.memory_space<vmem>> -> memref<1x8x64xf32, #tpu.memory_space<vmem>>
    %dma_start3A_856 = tpu.memref_squeeze %dma_start3A_855 : memref<1x8x64xf32, #tpu.memory_space<vmem>> -> memref<8x64xf32, #tpu.memory_space<vmem>>
    %dma_start3A_857 = arith.constant 0 : i32
    %dma_start3A_858 = tpu.memref_slice %arg3[%multiple_of3A_851, %dma_start3A_857] : memref<1000000x64xf32, #tpu.memory_space<hbm>> -> memref<8x64xf32, #tpu.memory_space<hbm>>
    %dma_start3A_859 = arith.constant 80 : i32
    %dma_start3A_860 = arith.constant 0 : i32
    %dma_start3A_861 = tpu.memref_slice %arg6[%dma_start3A_852, %dma_start3A_859, %dma_start3A_860] : memref<4x128x64xf32, #tpu.memory_space<vmem>> -> memref<1x8x64xf32, #tpu.memory_space<vmem>>
    %dma_start3A_862 = tpu.memref_squeeze %dma_start3A_861 : memref<1x8x64xf32, #tpu.memory_space<vmem>> -> memref<8x64xf32, #tpu.memory_space<vmem>>
    %dma_start3A_863 = arith.constant 0 : i32
    %dma_start3A_864 = tpu.memref_slice %arg3[%multiple_of3A_851, %dma_start3A_863] : memref<1000000x64xf32, #tpu.memory_space<hbm>> -> memref<8x64xf32, #tpu.memory_space<hbm>>
    tpu.enqueue_dma source(%dma_start3A_864 : memref<8x64xf32, #tpu.memory_space<hbm>>) target(%dma_start3A_862 : memref<8x64xf32, #tpu.memory_space<vmem>>) target_semaphore(%arg8 : memref<!tpu.dma_semaphore, #tpu.memory_space<semaphore_mem>>)
    %slice3A_865 = vector.extract_strided_slice %get3A_644 {offsets = [11], sizes = [1], strides = [1]} : vector<16xi32> to vector<1xi32>
    %squeeze3A_866 = vector.extract %slice3A_865[0] : i32 from vector<1xi32>
    %shift_right_arithmetic3A_867 = arith.constant 3 : i32
    %shift_right_arithmetic3A_868 = arith.shrsi %squeeze3A_866, %shift_right_arithmetic3A_867 : i32
    %shift_left3A_869 = arith.constant 3 : i32
    %shift_left3A_870 = arith.shli %shift_right_arithmetic3A_868, %shift_left3A_869 : i32
    %multiple_of3A_871 = tpu.assume_multiple %shift_left3A_870, 8 : i32
    %dma_start3A_872 = arith.constant 2 : i32
    %dma_start3A_873 = arith.constant 88 : i32
    %dma_start3A_874 = arith.constant 0 : i32
    %dma_start3A_875 = tpu.memref_slice %arg6[%dma_start3A_872, %dma_start3A_873, %dma_start3A_874] : memref<4x128x64xf32, #tpu.memory_space<vmem>> -> memref<1x8x64xf32, #tpu.memory_space<vmem>>
    %dma_start3A_876 = tpu.memref_squeeze %dma_start3A_875 : memref<1x8x64xf32, #tpu.memory_space<vmem>> -> memref<8x64xf32, #tpu.memory_space<vmem>>
    %dma_start3A_877 = arith.constant 0 : i32
    %dma_start3A_878 = tpu.memref_slice %arg3[%multiple_of3A_871, %dma_start3A_877] : memref<1000000x64xf32, #tpu.memory_space<hbm>> -> memref<8x64xf32, #tpu.memory_space<hbm>>
    %dma_start3A_879 = arith.constant 88 : i32
    %dma_start3A_880 = arith.constant 0 : i32
    %dma_start3A_881 = tpu.memref_slice %arg6[%dma_start3A_872, %dma_start3A_879, %dma_start3A_880] : memref<4x128x64xf32, #tpu.memory_space<vmem>> -> memref<1x8x64xf32, #tpu.memory_space<vmem>>
    %dma_start3A_882 = tpu.memref_squeeze %dma_start3A_881 : memref<1x8x64xf32, #tpu.memory_space<vmem>> -> memref<8x64xf32, #tpu.memory_space<vmem>>
    %dma_start3A_883 = arith.constant 0 : i32
    %dma_start3A_884 = tpu.memref_slice %arg3[%multiple_of3A_871, %dma_start3A_883] : memref<1000000x64xf32, #tpu.memory_space<hbm>> -> memref<8x64xf32, #tpu.memory_space<hbm>>
    tpu.enqueue_dma source(%dma_start3A_884 : memref<8x64xf32, #tpu.memory_space<hbm>>) target(%dma_start3A_882 : memref<8x64xf32, #tpu.memory_space<vmem>>) target_semaphore(%arg8 : memref<!tpu.dma_semaphore, #tpu.memory_space<semaphore_mem>>)
    %slice3A_885 = vector.extract_strided_slice %get3A_644 {offsets = [12], sizes = [1], strides = [1]} : vector<16xi32> to vector<1xi32>
    %squeeze3A_886 = vector.extract %slice3A_885[0] : i32 from vector<1xi32>
    %shift_right_arithmetic3A_887 = arith.constant 3 : i32
    %shift_right_arithmetic3A_888 = arith.shrsi %squeeze3A_886, %shift_right_arithmetic3A_887 : i32
    %shift_left3A_889 = arith.constant 3 : i32
    %shift_left3A_890 = arith.shli %shift_right_arithmetic3A_888, %shift_left3A_889 : i32
    %multiple_of3A_891 = tpu.assume_multiple %shift_left3A_890, 8 : i32
    %dma_start3A_892 = arith.constant 2 : i32
    %dma_start3A_893 = arith.constant 96 : i32
    %dma_start3A_894 = arith.constant 0 : i32
    %dma_start3A_895 = tpu.memref_slice %arg6[%dma_start3A_892, %dma_start3A_893, %dma_start3A_894] : memref<4x128x64xf32, #tpu.memory_space<vmem>> -> memref<1x8x64xf32, #tpu.memory_space<vmem>>
    %dma_start3A_896 = tpu.memref_squeeze %dma_start3A_895 : memref<1x8x64xf32, #tpu.memory_space<vmem>> -> memref<8x64xf32, #tpu.memory_space<vmem>>
    %dma_start3A_897 = arith.constant 0 : i32
    %dma_start3A_898 = tpu.memref_slice %arg3[%multiple_of3A_891, %dma_start3A_897] : memref<1000000x64xf32, #tpu.memory_space<hbm>> -> memref<8x64xf32, #tpu.memory_space<hbm>>
    %dma_start3A_899 = arith.constant 96 : i32
    %dma_start3A_900 = arith.constant 0 : i32
    %dma_start3A_901 = tpu.memref_slice %arg6[%dma_start3A_892, %dma_start3A_899, %dma_start3A_900] : memref<4x128x64xf32, #tpu.memory_space<vmem>> -> memref<1x8x64xf32, #tpu.memory_space<vmem>>
    %dma_start3A_902 = tpu.memref_squeeze %dma_start3A_901 : memref<1x8x64xf32, #tpu.memory_space<vmem>> -> memref<8x64xf32, #tpu.memory_space<vmem>>
    %dma_start3A_903 = arith.constant 0 : i32
    %dma_start3A_904 = tpu.memref_slice %arg3[%multiple_of3A_891, %dma_start3A_903] : memref<1000000x64xf32, #tpu.memory_space<hbm>> -> memref<8x64xf32, #tpu.memory_space<hbm>>
    tpu.enqueue_dma source(%dma_start3A_904 : memref<8x64xf32, #tpu.memory_space<hbm>>) target(%dma_start3A_902 : memref<8x64xf32, #tpu.memory_space<vmem>>) target_semaphore(%arg8 : memref<!tpu.dma_semaphore, #tpu.memory_space<semaphore_mem>>)
    %slice3A_905 = vector.extract_strided_slice %get3A_644 {offsets = [13], sizes = [1], strides = [1]} : vector<16xi32> to vector<1xi32>
    %squeeze3A_906 = vector.extract %slice3A_905[0] : i32 from vector<1xi32>
    %shift_right_arithmetic3A_907 = arith.constant 3 : i32
    %shift_right_arithmetic3A_908 = arith.shrsi %squeeze3A_906, %shift_right_arithmetic3A_907 : i32
    %shift_left3A_909 = arith.constant 3 : i32
    %shift_left3A_910 = arith.shli %shift_right_arithmetic3A_908, %shift_left3A_909 : i32
    %multiple_of3A_911 = tpu.assume_multiple %shift_left3A_910, 8 : i32
    %dma_start3A_912 = arith.constant 2 : i32
    %dma_start3A_913 = arith.constant 104 : i32
    %dma_start3A_914 = arith.constant 0 : i32
    %dma_start3A_915 = tpu.memref_slice %arg6[%dma_start3A_912, %dma_start3A_913, %dma_start3A_914] : memref<4x128x64xf32, #tpu.memory_space<vmem>> -> memref<1x8x64xf32, #tpu.memory_space<vmem>>
    %dma_start3A_916 = tpu.memref_squeeze %dma_start3A_915 : memref<1x8x64xf32, #tpu.memory_space<vmem>> -> memref<8x64xf32, #tpu.memory_space<vmem>>
    %dma_start3A_917 = arith.constant 0 : i32
    %dma_start3A_918 = tpu.memref_slice %arg3[%multiple_of3A_911, %dma_start3A_917] : memref<1000000x64xf32, #tpu.memory_space<hbm>> -> memref<8x64xf32, #tpu.memory_space<hbm>>
    %dma_start3A_919 = arith.constant 104 : i32
    %dma_start3A_920 = arith.constant 0 : i32
    %dma_start3A_921 = tpu.memref_slice %arg6[%dma_start3A_912, %dma_start3A_919, %dma_start3A_920] : memref<4x128x64xf32, #tpu.memory_space<vmem>> -> memref<1x8x64xf32, #tpu.memory_space<vmem>>
    %dma_start3A_922 = tpu.memref_squeeze %dma_start3A_921 : memref<1x8x64xf32, #tpu.memory_space<vmem>> -> memref<8x64xf32, #tpu.memory_space<vmem>>
    %dma_start3A_923 = arith.constant 0 : i32
    %dma_start3A_924 = tpu.memref_slice %arg3[%multiple_of3A_911, %dma_start3A_923] : memref<1000000x64xf32, #tpu.memory_space<hbm>> -> memref<8x64xf32, #tpu.memory_space<hbm>>
    tpu.enqueue_dma source(%dma_start3A_924 : memref<8x64xf32, #tpu.memory_space<hbm>>) target(%dma_start3A_922 : memref<8x64xf32, #tpu.memory_space<vmem>>) target_semaphore(%arg8 : memref<!tpu.dma_semaphore, #tpu.memory_space<semaphore_mem>>)
    %slice3A_925 = vector.extract_strided_slice %get3A_644 {offsets = [14], sizes = [1], strides = [1]} : vector<16xi32> to vector<1xi32>
    %squeeze3A_926 = vector.extract %slice3A_925[0] : i32 from vector<1xi32>
    %shift_right_arithmetic3A_927 = arith.constant 3 : i32
    %shift_right_arithmetic3A_928 = arith.shrsi %squeeze3A_926, %shift_right_arithmetic3A_927 : i32
    %shift_left3A_929 = arith.constant 3 : i32
    %shift_left3A_930 = arith.shli %shift_right_arithmetic3A_928, %shift_left3A_929 : i32
    %multiple_of3A_931 = tpu.assume_multiple %shift_left3A_930, 8 : i32
    %dma_start3A_932 = arith.constant 2 : i32
    %dma_start3A_933 = arith.constant 112 : i32
    %dma_start3A_934 = arith.constant 0 : i32
    %dma_start3A_935 = tpu.memref_slice %arg6[%dma_start3A_932, %dma_start3A_933, %dma_start3A_934] : memref<4x128x64xf32, #tpu.memory_space<vmem>> -> memref<1x8x64xf32, #tpu.memory_space<vmem>>
    %dma_start3A_936 = tpu.memref_squeeze %dma_start3A_935 : memref<1x8x64xf32, #tpu.memory_space<vmem>> -> memref<8x64xf32, #tpu.memory_space<vmem>>
    %dma_start3A_937 = arith.constant 0 : i32
    %dma_start3A_938 = tpu.memref_slice %arg3[%multiple_of3A_931, %dma_start3A_937] : memref<1000000x64xf32, #tpu.memory_space<hbm>> -> memref<8x64xf32, #tpu.memory_space<hbm>>
    %dma_start3A_939 = arith.constant 112 : i32
    %dma_start3A_940 = arith.constant 0 : i32
    %dma_start3A_941 = tpu.memref_slice %arg6[%dma_start3A_932, %dma_start3A_939, %dma_start3A_940] : memref<4x128x64xf32, #tpu.memory_space<vmem>> -> memref<1x8x64xf32, #tpu.memory_space<vmem>>
    %dma_start3A_942 = tpu.memref_squeeze %dma_start3A_941 : memref<1x8x64xf32, #tpu.memory_space<vmem>> -> memref<8x64xf32, #tpu.memory_space<vmem>>
    %dma_start3A_943 = arith.constant 0 : i32
    %dma_start3A_944 = tpu.memref_slice %arg3[%multiple_of3A_931, %dma_start3A_943] : memref<1000000x64xf32, #tpu.memory_space<hbm>> -> memref<8x64xf32, #tpu.memory_space<hbm>>
    tpu.enqueue_dma source(%dma_start3A_944 : memref<8x64xf32, #tpu.memory_space<hbm>>) target(%dma_start3A_942 : memref<8x64xf32, #tpu.memory_space<vmem>>) target_semaphore(%arg8 : memref<!tpu.dma_semaphore, #tpu.memory_space<semaphore_mem>>)
    %slice3A_945 = vector.extract_strided_slice %get3A_644 {offsets = [15], sizes = [1], strides = [1]} : vector<16xi32> to vector<1xi32>
    %squeeze3A_946 = vector.extract %slice3A_945[0] : i32 from vector<1xi32>
    %shift_right_arithmetic3A_947 = arith.constant 3 : i32
    %shift_right_arithmetic3A_948 = arith.shrsi %squeeze3A_946, %shift_right_arithmetic3A_947 : i32
    %shift_left3A_949 = arith.constant 3 : i32
    %shift_left3A_950 = arith.shli %shift_right_arithmetic3A_948, %shift_left3A_949 : i32
    %multiple_of3A_951 = tpu.assume_multiple %shift_left3A_950, 8 : i32
    %dma_start3A_952 = arith.constant 2 : i32
    %dma_start3A_953 = arith.constant 120 : i32
    %dma_start3A_954 = arith.constant 0 : i32
    %dma_start3A_955 = tpu.memref_slice %arg6[%dma_start3A_952, %dma_start3A_953, %dma_start3A_954] : memref<4x128x64xf32, #tpu.memory_space<vmem>> -> memref<1x8x64xf32, #tpu.memory_space<vmem>>
    %dma_start3A_956 = tpu.memref_squeeze %dma_start3A_955 : memref<1x8x64xf32, #tpu.memory_space<vmem>> -> memref<8x64xf32, #tpu.memory_space<vmem>>
    %dma_start3A_957 = arith.constant 0 : i32
    %dma_start3A_958 = tpu.memref_slice %arg3[%multiple_of3A_951, %dma_start3A_957] : memref<1000000x64xf32, #tpu.memory_space<hbm>> -> memref<8x64xf32, #tpu.memory_space<hbm>>
    %dma_start3A_959 = arith.constant 120 : i32
    %dma_start3A_960 = arith.constant 0 : i32
    %dma_start3A_961 = tpu.memref_slice %arg6[%dma_start3A_952, %dma_start3A_959, %dma_start3A_960] : memref<4x128x64xf32, #tpu.memory_space<vmem>> -> memref<1x8x64xf32, #tpu.memory_space<vmem>>
    %dma_start3A_962 = tpu.memref_squeeze %dma_start3A_961 : memref<1x8x64xf32, #tpu.memory_space<vmem>> -> memref<8x64xf32, #tpu.memory_space<vmem>>
    %dma_start3A_963 = arith.constant 0 : i32
    %dma_start3A_964 = tpu.memref_slice %arg3[%multiple_of3A_951, %dma_start3A_963] : memref<1000000x64xf32, #tpu.memory_space<hbm>> -> memref<8x64xf32, #tpu.memory_space<hbm>>
    tpu.enqueue_dma source(%dma_start3A_964 : memref<8x64xf32, #tpu.memory_space<hbm>>) target(%dma_start3A_962 : memref<8x64xf32, #tpu.memory_space<vmem>>) target_semaphore(%arg8 : memref<!tpu.dma_semaphore, #tpu.memory_space<semaphore_mem>>)
    %scan3A = arith.constant 0 : i32
    %scan3A_965 = arith.constant 0 : i32
    %scan3A_966 = arith.constant 32 : i32
    %scan3A_967 = arith.addi %scan3A_965, %scan3A_966 : i32
    %scan3A_968 = arith.constant 1 : i32
    scf.for %scan3A_970 = %scan3A_965 to %scan3A_967 step %scan3A_968  : i32 {
      %lt3A = arith.constant 29 : i32
      %lt3A_971 = arith.cmpi slt, %scan3A_970, %lt3A : i32
      %convert_element_type3A = arith.extui %lt3A_971 : i1 to i32
      %cond3A = arith.constant 0 : i32
      %cond3A_972 = arith.cmpi ne, %convert_element_type3A, %cond3A : i32
      scf.if %cond3A_972 {
        %add3A_1571 = arith.constant 3 : i32
        %add3A_1572 = arith.addi %scan3A_970, %add3A_1571 : i32
        %mul3A_1573 = arith.constant 16 : i32
        %mul3A_1574 = arith.muli %add3A_1572, %mul3A_1573 : i32
        %get3A_1575 = arith.index_cast %mul3A_1574 : i32 to index
        %get3A_1576 = tpu.vector_load %arg5[%get3A_1575] {strides = array<i32>} : memref<512xi32, #tpu.memory_space<vmem>>, vector<16xi32>,
        %slice3A_1577 = vector.extract_strided_slice %get3A_1576 {offsets = [0], sizes = [1], strides = [1]} : vector<16xi32> to vector<1xi32>
        %squeeze3A_1578 = vector.extract %slice3A_1577[0] : i32 from vector<1xi32>
        %shift_right_arithmetic3A_1579 = arith.constant 3 : i32
        %shift_right_arithmetic3A_1580 = arith.shrsi %squeeze3A_1578, %shift_right_arithmetic3A_1579 : i32
        %shift_left3A_1581 = arith.constant 3 : i32
        %shift_left3A_1582 = arith.shli %shift_right_arithmetic3A_1580, %shift_left3A_1581 : i32
        %multiple_of3A_1583 = tpu.assume_multiple %shift_left3A_1582, 8 : i32
        %and3A_1584 = arith.constant 3 : i32
        %and3A_1585 = arith.andi %add3A_1572, %and3A_1584 : i32
        %dma_start3A_1586 = arith.constant 0 : i32
        %dma_start3A_1587 = arith.constant 0 : i32
        %dma_start3A_1588 = tpu.memref_slice %arg6[%and3A_1585, %dma_start3A_1586, %dma_start3A_1587] : memref<4x128x64xf32, #tpu.memory_space<vmem>> -> memref<1x8x64xf32, #tpu.memory_space<vmem>>
        %dma_start3A_1589 = tpu.memref_squeeze %dma_start3A_1588 : memref<1x8x64xf32, #tpu.memory_space<vmem>> -> memref<8x64xf32, #tpu.memory_space<vmem>>
        %dma_start3A_1590 = arith.constant 0 : i32
        %dma_start3A_1591 = tpu.memref_slice %arg3[%multiple_of3A_1583, %dma_start3A_1590] : memref<1000000x64xf32, #tpu.memory_space<hbm>> -> memref<8x64xf32, #tpu.memory_space<hbm>>
        %dma_start3A_1592 = arith.constant 0 : i32
        %dma_start3A_1593 = arith.constant 0 : i32
        %dma_start3A_1594 = tpu.memref_slice %arg6[%and3A_1585, %dma_start3A_1592, %dma_start3A_1593] : memref<4x128x64xf32, #tpu.memory_space<vmem>> -> memref<1x8x64xf32, #tpu.memory_space<vmem>>
        %dma_start3A_1595 = tpu.memref_squeeze %dma_start3A_1594 : memref<1x8x64xf32, #tpu.memory_space<vmem>> -> memref<8x64xf32, #tpu.memory_space<vmem>>
        %dma_start3A_1596 = arith.constant 0 : i32
        %dma_start3A_1597 = tpu.memref_slice %arg3[%multiple_of3A_1583, %dma_start3A_1596] : memref<1000000x64xf32, #tpu.memory_space<hbm>> -> memref<8x64xf32, #tpu.memory_space<hbm>>
        tpu.enqueue_dma source(%dma_start3A_1597 : memref<8x64xf32, #tpu.memory_space<hbm>>) target(%dma_start3A_1595 : memref<8x64xf32, #tpu.memory_space<vmem>>) target_semaphore(%arg8 : memref<!tpu.dma_semaphore, #tpu.memory_space<semaphore_mem>>)
        %slice3A_1598 = vector.extract_strided_slice %get3A_1576 {offsets = [1], sizes = [1], strides = [1]} : vector<16xi32> to vector<1xi32>
        %squeeze3A_1599 = vector.extract %slice3A_1598[0] : i32 from vector<1xi32>
        %shift_right_arithmetic3A_1600 = arith.constant 3 : i32
        %shift_right_arithmetic3A_1601 = arith.shrsi %squeeze3A_1599, %shift_right_arithmetic3A_1600 : i32
        %shift_left3A_1602 = arith.constant 3 : i32
        %shift_left3A_1603 = arith.shli %shift_right_arithmetic3A_1601, %shift_left3A_1602 : i32
        %multiple_of3A_1604 = tpu.assume_multiple %shift_left3A_1603, 8 : i32
        %and3A_1605 = arith.constant 3 : i32
        %and3A_1606 = arith.andi %add3A_1572, %and3A_1605 : i32
        %dma_start3A_1607 = arith.constant 8 : i32
        %dma_start3A_1608 = arith.constant 0 : i32
        %dma_start3A_1609 = tpu.memref_slice %arg6[%and3A_1606, %dma_start3A_1607, %dma_start3A_1608] : memref<4x128x64xf32, #tpu.memory_space<vmem>> -> memref<1x8x64xf32, #tpu.memory_space<vmem>>
        %dma_start3A_1610 = tpu.memref_squeeze %dma_start3A_1609 : memref<1x8x64xf32, #tpu.memory_space<vmem>> -> memref<8x64xf32, #tpu.memory_space<vmem>>
        %dma_start3A_1611 = arith.constant 0 : i32
        %dma_start3A_1612 = tpu.memref_slice %arg3[%multiple_of3A_1604, %dma_start3A_1611] : memref<1000000x64xf32, #tpu.memory_space<hbm>> -> memref<8x64xf32, #tpu.memory_space<hbm>>
        %dma_start3A_1613 = arith.constant 8 : i32
        %dma_start3A_1614 = arith.constant 0 : i32
        %dma_start3A_1615 = tpu.memref_slice %arg6[%and3A_1606, %dma_start3A_1613, %dma_start3A_1614] : memref<4x128x64xf32, #tpu.memory_space<vmem>> -> memref<1x8x64xf32, #tpu.memory_space<vmem>>
        %dma_start3A_1616 = tpu.memref_squeeze %dma_start3A_1615 : memref<1x8x64xf32, #tpu.memory_space<vmem>> -> memref<8x64xf32, #tpu.memory_space<vmem>>
        %dma_start3A_1617 = arith.constant 0 : i32
        %dma_start3A_1618 = tpu.memref_slice %arg3[%multiple_of3A_1604, %dma_start3A_1617] : memref<1000000x64xf32, #tpu.memory_space<hbm>> -> memref<8x64xf32, #tpu.memory_space<hbm>>
        tpu.enqueue_dma source(%dma_start3A_1618 : memref<8x64xf32, #tpu.memory_space<hbm>>) target(%dma_start3A_1616 : memref<8x64xf32, #tpu.memory_space<vmem>>) target_semaphore(%arg8 : memref<!tpu.dma_semaphore, #tpu.memory_space<semaphore_mem>>)
        %slice3A_1619 = vector.extract_strided_slice %get3A_1576 {offsets = [2], sizes = [1], strides = [1]} : vector<16xi32> to vector<1xi32>
        %squeeze3A_1620 = vector.extract %slice3A_1619[0] : i32 from vector<1xi32>
        %shift_right_arithmetic3A_1621 = arith.constant 3 : i32
        %shift_right_arithmetic3A_1622 = arith.shrsi %squeeze3A_1620, %shift_right_arithmetic3A_1621 : i32
        %shift_left3A_1623 = arith.constant 3 : i32
        %shift_left3A_1624 = arith.shli %shift_right_arithmetic3A_1622, %shift_left3A_1623 : i32
        %multiple_of3A_1625 = tpu.assume_multiple %shift_left3A_1624, 8 : i32
        %and3A_1626 = arith.constant 3 : i32
        %and3A_1627 = arith.andi %add3A_1572, %and3A_1626 : i32
        %dma_start3A_1628 = arith.constant 16 : i32
        %dma_start3A_1629 = arith.constant 0 : i32
        %dma_start3A_1630 = tpu.memref_slice %arg6[%and3A_1627, %dma_start3A_1628, %dma_start3A_1629] : memref<4x128x64xf32, #tpu.memory_space<vmem>> -> memref<1x8x64xf32, #tpu.memory_space<vmem>>
        %dma_start3A_1631 = tpu.memref_squeeze %dma_start3A_1630 : memref<1x8x64xf32, #tpu.memory_space<vmem>> -> memref<8x64xf32, #tpu.memory_space<vmem>>
        %dma_start3A_1632 = arith.constant 0 : i32
        %dma_start3A_1633 = tpu.memref_slice %arg3[%multiple_of3A_1625, %dma_start3A_1632] : memref<1000000x64xf32, #tpu.memory_space<hbm>> -> memref<8x64xf32, #tpu.memory_space<hbm>>
        %dma_start3A_1634 = arith.constant 16 : i32
        %dma_start3A_1635 = arith.constant 0 : i32
        %dma_start3A_1636 = tpu.memref_slice %arg6[%and3A_1627, %dma_start3A_1634, %dma_start3A_1635] : memref<4x128x64xf32, #tpu.memory_space<vmem>> -> memref<1x8x64xf32, #tpu.memory_space<vmem>>
        %dma_start3A_1637 = tpu.memref_squeeze %dma_start3A_1636 : memref<1x8x64xf32, #tpu.memory_space<vmem>> -> memref<8x64xf32, #tpu.memory_space<vmem>>
        %dma_start3A_1638 = arith.constant 0 : i32
        %dma_start3A_1639 = tpu.memref_slice %arg3[%multiple_of3A_1625, %dma_start3A_1638] : memref<1000000x64xf32, #tpu.memory_space<hbm>> -> memref<8x64xf32, #tpu.memory_space<hbm>>
        tpu.enqueue_dma source(%dma_start3A_1639 : memref<8x64xf32, #tpu.memory_space<hbm>>) target(%dma_start3A_1637 : memref<8x64xf32, #tpu.memory_space<vmem>>) target_semaphore(%arg8 : memref<!tpu.dma_semaphore, #tpu.memory_space<semaphore_mem>>)
        %slice3A_1640 = vector.extract_strided_slice %get3A_1576 {offsets = [3], sizes = [1], strides = [1]} : vector<16xi32> to vector<1xi32>
        %squeeze3A_1641 = vector.extract %slice3A_1640[0] : i32 from vector<1xi32>
        %shift_right_arithmetic3A_1642 = arith.constant 3 : i32
        %shift_right_arithmetic3A_1643 = arith.shrsi %squeeze3A_1641, %shift_right_arithmetic3A_1642 : i32
        %shift_left3A_1644 = arith.constant 3 : i32
        %shift_left3A_1645 = arith.shli %shift_right_arithmetic3A_1643, %shift_left3A_1644 : i32
        %multiple_of3A_1646 = tpu.assume_multiple %shift_left3A_1645, 8 : i32
        %and3A_1647 = arith.constant 3 : i32
        %and3A_1648 = arith.andi %add3A_1572, %and3A_1647 : i32
        %dma_start3A_1649 = arith.constant 24 : i32
        %dma_start3A_1650 = arith.constant 0 : i32
        %dma_start3A_1651 = tpu.memref_slice %arg6[%and3A_1648, %dma_start3A_1649, %dma_start3A_1650] : memref<4x128x64xf32, #tpu.memory_space<vmem>> -> memref<1x8x64xf32, #tpu.memory_space<vmem>>
        %dma_start3A_1652 = tpu.memref_squeeze %dma_start3A_1651 : memref<1x8x64xf32, #tpu.memory_space<vmem>> -> memref<8x64xf32, #tpu.memory_space<vmem>>
        %dma_start3A_1653 = arith.constant 0 : i32
        %dma_start3A_1654 = tpu.memref_slice %arg3[%multiple_of3A_1646, %dma_start3A_1653] : memref<1000000x64xf32, #tpu.memory_space<hbm>> -> memref<8x64xf32, #tpu.memory_space<hbm>>
        %dma_start3A_1655 = arith.constant 24 : i32
        %dma_start3A_1656 = arith.constant 0 : i32
        %dma_start3A_1657 = tpu.memref_slice %arg6[%and3A_1648, %dma_start3A_1655, %dma_start3A_1656] : memref<4x128x64xf32, #tpu.memory_space<vmem>> -> memref<1x8x64xf32, #tpu.memory_space<vmem>>
        %dma_start3A_1658 = tpu.memref_squeeze %dma_start3A_1657 : memref<1x8x64xf32, #tpu.memory_space<vmem>> -> memref<8x64xf32, #tpu.memory_space<vmem>>
        %dma_start3A_1659 = arith.constant 0 : i32
        %dma_start3A_1660 = tpu.memref_slice %arg3[%multiple_of3A_1646, %dma_start3A_1659] : memref<1000000x64xf32, #tpu.memory_space<hbm>> -> memref<8x64xf32, #tpu.memory_space<hbm>>
        tpu.enqueue_dma source(%dma_start3A_1660 : memref<8x64xf32, #tpu.memory_space<hbm>>) target(%dma_start3A_1658 : memref<8x64xf32, #tpu.memory_space<vmem>>) target_semaphore(%arg8 : memref<!tpu.dma_semaphore, #tpu.memory_space<semaphore_mem>>)
        %slice3A_1661 = vector.extract_strided_slice %get3A_1576 {offsets = [4], sizes = [1], strides = [1]} : vector<16xi32> to vector<1xi32>
        %squeeze3A_1662 = vector.extract %slice3A_1661[0] : i32 from vector<1xi32>
        %shift_right_arithmetic3A_1663 = arith.constant 3 : i32
        %shift_right_arithmetic3A_1664 = arith.shrsi %squeeze3A_1662, %shift_right_arithmetic3A_1663 : i32
        %shift_left3A_1665 = arith.constant 3 : i32
        %shift_left3A_1666 = arith.shli %shift_right_arithmetic3A_1664, %shift_left3A_1665 : i32
        %multiple_of3A_1667 = tpu.assume_multiple %shift_left3A_1666, 8 : i32
        %and3A_1668 = arith.constant 3 : i32
        %and3A_1669 = arith.andi %add3A_1572, %and3A_1668 : i32
        %dma_start3A_1670 = arith.constant 32 : i32
        %dma_start3A_1671 = arith.constant 0 : i32
        %dma_start3A_1672 = tpu.memref_slice %arg6[%and3A_1669, %dma_start3A_1670, %dma_start3A_1671] : memref<4x128x64xf32, #tpu.memory_space<vmem>> -> memref<1x8x64xf32, #tpu.memory_space<vmem>>
        %dma_start3A_1673 = tpu.memref_squeeze %dma_start3A_1672 : memref<1x8x64xf32, #tpu.memory_space<vmem>> -> memref<8x64xf32, #tpu.memory_space<vmem>>
        %dma_start3A_1674 = arith.constant 0 : i32
        %dma_start3A_1675 = tpu.memref_slice %arg3[%multiple_of3A_1667, %dma_start3A_1674] : memref<1000000x64xf32, #tpu.memory_space<hbm>> -> memref<8x64xf32, #tpu.memory_space<hbm>>
        %dma_start3A_1676 = arith.constant 32 : i32
        %dma_start3A_1677 = arith.constant 0 : i32
        %dma_start3A_1678 = tpu.memref_slice %arg6[%and3A_1669, %dma_start3A_1676, %dma_start3A_1677] : memref<4x128x64xf32, #tpu.memory_space<vmem>> -> memref<1x8x64xf32, #tpu.memory_space<vmem>>
        %dma_start3A_1679 = tpu.memref_squeeze %dma_start3A_1678 : memref<1x8x64xf32, #tpu.memory_space<vmem>> -> memref<8x64xf32, #tpu.memory_space<vmem>>
        %dma_start3A_1680 = arith.constant 0 : i32
        %dma_start3A_1681 = tpu.memref_slice %arg3[%multiple_of3A_1667, %dma_start3A_1680] : memref<1000000x64xf32, #tpu.memory_space<hbm>> -> memref<8x64xf32, #tpu.memory_space<hbm>>
        tpu.enqueue_dma source(%dma_start3A_1681 : memref<8x64xf32, #tpu.memory_space<hbm>>) target(%dma_start3A_1679 : memref<8x64xf32, #tpu.memory_space<vmem>>) target_semaphore(%arg8 : memref<!tpu.dma_semaphore, #tpu.memory_space<semaphore_mem>>)
        %slice3A_1682 = vector.extract_strided_slice %get3A_1576 {offsets = [5], sizes = [1], strides = [1]} : vector<16xi32> to vector<1xi32>
        %squeeze3A_1683 = vector.extract %slice3A_1682[0] : i32 from vector<1xi32>
        %shift_right_arithmetic3A_1684 = arith.constant 3 : i32
        %shift_right_arithmetic3A_1685 = arith.shrsi %squeeze3A_1683, %shift_right_arithmetic3A_1684 : i32
        %shift_left3A_1686 = arith.constant 3 : i32
        %shift_left3A_1687 = arith.shli %shift_right_arithmetic3A_1685, %shift_left3A_1686 : i32
        %multiple_of3A_1688 = tpu.assume_multiple %shift_left3A_1687, 8 : i32
        %and3A_1689 = arith.constant 3 : i32
        %and3A_1690 = arith.andi %add3A_1572, %and3A_1689 : i32
        %dma_start3A_1691 = arith.constant 40 : i32
        %dma_start3A_1692 = arith.constant 0 : i32
        %dma_start3A_1693 = tpu.memref_slice %arg6[%and3A_1690, %dma_start3A_1691, %dma_start3A_1692] : memref<4x128x64xf32, #tpu.memory_space<vmem>> -> memref<1x8x64xf32, #tpu.memory_space<vmem>>
        %dma_start3A_1694 = tpu.memref_squeeze %dma_start3A_1693 : memref<1x8x64xf32, #tpu.memory_space<vmem>> -> memref<8x64xf32, #tpu.memory_space<vmem>>
        %dma_start3A_1695 = arith.constant 0 : i32
        %dma_start3A_1696 = tpu.memref_slice %arg3[%multiple_of3A_1688, %dma_start3A_1695] : memref<1000000x64xf32, #tpu.memory_space<hbm>> -> memref<8x64xf32, #tpu.memory_space<hbm>>
        %dma_start3A_1697 = arith.constant 40 : i32
        %dma_start3A_1698 = arith.constant 0 : i32
        %dma_start3A_1699 = tpu.memref_slice %arg6[%and3A_1690, %dma_start3A_1697, %dma_start3A_1698] : memref<4x128x64xf32, #tpu.memory_space<vmem>> -> memref<1x8x64xf32, #tpu.memory_space<vmem>>
        %dma_start3A_1700 = tpu.memref_squeeze %dma_start3A_1699 : memref<1x8x64xf32, #tpu.memory_space<vmem>> -> memref<8x64xf32, #tpu.memory_space<vmem>>
        %dma_start3A_1701 = arith.constant 0 : i32
        %dma_start3A_1702 = tpu.memref_slice %arg3[%multiple_of3A_1688, %dma_start3A_1701] : memref<1000000x64xf32, #tpu.memory_space<hbm>> -> memref<8x64xf32, #tpu.memory_space<hbm>>
        tpu.enqueue_dma source(%dma_start3A_1702 : memref<8x64xf32, #tpu.memory_space<hbm>>) target(%dma_start3A_1700 : memref<8x64xf32, #tpu.memory_space<vmem>>) target_semaphore(%arg8 : memref<!tpu.dma_semaphore, #tpu.memory_space<semaphore_mem>>)
        %slice3A_1703 = vector.extract_strided_slice %get3A_1576 {offsets = [6], sizes = [1], strides = [1]} : vector<16xi32> to vector<1xi32>
        %squeeze3A_1704 = vector.extract %slice3A_1703[0] : i32 from vector<1xi32>
        %shift_right_arithmetic3A_1705 = arith.constant 3 : i32
        %shift_right_arithmetic3A_1706 = arith.shrsi %squeeze3A_1704, %shift_right_arithmetic3A_1705 : i32
        %shift_left3A_1707 = arith.constant 3 : i32
        %shift_left3A_1708 = arith.shli %shift_right_arithmetic3A_1706, %shift_left3A_1707 : i32
        %multiple_of3A_1709 = tpu.assume_multiple %shift_left3A_1708, 8 : i32
        %and3A_1710 = arith.constant 3 : i32
        %and3A_1711 = arith.andi %add3A_1572, %and3A_1710 : i32
        %dma_start3A_1712 = arith.constant 48 : i32
        %dma_start3A_1713 = arith.constant 0 : i32
        %dma_start3A_1714 = tpu.memref_slice %arg6[%and3A_1711, %dma_start3A_1712, %dma_start3A_1713] : memref<4x128x64xf32, #tpu.memory_space<vmem>> -> memref<1x8x64xf32, #tpu.memory_space<vmem>>
        %dma_start3A_1715 = tpu.memref_squeeze %dma_start3A_1714 : memref<1x8x64xf32, #tpu.memory_space<vmem>> -> memref<8x64xf32, #tpu.memory_space<vmem>>
        %dma_start3A_1716 = arith.constant 0 : i32
        %dma_start3A_1717 = tpu.memref_slice %arg3[%multiple_of3A_1709, %dma_start3A_1716] : memref<1000000x64xf32, #tpu.memory_space<hbm>> -> memref<8x64xf32, #tpu.memory_space<hbm>>
        %dma_start3A_1718 = arith.constant 48 : i32
        %dma_start3A_1719 = arith.constant 0 : i32
        %dma_start3A_1720 = tpu.memref_slice %arg6[%and3A_1711, %dma_start3A_1718, %dma_start3A_1719] : memref<4x128x64xf32, #tpu.memory_space<vmem>> -> memref<1x8x64xf32, #tpu.memory_space<vmem>>
        %dma_start3A_1721 = tpu.memref_squeeze %dma_start3A_1720 : memref<1x8x64xf32, #tpu.memory_space<vmem>> -> memref<8x64xf32, #tpu.memory_space<vmem>>
        %dma_start3A_1722 = arith.constant 0 : i32
        %dma_start3A_1723 = tpu.memref_slice %arg3[%multiple_of3A_1709, %dma_start3A_1722] : memref<1000000x64xf32, #tpu.memory_space<hbm>> -> memref<8x64xf32, #tpu.memory_space<hbm>>
        tpu.enqueue_dma source(%dma_start3A_1723 : memref<8x64xf32, #tpu.memory_space<hbm>>) target(%dma_start3A_1721 : memref<8x64xf32, #tpu.memory_space<vmem>>) target_semaphore(%arg8 : memref<!tpu.dma_semaphore, #tpu.memory_space<semaphore_mem>>)
        %slice3A_1724 = vector.extract_strided_slice %get3A_1576 {offsets = [7], sizes = [1], strides = [1]} : vector<16xi32> to vector<1xi32>
        %squeeze3A_1725 = vector.extract %slice3A_1724[0] : i32 from vector<1xi32>
        %shift_right_arithmetic3A_1726 = arith.constant 3 : i32
        %shift_right_arithmetic3A_1727 = arith.shrsi %squeeze3A_1725, %shift_right_arithmetic3A_1726 : i32
        %shift_left3A_1728 = arith.constant 3 : i32
        %shift_left3A_1729 = arith.shli %shift_right_arithmetic3A_1727, %shift_left3A_1728 : i32
        %multiple_of3A_1730 = tpu.assume_multiple %shift_left3A_1729, 8 : i32
        %and3A_1731 = arith.constant 3 : i32
        %and3A_1732 = arith.andi %add3A_1572, %and3A_1731 : i32
        %dma_start3A_1733 = arith.constant 56 : i32
        %dma_start3A_1734 = arith.constant 0 : i32
        %dma_start3A_1735 = tpu.memref_slice %arg6[%and3A_1732, %dma_start3A_1733, %dma_start3A_1734] : memref<4x128x64xf32, #tpu.memory_space<vmem>> -> memref<1x8x64xf32, #tpu.memory_space<vmem>>
        %dma_start3A_1736 = tpu.memref_squeeze %dma_start3A_1735 : memref<1x8x64xf32, #tpu.memory_space<vmem>> -> memref<8x64xf32, #tpu.memory_space<vmem>>
        %dma_start3A_1737 = arith.constant 0 : i32
        %dma_start3A_1738 = tpu.memref_slice %arg3[%multiple_of3A_1730, %dma_start3A_1737] : memref<1000000x64xf32, #tpu.memory_space<hbm>> -> memref<8x64xf32, #tpu.memory_space<hbm>>
        %dma_start3A_1739 = arith.constant 56 : i32
        %dma_start3A_1740 = arith.constant 0 : i32
        %dma_start3A_1741 = tpu.memref_slice %arg6[%and3A_1732, %dma_start3A_1739, %dma_start3A_1740] : memref<4x128x64xf32, #tpu.memory_space<vmem>> -> memref<1x8x64xf32, #tpu.memory_space<vmem>>
        %dma_start3A_1742 = tpu.memref_squeeze %dma_start3A_1741 : memref<1x8x64xf32, #tpu.memory_space<vmem>> -> memref<8x64xf32, #tpu.memory_space<vmem>>
        %dma_start3A_1743 = arith.constant 0 : i32
        %dma_start3A_1744 = tpu.memref_slice %arg3[%multiple_of3A_1730, %dma_start3A_1743] : memref<1000000x64xf32, #tpu.memory_space<hbm>> -> memref<8x64xf32, #tpu.memory_space<hbm>>
        tpu.enqueue_dma source(%dma_start3A_1744 : memref<8x64xf32, #tpu.memory_space<hbm>>) target(%dma_start3A_1742 : memref<8x64xf32, #tpu.memory_space<vmem>>) target_semaphore(%arg8 : memref<!tpu.dma_semaphore, #tpu.memory_space<semaphore_mem>>)
        %slice3A_1745 = vector.extract_strided_slice %get3A_1576 {offsets = [8], sizes = [1], strides = [1]} : vector<16xi32> to vector<1xi32>
        %squeeze3A_1746 = vector.extract %slice3A_1745[0] : i32 from vector<1xi32>
        %shift_right_arithmetic3A_1747 = arith.constant 3 : i32
        %shift_right_arithmetic3A_1748 = arith.shrsi %squeeze3A_1746, %shift_right_arithmetic3A_1747 : i32
        %shift_left3A_1749 = arith.constant 3 : i32
        %shift_left3A_1750 = arith.shli %shift_right_arithmetic3A_1748, %shift_left3A_1749 : i32
        %multiple_of3A_1751 = tpu.assume_multiple %shift_left3A_1750, 8 : i32
        %and3A_1752 = arith.constant 3 : i32
        %and3A_1753 = arith.andi %add3A_1572, %and3A_1752 : i32
        %dma_start3A_1754 = arith.constant 64 : i32
        %dma_start3A_1755 = arith.constant 0 : i32
        %dma_start3A_1756 = tpu.memref_slice %arg6[%and3A_1753, %dma_start3A_1754, %dma_start3A_1755] : memref<4x128x64xf32, #tpu.memory_space<vmem>> -> memref<1x8x64xf32, #tpu.memory_space<vmem>>
        %dma_start3A_1757 = tpu.memref_squeeze %dma_start3A_1756 : memref<1x8x64xf32, #tpu.memory_space<vmem>> -> memref<8x64xf32, #tpu.memory_space<vmem>>
        %dma_start3A_1758 = arith.constant 0 : i32
        %dma_start3A_1759 = tpu.memref_slice %arg3[%multiple_of3A_1751, %dma_start3A_1758] : memref<1000000x64xf32, #tpu.memory_space<hbm>> -> memref<8x64xf32, #tpu.memory_space<hbm>>
        %dma_start3A_1760 = arith.constant 64 : i32
        %dma_start3A_1761 = arith.constant 0 : i32
        %dma_start3A_1762 = tpu.memref_slice %arg6[%and3A_1753, %dma_start3A_1760, %dma_start3A_1761] : memref<4x128x64xf32, #tpu.memory_space<vmem>> -> memref<1x8x64xf32, #tpu.memory_space<vmem>>
        %dma_start3A_1763 = tpu.memref_squeeze %dma_start3A_1762 : memref<1x8x64xf32, #tpu.memory_space<vmem>> -> memref<8x64xf32, #tpu.memory_space<vmem>>
        %dma_start3A_1764 = arith.constant 0 : i32
        %dma_start3A_1765 = tpu.memref_slice %arg3[%multiple_of3A_1751, %dma_start3A_1764] : memref<1000000x64xf32, #tpu.memory_space<hbm>> -> memref<8x64xf32, #tpu.memory_space<hbm>>
        tpu.enqueue_dma source(%dma_start3A_1765 : memref<8x64xf32, #tpu.memory_space<hbm>>) target(%dma_start3A_1763 : memref<8x64xf32, #tpu.memory_space<vmem>>) target_semaphore(%arg8 : memref<!tpu.dma_semaphore, #tpu.memory_space<semaphore_mem>>)
        %slice3A_1766 = vector.extract_strided_slice %get3A_1576 {offsets = [9], sizes = [1], strides = [1]} : vector<16xi32> to vector<1xi32>
        %squeeze3A_1767 = vector.extract %slice3A_1766[0] : i32 from vector<1xi32>
        %shift_right_arithmetic3A_1768 = arith.constant 3 : i32
        %shift_right_arithmetic3A_1769 = arith.shrsi %squeeze3A_1767, %shift_right_arithmetic3A_1768 : i32
        %shift_left3A_1770 = arith.constant 3 : i32
        %shift_left3A_1771 = arith.shli %shift_right_arithmetic3A_1769, %shift_left3A_1770 : i32
        %multiple_of3A_1772 = tpu.assume_multiple %shift_left3A_1771, 8 : i32
        %and3A_1773 = arith.constant 3 : i32
        %and3A_1774 = arith.andi %add3A_1572, %and3A_1773 : i32
        %dma_start3A_1775 = arith.constant 72 : i32
        %dma_start3A_1776 = arith.constant 0 : i32
        %dma_start3A_1777 = tpu.memref_slice %arg6[%and3A_1774, %dma_start3A_1775, %dma_start3A_1776] : memref<4x128x64xf32, #tpu.memory_space<vmem>> -> memref<1x8x64xf32, #tpu.memory_space<vmem>>
        %dma_start3A_1778 = tpu.memref_squeeze %dma_start3A_1777 : memref<1x8x64xf32, #tpu.memory_space<vmem>> -> memref<8x64xf32, #tpu.memory_space<vmem>>
        %dma_start3A_1779 = arith.constant 0 : i32
        %dma_start3A_1780 = tpu.memref_slice %arg3[%multiple_of3A_1772, %dma_start3A_1779] : memref<1000000x64xf32, #tpu.memory_space<hbm>> -> memref<8x64xf32, #tpu.memory_space<hbm>>
        %dma_start3A_1781 = arith.constant 72 : i32
        %dma_start3A_1782 = arith.constant 0 : i32
        %dma_start3A_1783 = tpu.memref_slice %arg6[%and3A_1774, %dma_start3A_1781, %dma_start3A_1782] : memref<4x128x64xf32, #tpu.memory_space<vmem>> -> memref<1x8x64xf32, #tpu.memory_space<vmem>>
        %dma_start3A_1784 = tpu.memref_squeeze %dma_start3A_1783 : memref<1x8x64xf32, #tpu.memory_space<vmem>> -> memref<8x64xf32, #tpu.memory_space<vmem>>
        %dma_start3A_1785 = arith.constant 0 : i32
        %dma_start3A_1786 = tpu.memref_slice %arg3[%multiple_of3A_1772, %dma_start3A_1785] : memref<1000000x64xf32, #tpu.memory_space<hbm>> -> memref<8x64xf32, #tpu.memory_space<hbm>>
        tpu.enqueue_dma source(%dma_start3A_1786 : memref<8x64xf32, #tpu.memory_space<hbm>>) target(%dma_start3A_1784 : memref<8x64xf32, #tpu.memory_space<vmem>>) target_semaphore(%arg8 : memref<!tpu.dma_semaphore, #tpu.memory_space<semaphore_mem>>)
        %slice3A_1787 = vector.extract_strided_slice %get3A_1576 {offsets = [10], sizes = [1], strides = [1]} : vector<16xi32> to vector<1xi32>
        %squeeze3A_1788 = vector.extract %slice3A_1787[0] : i32 from vector<1xi32>
        %shift_right_arithmetic3A_1789 = arith.constant 3 : i32
        %shift_right_arithmetic3A_1790 = arith.shrsi %squeeze3A_1788, %shift_right_arithmetic3A_1789 : i32
        %shift_left3A_1791 = arith.constant 3 : i32
        %shift_left3A_1792 = arith.shli %shift_right_arithmetic3A_1790, %shift_left3A_1791 : i32
        %multiple_of3A_1793 = tpu.assume_multiple %shift_left3A_1792, 8 : i32
        %and3A_1794 = arith.constant 3 : i32
        %and3A_1795 = arith.andi %add3A_1572, %and3A_1794 : i32
        %dma_start3A_1796 = arith.constant 80 : i32
        %dma_start3A_1797 = arith.constant 0 : i32
        %dma_start3A_1798 = tpu.memref_slice %arg6[%and3A_1795, %dma_start3A_1796, %dma_start3A_1797] : memref<4x128x64xf32, #tpu.memory_space<vmem>> -> memref<1x8x64xf32, #tpu.memory_space<vmem>>
        %dma_start3A_1799 = tpu.memref_squeeze %dma_start3A_1798 : memref<1x8x64xf32, #tpu.memory_space<vmem>> -> memref<8x64xf32, #tpu.memory_space<vmem>>
        %dma_start3A_1800 = arith.constant 0 : i32
        %dma_start3A_1801 = tpu.memref_slice %arg3[%multiple_of3A_1793, %dma_start3A_1800] : memref<1000000x64xf32, #tpu.memory_space<hbm>> -> memref<8x64xf32, #tpu.memory_space<hbm>>
        %dma_start3A_1802 = arith.constant 80 : i32
        %dma_start3A_1803 = arith.constant 0 : i32
        %dma_start3A_1804 = tpu.memref_slice %arg6[%and3A_1795, %dma_start3A_1802, %dma_start3A_1803] : memref<4x128x64xf32, #tpu.memory_space<vmem>> -> memref<1x8x64xf32, #tpu.memory_space<vmem>>
        %dma_start3A_1805 = tpu.memref_squeeze %dma_start3A_1804 : memref<1x8x64xf32, #tpu.memory_space<vmem>> -> memref<8x64xf32, #tpu.memory_space<vmem>>
        %dma_start3A_1806 = arith.constant 0 : i32
        %dma_start3A_1807 = tpu.memref_slice %arg3[%multiple_of3A_1793, %dma_start3A_1806] : memref<1000000x64xf32, #tpu.memory_space<hbm>> -> memref<8x64xf32, #tpu.memory_space<hbm>>
        tpu.enqueue_dma source(%dma_start3A_1807 : memref<8x64xf32, #tpu.memory_space<hbm>>) target(%dma_start3A_1805 : memref<8x64xf32, #tpu.memory_space<vmem>>) target_semaphore(%arg8 : memref<!tpu.dma_semaphore, #tpu.memory_space<semaphore_mem>>)
        %slice3A_1808 = vector.extract_strided_slice %get3A_1576 {offsets = [11], sizes = [1], strides = [1]} : vector<16xi32> to vector<1xi32>
        %squeeze3A_1809 = vector.extract %slice3A_1808[0] : i32 from vector<1xi32>
        %shift_right_arithmetic3A_1810 = arith.constant 3 : i32
        %shift_right_arithmetic3A_1811 = arith.shrsi %squeeze3A_1809, %shift_right_arithmetic3A_1810 : i32
        %shift_left3A_1812 = arith.constant 3 : i32
        %shift_left3A_1813 = arith.shli %shift_right_arithmetic3A_1811, %shift_left3A_1812 : i32
        %multiple_of3A_1814 = tpu.assume_multiple %shift_left3A_1813, 8 : i32
        %and3A_1815 = arith.constant 3 : i32
        %and3A_1816 = arith.andi %add3A_1572, %and3A_1815 : i32
        %dma_start3A_1817 = arith.constant 88 : i32
        %dma_start3A_1818 = arith.constant 0 : i32
        %dma_start3A_1819 = tpu.memref_slice %arg6[%and3A_1816, %dma_start3A_1817, %dma_start3A_1818] : memref<4x128x64xf32, #tpu.memory_space<vmem>> -> memref<1x8x64xf32, #tpu.memory_space<vmem>>
        %dma_start3A_1820 = tpu.memref_squeeze %dma_start3A_1819 : memref<1x8x64xf32, #tpu.memory_space<vmem>> -> memref<8x64xf32, #tpu.memory_space<vmem>>
        %dma_start3A_1821 = arith.constant 0 : i32
        %dma_start3A_1822 = tpu.memref_slice %arg3[%multiple_of3A_1814, %dma_start3A_1821] : memref<1000000x64xf32, #tpu.memory_space<hbm>> -> memref<8x64xf32, #tpu.memory_space<hbm>>
        %dma_start3A_1823 = arith.constant 88 : i32
        %dma_start3A_1824 = arith.constant 0 : i32
        %dma_start3A_1825 = tpu.memref_slice %arg6[%and3A_1816, %dma_start3A_1823, %dma_start3A_1824] : memref<4x128x64xf32, #tpu.memory_space<vmem>> -> memref<1x8x64xf32, #tpu.memory_space<vmem>>
        %dma_start3A_1826 = tpu.memref_squeeze %dma_start3A_1825 : memref<1x8x64xf32, #tpu.memory_space<vmem>> -> memref<8x64xf32, #tpu.memory_space<vmem>>
        %dma_start3A_1827 = arith.constant 0 : i32
        %dma_start3A_1828 = tpu.memref_slice %arg3[%multiple_of3A_1814, %dma_start3A_1827] : memref<1000000x64xf32, #tpu.memory_space<hbm>> -> memref<8x64xf32, #tpu.memory_space<hbm>>
        tpu.enqueue_dma source(%dma_start3A_1828 : memref<8x64xf32, #tpu.memory_space<hbm>>) target(%dma_start3A_1826 : memref<8x64xf32, #tpu.memory_space<vmem>>) target_semaphore(%arg8 : memref<!tpu.dma_semaphore, #tpu.memory_space<semaphore_mem>>)
        %slice3A_1829 = vector.extract_strided_slice %get3A_1576 {offsets = [12], sizes = [1], strides = [1]} : vector<16xi32> to vector<1xi32>
        %squeeze3A_1830 = vector.extract %slice3A_1829[0] : i32 from vector<1xi32>
        %shift_right_arithmetic3A_1831 = arith.constant 3 : i32
        %shift_right_arithmetic3A_1832 = arith.shrsi %squeeze3A_1830, %shift_right_arithmetic3A_1831 : i32
        %shift_left3A_1833 = arith.constant 3 : i32
        %shift_left3A_1834 = arith.shli %shift_right_arithmetic3A_1832, %shift_left3A_1833 : i32
        %multiple_of3A_1835 = tpu.assume_multiple %shift_left3A_1834, 8 : i32
        %and3A_1836 = arith.constant 3 : i32
        %and3A_1837 = arith.andi %add3A_1572, %and3A_1836 : i32
        %dma_start3A_1838 = arith.constant 96 : i32
        %dma_start3A_1839 = arith.constant 0 : i32
        %dma_start3A_1840 = tpu.memref_slice %arg6[%and3A_1837, %dma_start3A_1838, %dma_start3A_1839] : memref<4x128x64xf32, #tpu.memory_space<vmem>> -> memref<1x8x64xf32, #tpu.memory_space<vmem>>
        %dma_start3A_1841 = tpu.memref_squeeze %dma_start3A_1840 : memref<1x8x64xf32, #tpu.memory_space<vmem>> -> memref<8x64xf32, #tpu.memory_space<vmem>>
        %dma_start3A_1842 = arith.constant 0 : i32
        %dma_start3A_1843 = tpu.memref_slice %arg3[%multiple_of3A_1835, %dma_start3A_1842] : memref<1000000x64xf32, #tpu.memory_space<hbm>> -> memref<8x64xf32, #tpu.memory_space<hbm>>
        %dma_start3A_1844 = arith.constant 96 : i32
        %dma_start3A_1845 = arith.constant 0 : i32
        %dma_start3A_1846 = tpu.memref_slice %arg6[%and3A_1837, %dma_start3A_1844, %dma_start3A_1845] : memref<4x128x64xf32, #tpu.memory_space<vmem>> -> memref<1x8x64xf32, #tpu.memory_space<vmem>>
        %dma_start3A_1847 = tpu.memref_squeeze %dma_start3A_1846 : memref<1x8x64xf32, #tpu.memory_space<vmem>> -> memref<8x64xf32, #tpu.memory_space<vmem>>
        %dma_start3A_1848 = arith.constant 0 : i32
        %dma_start3A_1849 = tpu.memref_slice %arg3[%multiple_of3A_1835, %dma_start3A_1848] : memref<1000000x64xf32, #tpu.memory_space<hbm>> -> memref<8x64xf32, #tpu.memory_space<hbm>>
        tpu.enqueue_dma source(%dma_start3A_1849 : memref<8x64xf32, #tpu.memory_space<hbm>>) target(%dma_start3A_1847 : memref<8x64xf32, #tpu.memory_space<vmem>>) target_semaphore(%arg8 : memref<!tpu.dma_semaphore, #tpu.memory_space<semaphore_mem>>)
        %slice3A_1850 = vector.extract_strided_slice %get3A_1576 {offsets = [13], sizes = [1], strides = [1]} : vector<16xi32> to vector<1xi32>
        %squeeze3A_1851 = vector.extract %slice3A_1850[0] : i32 from vector<1xi32>
        %shift_right_arithmetic3A_1852 = arith.constant 3 : i32
        %shift_right_arithmetic3A_1853 = arith.shrsi %squeeze3A_1851, %shift_right_arithmetic3A_1852 : i32
        %shift_left3A_1854 = arith.constant 3 : i32
        %shift_left3A_1855 = arith.shli %shift_right_arithmetic3A_1853, %shift_left3A_1854 : i32
        %multiple_of3A_1856 = tpu.assume_multiple %shift_left3A_1855, 8 : i32
        %and3A_1857 = arith.constant 3 : i32
        %and3A_1858 = arith.andi %add3A_1572, %and3A_1857 : i32
        %dma_start3A_1859 = arith.constant 104 : i32
        %dma_start3A_1860 = arith.constant 0 : i32
        %dma_start3A_1861 = tpu.memref_slice %arg6[%and3A_1858, %dma_start3A_1859, %dma_start3A_1860] : memref<4x128x64xf32, #tpu.memory_space<vmem>> -> memref<1x8x64xf32, #tpu.memory_space<vmem>>
        %dma_start3A_1862 = tpu.memref_squeeze %dma_start3A_1861 : memref<1x8x64xf32, #tpu.memory_space<vmem>> -> memref<8x64xf32, #tpu.memory_space<vmem>>
        %dma_start3A_1863 = arith.constant 0 : i32
        %dma_start3A_1864 = tpu.memref_slice %arg3[%multiple_of3A_1856, %dma_start3A_1863] : memref<1000000x64xf32, #tpu.memory_space<hbm>> -> memref<8x64xf32, #tpu.memory_space<hbm>>
        %dma_start3A_1865 = arith.constant 104 : i32
        %dma_start3A_1866 = arith.constant 0 : i32
        %dma_start3A_1867 = tpu.memref_slice %arg6[%and3A_1858, %dma_start3A_1865, %dma_start3A_1866] : memref<4x128x64xf32, #tpu.memory_space<vmem>> -> memref<1x8x64xf32, #tpu.memory_space<vmem>>
        %dma_start3A_1868 = tpu.memref_squeeze %dma_start3A_1867 : memref<1x8x64xf32, #tpu.memory_space<vmem>> -> memref<8x64xf32, #tpu.memory_space<vmem>>
        %dma_start3A_1869 = arith.constant 0 : i32
        %dma_start3A_1870 = tpu.memref_slice %arg3[%multiple_of3A_1856, %dma_start3A_1869] : memref<1000000x64xf32, #tpu.memory_space<hbm>> -> memref<8x64xf32, #tpu.memory_space<hbm>>
        tpu.enqueue_dma source(%dma_start3A_1870 : memref<8x64xf32, #tpu.memory_space<hbm>>) target(%dma_start3A_1868 : memref<8x64xf32, #tpu.memory_space<vmem>>) target_semaphore(%arg8 : memref<!tpu.dma_semaphore, #tpu.memory_space<semaphore_mem>>)
        %slice3A_1871 = vector.extract_strided_slice %get3A_1576 {offsets = [14], sizes = [1], strides = [1]} : vector<16xi32> to vector<1xi32>
        %squeeze3A_1872 = vector.extract %slice3A_1871[0] : i32 from vector<1xi32>
        %shift_right_arithmetic3A_1873 = arith.constant 3 : i32
        %shift_right_arithmetic3A_1874 = arith.shrsi %squeeze3A_1872, %shift_right_arithmetic3A_1873 : i32
        %shift_left3A_1875 = arith.constant 3 : i32
        %shift_left3A_1876 = arith.shli %shift_right_arithmetic3A_1874, %shift_left3A_1875 : i32
        %multiple_of3A_1877 = tpu.assume_multiple %shift_left3A_1876, 8 : i32
        %and3A_1878 = arith.constant 3 : i32
        %and3A_1879 = arith.andi %add3A_1572, %and3A_1878 : i32
        %dma_start3A_1880 = arith.constant 112 : i32
        %dma_start3A_1881 = arith.constant 0 : i32
        %dma_start3A_1882 = tpu.memref_slice %arg6[%and3A_1879, %dma_start3A_1880, %dma_start3A_1881] : memref<4x128x64xf32, #tpu.memory_space<vmem>> -> memref<1x8x64xf32, #tpu.memory_space<vmem>>
        %dma_start3A_1883 = tpu.memref_squeeze %dma_start3A_1882 : memref<1x8x64xf32, #tpu.memory_space<vmem>> -> memref<8x64xf32, #tpu.memory_space<vmem>>
        %dma_start3A_1884 = arith.constant 0 : i32
        %dma_start3A_1885 = tpu.memref_slice %arg3[%multiple_of3A_1877, %dma_start3A_1884] : memref<1000000x64xf32, #tpu.memory_space<hbm>> -> memref<8x64xf32, #tpu.memory_space<hbm>>
        %dma_start3A_1886 = arith.constant 112 : i32
        %dma_start3A_1887 = arith.constant 0 : i32
        %dma_start3A_1888 = tpu.memref_slice %arg6[%and3A_1879, %dma_start3A_1886, %dma_start3A_1887] : memref<4x128x64xf32, #tpu.memory_space<vmem>> -> memref<1x8x64xf32, #tpu.memory_space<vmem>>
        %dma_start3A_1889 = tpu.memref_squeeze %dma_start3A_1888 : memref<1x8x64xf32, #tpu.memory_space<vmem>> -> memref<8x64xf32, #tpu.memory_space<vmem>>
        %dma_start3A_1890 = arith.constant 0 : i32
        %dma_start3A_1891 = tpu.memref_slice %arg3[%multiple_of3A_1877, %dma_start3A_1890] : memref<1000000x64xf32, #tpu.memory_space<hbm>> -> memref<8x64xf32, #tpu.memory_space<hbm>>
        tpu.enqueue_dma source(%dma_start3A_1891 : memref<8x64xf32, #tpu.memory_space<hbm>>) target(%dma_start3A_1889 : memref<8x64xf32, #tpu.memory_space<vmem>>) target_semaphore(%arg8 : memref<!tpu.dma_semaphore, #tpu.memory_space<semaphore_mem>>)
        %slice3A_1892 = vector.extract_strided_slice %get3A_1576 {offsets = [15], sizes = [1], strides = [1]} : vector<16xi32> to vector<1xi32>
        %squeeze3A_1893 = vector.extract %slice3A_1892[0] : i32 from vector<1xi32>
        %shift_right_arithmetic3A_1894 = arith.constant 3 : i32
        %shift_right_arithmetic3A_1895 = arith.shrsi %squeeze3A_1893, %shift_right_arithmetic3A_1894 : i32
        %shift_left3A_1896 = arith.constant 3 : i32
        %shift_left3A_1897 = arith.shli %shift_right_arithmetic3A_1895, %shift_left3A_1896 : i32
        %multiple_of3A_1898 = tpu.assume_multiple %shift_left3A_1897, 8 : i32
        %and3A_1899 = arith.constant 3 : i32
        %and3A_1900 = arith.andi %add3A_1572, %and3A_1899 : i32
        %dma_start3A_1901 = arith.constant 120 : i32
        %dma_start3A_1902 = arith.constant 0 : i32
        %dma_start3A_1903 = tpu.memref_slice %arg6[%and3A_1900, %dma_start3A_1901, %dma_start3A_1902] : memref<4x128x64xf32, #tpu.memory_space<vmem>> -> memref<1x8x64xf32, #tpu.memory_space<vmem>>
        %dma_start3A_1904 = tpu.memref_squeeze %dma_start3A_1903 : memref<1x8x64xf32, #tpu.memory_space<vmem>> -> memref<8x64xf32, #tpu.memory_space<vmem>>
        %dma_start3A_1905 = arith.constant 0 : i32
        %dma_start3A_1906 = tpu.memref_slice %arg3[%multiple_of3A_1898, %dma_start3A_1905] : memref<1000000x64xf32, #tpu.memory_space<hbm>> -> memref<8x64xf32, #tpu.memory_space<hbm>>
        %dma_start3A_1907 = arith.constant 120 : i32
        %dma_start3A_1908 = arith.constant 0 : i32
        %dma_start3A_1909 = tpu.memref_slice %arg6[%and3A_1900, %dma_start3A_1907, %dma_start3A_1908] : memref<4x128x64xf32, #tpu.memory_space<vmem>> -> memref<1x8x64xf32, #tpu.memory_space<vmem>>
        %dma_start3A_1910 = tpu.memref_squeeze %dma_start3A_1909 : memref<1x8x64xf32, #tpu.memory_space<vmem>> -> memref<8x64xf32, #tpu.memory_space<vmem>>
        %dma_start3A_1911 = arith.constant 0 : i32
        %dma_start3A_1912 = tpu.memref_slice %arg3[%multiple_of3A_1898, %dma_start3A_1911] : memref<1000000x64xf32, #tpu.memory_space<hbm>> -> memref<8x64xf32, #tpu.memory_space<hbm>>
        tpu.enqueue_dma source(%dma_start3A_1912 : memref<8x64xf32, #tpu.memory_space<hbm>>) target(%dma_start3A_1910 : memref<8x64xf32, #tpu.memory_space<vmem>>) target_semaphore(%arg8 : memref<!tpu.dma_semaphore, #tpu.memory_space<semaphore_mem>>)
      } else {
      }
      %and3A = arith.constant 3 : i32
      %and3A_973 = arith.andi %scan3A_970, %and3A : i32
      %dma_wait3A = arith.constant 0 : i32
      %dma_wait3A_974 = arith.constant 0 : i32
      %dma_wait3A_975 = tpu.memref_slice %arg6[%and3A_973, %dma_wait3A, %dma_wait3A_974] : memref<4x128x64xf32, #tpu.memory_space<vmem>> -> memref<1x128x64xf32, #tpu.memory_space<vmem>>
      %dma_wait3A_976 = tpu.memref_squeeze %dma_wait3A_975 : memref<1x128x64xf32, #tpu.memory_space<vmem>> -> memref<128x64xf32, #tpu.memory_space<vmem>>
      %dma_wait3A_977 = arith.constant 0 : i32
      %dma_wait3A_978 = arith.constant 0 : i32
      %dma_wait3A_979 = tpu.memref_slice %arg3[%dma_wait3A_977, %dma_wait3A_978] : memref<1000000x64xf32, #tpu.memory_space<hbm>> -> memref<128x64xf32, #tpu.memory_space<hbm>>
      %dma_wait3A_980 = arith.constant 0 : i32
      %dma_wait3A_981 = arith.constant 0 : i32
      %dma_wait3A_982 = tpu.memref_slice %arg6[%and3A_973, %dma_wait3A_980, %dma_wait3A_981] : memref<4x128x64xf32, #tpu.memory_space<vmem>> -> memref<1x128x64xf32, #tpu.memory_space<vmem>>
      %dma_wait3A_983 = tpu.memref_squeeze %dma_wait3A_982 : memref<1x128x64xf32, #tpu.memory_space<vmem>> -> memref<128x64xf32, #tpu.memory_space<vmem>>
      %dma_wait3A_984 = arith.constant 0 : i32
      %dma_wait3A_985 = arith.constant 0 : i32
      %dma_wait3A_986 = tpu.memref_slice %arg3[%dma_wait3A_984, %dma_wait3A_985] : memref<1000000x64xf32, #tpu.memory_space<hbm>> -> memref<128x64xf32, #tpu.memory_space<hbm>>
      tpu.wait_dma2 semaphore(%arg8 : memref<!tpu.dma_semaphore, #tpu.memory_space<semaphore_mem>>) src(%dma_wait3A_986 : memref<128x64xf32, #tpu.memory_space<hbm>>) dst(%dma_wait3A_983 : memref<128x64xf32, #tpu.memory_space<vmem>>)
      %mul3A_987 = arith.constant 16 : i32
      %mul3A_988 = arith.muli %scan3A_970, %mul3A_987 : i32
      %get3A_989 = arith.index_cast %mul3A_988 : i32 to index
      %get3A_990 = tpu.vector_load %arg5[%get3A_989] {strides = array<i32>} : memref<512xi32, #tpu.memory_space<vmem>>, vector<16xi32>,
      %and3A_991 = arith.constant 7 : i32
      %and3A_992 = vector.broadcast %and3A_991 : i32 to vector<16xi32>
      %and3A_993 = arith.andi %get3A_990, %and3A_992 : vector<16xi32>
      %add3A_994 = arith.addi %mul3A_5, %and3A_993 : vector<16xi32>
      %and3A_995 = arith.constant 3 : i32
      %and3A_996 = arith.andi %scan3A_970, %and3A_995 : i32
      %broadcast_in_dim3A = vector.broadcast %and3A_996 : i32 to vector<16xi32>
      %broadcast_in_dim3A_997 = arith.constant 0 : i32
      %broadcast_in_dim3A_998 = vector.broadcast %broadcast_in_dim3A_997 : i32 to vector<16xi32>
      %gather3A = tpu.vector_load_idx %arg6[%broadcast_in_dim3A, %add3A_994, %broadcast_in_dim3A_998] : memref<4x128x64xf32, #tpu.memory_space<vmem>>[vector<16xi32>, vector<16xi32>, vector<16xi32>], vector<16xf32>,
      %mul3A_999 = arith.constant 16 : i32
      %mul3A_1000 = arith.muli %scan3A_970, %mul3A_999 : i32
      %swap3A = arith.constant 0 : i32
      %swap3A_1001 = arith.index_cast %swap3A : i32 to index
      %swap3A_1002 = arith.index_cast %mul3A_1000 : i32 to index
      %swap3A_1003 = tpu.vector_load %arg7[%swap3A_1001, %swap3A_1002] {strides = array<i32>} : memref<64x512xf32, #tpu.memory_space<vmem>>, vector<16xf32>,
      tpu.vector_store %arg7[%swap3A_1001, %swap3A_1002], %gather3A {strides = array<i32>} : memref<64x512xf32, #tpu.memory_space<vmem>>, vector<16xf32>,
      %broadcast_in_dim3A_1004 = arith.constant 1 : i32
      %broadcast_in_dim3A_1005 = vector.broadcast %broadcast_in_dim3A_1004 : i32 to vector<16xi32>
      %gather3A_1006 = tpu.vector_load_idx %arg6[%broadcast_in_dim3A, %add3A_994, %broadcast_in_dim3A_1005] : memref<4x128x64xf32, #tpu.memory_space<vmem>>[vector<16xi32>, vector<16xi32>, vector<16xi32>], vector<16xf32>,
      %mul3A_1007 = arith.constant 16 : i32
      %mul3A_1008 = arith.muli %scan3A_970, %mul3A_1007 : i32
      %swap3A_1009 = arith.constant 1 : i32
      %swap3A_1010 = arith.index_cast %swap3A_1009 : i32 to index
      %swap3A_1011 = arith.index_cast %mul3A_1008 : i32 to index
      %swap3A_1012 = tpu.vector_load %arg7[%swap3A_1010, %swap3A_1011] {strides = array<i32>} : memref<64x512xf32, #tpu.memory_space<vmem>>, vector<16xf32>,
      tpu.vector_store %arg7[%swap3A_1010, %swap3A_1011], %gather3A_1006 {strides = array<i32>} : memref<64x512xf32, #tpu.memory_space<vmem>>, vector<16xf32>,
      %broadcast_in_dim3A_1013 = arith.constant 2 : i32
      %broadcast_in_dim3A_1014 = vector.broadcast %broadcast_in_dim3A_1013 : i32 to vector<16xi32>
      %gather3A_1015 = tpu.vector_load_idx %arg6[%broadcast_in_dim3A, %add3A_994, %broadcast_in_dim3A_1014] : memref<4x128x64xf32, #tpu.memory_space<vmem>>[vector<16xi32>, vector<16xi32>, vector<16xi32>], vector<16xf32>,
      %mul3A_1016 = arith.constant 16 : i32
      %mul3A_1017 = arith.muli %scan3A_970, %mul3A_1016 : i32
      %swap3A_1018 = arith.constant 2 : i32
      %swap3A_1019 = arith.index_cast %swap3A_1018 : i32 to index
      %swap3A_1020 = arith.index_cast %mul3A_1017 : i32 to index
      %swap3A_1021 = tpu.vector_load %arg7[%swap3A_1019, %swap3A_1020] {strides = array<i32>} : memref<64x512xf32, #tpu.memory_space<vmem>>, vector<16xf32>,
      tpu.vector_store %arg7[%swap3A_1019, %swap3A_1020], %gather3A_1015 {strides = array<i32>} : memref<64x512xf32, #tpu.memory_space<vmem>>, vector<16xf32>,
      %broadcast_in_dim3A_1022 = arith.constant 3 : i32
      %broadcast_in_dim3A_1023 = vector.broadcast %broadcast_in_dim3A_1022 : i32 to vector<16xi32>
      %gather3A_1024 = tpu.vector_load_idx %arg6[%broadcast_in_dim3A, %add3A_994, %broadcast_in_dim3A_1023] : memref<4x128x64xf32, #tpu.memory_space<vmem>>[vector<16xi32>, vector<16xi32>, vector<16xi32>], vector<16xf32>,
      %mul3A_1025 = arith.constant 16 : i32
      %mul3A_1026 = arith.muli %scan3A_970, %mul3A_1025 : i32
      %swap3A_1027 = arith.constant 3 : i32
      %swap3A_1028 = arith.index_cast %swap3A_1027 : i32 to index
      %swap3A_1029 = arith.index_cast %mul3A_1026 : i32 to index
      %swap3A_1030 = tpu.vector_load %arg7[%swap3A_1028, %swap3A_1029] {strides = array<i32>} : memref<64x512xf32, #tpu.memory_space<vmem>>, vector<16xf32>,
      tpu.vector_store %arg7[%swap3A_1028, %swap3A_1029], %gather3A_1024 {strides = array<i32>} : memref<64x512xf32, #tpu.memory_space<vmem>>, vector<16xf32>,
      %broadcast_in_dim3A_1031 = arith.constant 4 : i32
      %broadcast_in_dim3A_1032 = vector.broadcast %broadcast_in_dim3A_1031 : i32 to vector<16xi32>
      %gather3A_1033 = tpu.vector_load_idx %arg6[%broadcast_in_dim3A, %add3A_994, %broadcast_in_dim3A_1032] : memref<4x128x64xf32, #tpu.memory_space<vmem>>[vector<16xi32>, vector<16xi32>, vector<16xi32>], vector<16xf32>,
      %mul3A_1034 = arith.constant 16 : i32
      %mul3A_1035 = arith.muli %scan3A_970, %mul3A_1034 : i32
      %swap3A_1036 = arith.constant 4 : i32
      %swap3A_1037 = arith.index_cast %swap3A_1036 : i32 to index
      %swap3A_1038 = arith.index_cast %mul3A_1035 : i32 to index
      %swap3A_1039 = tpu.vector_load %arg7[%swap3A_1037, %swap3A_1038] {strides = array<i32>} : memref<64x512xf32, #tpu.memory_space<vmem>>, vector<16xf32>,
      tpu.vector_store %arg7[%swap3A_1037, %swap3A_1038], %gather3A_1033 {strides = array<i32>} : memref<64x512xf32, #tpu.memory_space<vmem>>, vector<16xf32>,
      %broadcast_in_dim3A_1040 = arith.constant 5 : i32
      %broadcast_in_dim3A_1041 = vector.broadcast %broadcast_in_dim3A_1040 : i32 to vector<16xi32>
      %gather3A_1042 = tpu.vector_load_idx %arg6[%broadcast_in_dim3A, %add3A_994, %broadcast_in_dim3A_1041] : memref<4x128x64xf32, #tpu.memory_space<vmem>>[vector<16xi32>, vector<16xi32>, vector<16xi32>], vector<16xf32>,
      %mul3A_1043 = arith.constant 16 : i32
      %mul3A_1044 = arith.muli %scan3A_970, %mul3A_1043 : i32
      %swap3A_1045 = arith.constant 5 : i32
      %swap3A_1046 = arith.index_cast %swap3A_1045 : i32 to index
      %swap3A_1047 = arith.index_cast %mul3A_1044 : i32 to index
      %swap3A_1048 = tpu.vector_load %arg7[%swap3A_1046, %swap3A_1047] {strides = array<i32>} : memref<64x512xf32, #tpu.memory_space<vmem>>, vector<16xf32>,
      tpu.vector_store %arg7[%swap3A_1046, %swap3A_1047], %gather3A_1042 {strides = array<i32>} : memref<64x512xf32, #tpu.memory_space<vmem>>, vector<16xf32>,
      %broadcast_in_dim3A_1049 = arith.constant 6 : i32
      %broadcast_in_dim3A_1050 = vector.broadcast %broadcast_in_dim3A_1049 : i32 to vector<16xi32>
      %gather3A_1051 = tpu.vector_load_idx %arg6[%broadcast_in_dim3A, %add3A_994, %broadcast_in_dim3A_1050] : memref<4x128x64xf32, #tpu.memory_space<vmem>>[vector<16xi32>, vector<16xi32>, vector<16xi32>], vector<16xf32>,
      %mul3A_1052 = arith.constant 16 : i32
      %mul3A_1053 = arith.muli %scan3A_970, %mul3A_1052 : i32
      %swap3A_1054 = arith.constant 6 : i32
      %swap3A_1055 = arith.index_cast %swap3A_1054 : i32 to index
      %swap3A_1056 = arith.index_cast %mul3A_1053 : i32 to index
      %swap3A_1057 = tpu.vector_load %arg7[%swap3A_1055, %swap3A_1056] {strides = array<i32>} : memref<64x512xf32, #tpu.memory_space<vmem>>, vector<16xf32>,
      tpu.vector_store %arg7[%swap3A_1055, %swap3A_1056], %gather3A_1051 {strides = array<i32>} : memref<64x512xf32, #tpu.memory_space<vmem>>, vector<16xf32>,
      %broadcast_in_dim3A_1058 = arith.constant 7 : i32
      %broadcast_in_dim3A_1059 = vector.broadcast %broadcast_in_dim3A_1058 : i32 to vector<16xi32>
      %gather3A_1060 = tpu.vector_load_idx %arg6[%broadcast_in_dim3A, %add3A_994, %broadcast_in_dim3A_1059] : memref<4x128x64xf32, #tpu.memory_space<vmem>>[vector<16xi32>, vector<16xi32>, vector<16xi32>], vector<16xf32>,
      %mul3A_1061 = arith.constant 16 : i32
      %mul3A_1062 = arith.muli %scan3A_970, %mul3A_1061 : i32
      %swap3A_1063 = arith.constant 7 : i32
      %swap3A_1064 = arith.index_cast %swap3A_1063 : i32 to index
      %swap3A_1065 = arith.index_cast %mul3A_1062 : i32 to index
      %swap3A_1066 = tpu.vector_load %arg7[%swap3A_1064, %swap3A_1065] {strides = array<i32>} : memref<64x512xf32, #tpu.memory_space<vmem>>, vector<16xf32>,
      tpu.vector_store %arg7[%swap3A_1064, %swap3A_1065], %gather3A_1060 {strides = array<i32>} : memref<64x512xf32, #tpu.memory_space<vmem>>, vector<16xf32>,
      %broadcast_in_dim3A_1067 = arith.constant 8 : i32
      %broadcast_in_dim3A_1068 = vector.broadcast %broadcast_in_dim3A_1067 : i32 to vector<16xi32>
      %gather3A_1069 = tpu.vector_load_idx %arg6[%broadcast_in_dim3A, %add3A_994, %broadcast_in_dim3A_1068] : memref<4x128x64xf32, #tpu.memory_space<vmem>>[vector<16xi32>, vector<16xi32>, vector<16xi32>], vector<16xf32>,
      %mul3A_1070 = arith.constant 16 : i32
      %mul3A_1071 = arith.muli %scan3A_970, %mul3A_1070 : i32
      %swap3A_1072 = arith.constant 8 : i32
      %swap3A_1073 = arith.index_cast %swap3A_1072 : i32 to index
      %swap3A_1074 = arith.index_cast %mul3A_1071 : i32 to index
      %swap3A_1075 = tpu.vector_load %arg7[%swap3A_1073, %swap3A_1074] {strides = array<i32>} : memref<64x512xf32, #tpu.memory_space<vmem>>, vector<16xf32>,
      tpu.vector_store %arg7[%swap3A_1073, %swap3A_1074], %gather3A_1069 {strides = array<i32>} : memref<64x512xf32, #tpu.memory_space<vmem>>, vector<16xf32>,
      %broadcast_in_dim3A_1076 = arith.constant 9 : i32
      %broadcast_in_dim3A_1077 = vector.broadcast %broadcast_in_dim3A_1076 : i32 to vector<16xi32>
      %gather3A_1078 = tpu.vector_load_idx %arg6[%broadcast_in_dim3A, %add3A_994, %broadcast_in_dim3A_1077] : memref<4x128x64xf32, #tpu.memory_space<vmem>>[vector<16xi32>, vector<16xi32>, vector<16xi32>], vector<16xf32>,
      %mul3A_1079 = arith.constant 16 : i32
      %mul3A_1080 = arith.muli %scan3A_970, %mul3A_1079 : i32
      %swap3A_1081 = arith.constant 9 : i32
      %swap3A_1082 = arith.index_cast %swap3A_1081 : i32 to index
      %swap3A_1083 = arith.index_cast %mul3A_1080 : i32 to index
      %swap3A_1084 = tpu.vector_load %arg7[%swap3A_1082, %swap3A_1083] {strides = array<i32>} : memref<64x512xf32, #tpu.memory_space<vmem>>, vector<16xf32>,
      tpu.vector_store %arg7[%swap3A_1082, %swap3A_1083], %gather3A_1078 {strides = array<i32>} : memref<64x512xf32, #tpu.memory_space<vmem>>, vector<16xf32>,
      %broadcast_in_dim3A_1085 = arith.constant 10 : i32
      %broadcast_in_dim3A_1086 = vector.broadcast %broadcast_in_dim3A_1085 : i32 to vector<16xi32>
      %gather3A_1087 = tpu.vector_load_idx %arg6[%broadcast_in_dim3A, %add3A_994, %broadcast_in_dim3A_1086] : memref<4x128x64xf32, #tpu.memory_space<vmem>>[vector<16xi32>, vector<16xi32>, vector<16xi32>], vector<16xf32>,
      %mul3A_1088 = arith.constant 16 : i32
      %mul3A_1089 = arith.muli %scan3A_970, %mul3A_1088 : i32
      %swap3A_1090 = arith.constant 10 : i32
      %swap3A_1091 = arith.index_cast %swap3A_1090 : i32 to index
      %swap3A_1092 = arith.index_cast %mul3A_1089 : i32 to index
      %swap3A_1093 = tpu.vector_load %arg7[%swap3A_1091, %swap3A_1092] {strides = array<i32>} : memref<64x512xf32, #tpu.memory_space<vmem>>, vector<16xf32>,
      tpu.vector_store %arg7[%swap3A_1091, %swap3A_1092], %gather3A_1087 {strides = array<i32>} : memref<64x512xf32, #tpu.memory_space<vmem>>, vector<16xf32>,
      %broadcast_in_dim3A_1094 = arith.constant 11 : i32
      %broadcast_in_dim3A_1095 = vector.broadcast %broadcast_in_dim3A_1094 : i32 to vector<16xi32>
      %gather3A_1096 = tpu.vector_load_idx %arg6[%broadcast_in_dim3A, %add3A_994, %broadcast_in_dim3A_1095] : memref<4x128x64xf32, #tpu.memory_space<vmem>>[vector<16xi32>, vector<16xi32>, vector<16xi32>], vector<16xf32>,
      %mul3A_1097 = arith.constant 16 : i32
      %mul3A_1098 = arith.muli %scan3A_970, %mul3A_1097 : i32
      %swap3A_1099 = arith.constant 11 : i32
      %swap3A_1100 = arith.index_cast %swap3A_1099 : i32 to index
      %swap3A_1101 = arith.index_cast %mul3A_1098 : i32 to index
      %swap3A_1102 = tpu.vector_load %arg7[%swap3A_1100, %swap3A_1101] {strides = array<i32>} : memref<64x512xf32, #tpu.memory_space<vmem>>, vector<16xf32>,
      tpu.vector_store %arg7[%swap3A_1100, %swap3A_1101], %gather3A_1096 {strides = array<i32>} : memref<64x512xf32, #tpu.memory_space<vmem>>, vector<16xf32>,
      %broadcast_in_dim3A_1103 = arith.constant 12 : i32
      %broadcast_in_dim3A_1104 = vector.broadcast %broadcast_in_dim3A_1103 : i32 to vector<16xi32>
      %gather3A_1105 = tpu.vector_load_idx %arg6[%broadcast_in_dim3A, %add3A_994, %broadcast_in_dim3A_1104] : memref<4x128x64xf32, #tpu.memory_space<vmem>>[vector<16xi32>, vector<16xi32>, vector<16xi32>], vector<16xf32>,
      %mul3A_1106 = arith.constant 16 : i32
      %mul3A_1107 = arith.muli %scan3A_970, %mul3A_1106 : i32
      %swap3A_1108 = arith.constant 12 : i32
      %swap3A_1109 = arith.index_cast %swap3A_1108 : i32 to index
      %swap3A_1110 = arith.index_cast %mul3A_1107 : i32 to index
      %swap3A_1111 = tpu.vector_load %arg7[%swap3A_1109, %swap3A_1110] {strides = array<i32>} : memref<64x512xf32, #tpu.memory_space<vmem>>, vector<16xf32>,
      tpu.vector_store %arg7[%swap3A_1109, %swap3A_1110], %gather3A_1105 {strides = array<i32>} : memref<64x512xf32, #tpu.memory_space<vmem>>, vector<16xf32>,
      %broadcast_in_dim3A_1112 = arith.constant 13 : i32
      %broadcast_in_dim3A_1113 = vector.broadcast %broadcast_in_dim3A_1112 : i32 to vector<16xi32>
      %gather3A_1114 = tpu.vector_load_idx %arg6[%broadcast_in_dim3A, %add3A_994, %broadcast_in_dim3A_1113] : memref<4x128x64xf32, #tpu.memory_space<vmem>>[vector<16xi32>, vector<16xi32>, vector<16xi32>], vector<16xf32>,
      %mul3A_1115 = arith.constant 16 : i32
      %mul3A_1116 = arith.muli %scan3A_970, %mul3A_1115 : i32
      %swap3A_1117 = arith.constant 13 : i32
      %swap3A_1118 = arith.index_cast %swap3A_1117 : i32 to index
      %swap3A_1119 = arith.index_cast %mul3A_1116 : i32 to index
      %swap3A_1120 = tpu.vector_load %arg7[%swap3A_1118, %swap3A_1119] {strides = array<i32>} : memref<64x512xf32, #tpu.memory_space<vmem>>, vector<16xf32>,
      tpu.vector_store %arg7[%swap3A_1118, %swap3A_1119], %gather3A_1114 {strides = array<i32>} : memref<64x512xf32, #tpu.memory_space<vmem>>, vector<16xf32>,
      %broadcast_in_dim3A_1121 = arith.constant 14 : i32
      %broadcast_in_dim3A_1122 = vector.broadcast %broadcast_in_dim3A_1121 : i32 to vector<16xi32>
      %gather3A_1123 = tpu.vector_load_idx %arg6[%broadcast_in_dim3A, %add3A_994, %broadcast_in_dim3A_1122] : memref<4x128x64xf32, #tpu.memory_space<vmem>>[vector<16xi32>, vector<16xi32>, vector<16xi32>], vector<16xf32>,
      %mul3A_1124 = arith.constant 16 : i32
      %mul3A_1125 = arith.muli %scan3A_970, %mul3A_1124 : i32
      %swap3A_1126 = arith.constant 14 : i32
      %swap3A_1127 = arith.index_cast %swap3A_1126 : i32 to index
      %swap3A_1128 = arith.index_cast %mul3A_1125 : i32 to index
      %swap3A_1129 = tpu.vector_load %arg7[%swap3A_1127, %swap3A_1128] {strides = array<i32>} : memref<64x512xf32, #tpu.memory_space<vmem>>, vector<16xf32>,
      tpu.vector_store %arg7[%swap3A_1127, %swap3A_1128], %gather3A_1123 {strides = array<i32>} : memref<64x512xf32, #tpu.memory_space<vmem>>, vector<16xf32>,
      %broadcast_in_dim3A_1130 = arith.constant 15 : i32
      %broadcast_in_dim3A_1131 = vector.broadcast %broadcast_in_dim3A_1130 : i32 to vector<16xi32>
      %gather3A_1132 = tpu.vector_load_idx %arg6[%broadcast_in_dim3A, %add3A_994, %broadcast_in_dim3A_1131] : memref<4x128x64xf32, #tpu.memory_space<vmem>>[vector<16xi32>, vector<16xi32>, vector<16xi32>], vector<16xf32>,
      %mul3A_1133 = arith.constant 16 : i32
      %mul3A_1134 = arith.muli %scan3A_970, %mul3A_1133 : i32
      %swap3A_1135 = arith.constant 15 : i32
      %swap3A_1136 = arith.index_cast %swap3A_1135 : i32 to index
      %swap3A_1137 = arith.index_cast %mul3A_1134 : i32 to index
      %swap3A_1138 = tpu.vector_load %arg7[%swap3A_1136, %swap3A_1137] {strides = array<i32>} : memref<64x512xf32, #tpu.memory_space<vmem>>, vector<16xf32>,
      tpu.vector_store %arg7[%swap3A_1136, %swap3A_1137], %gather3A_1132 {strides = array<i32>} : memref<64x512xf32, #tpu.memory_space<vmem>>, vector<16xf32>,
      %broadcast_in_dim3A_1139 = arith.constant 16 : i32
      %broadcast_in_dim3A_1140 = vector.broadcast %broadcast_in_dim3A_1139 : i32 to vector<16xi32>
      %gather3A_1141 = tpu.vector_load_idx %arg6[%broadcast_in_dim3A, %add3A_994, %broadcast_in_dim3A_1140] : memref<4x128x64xf32, #tpu.memory_space<vmem>>[vector<16xi32>, vector<16xi32>, vector<16xi32>], vector<16xf32>,
      %mul3A_1142 = arith.constant 16 : i32
      %mul3A_1143 = arith.muli %scan3A_970, %mul3A_1142 : i32
      %swap3A_1144 = arith.constant 16 : i32
      %swap3A_1145 = arith.index_cast %swap3A_1144 : i32 to index
      %swap3A_1146 = arith.index_cast %mul3A_1143 : i32 to index
      %swap3A_1147 = tpu.vector_load %arg7[%swap3A_1145, %swap3A_1146] {strides = array<i32>} : memref<64x512xf32, #tpu.memory_space<vmem>>, vector<16xf32>,
      tpu.vector_store %arg7[%swap3A_1145, %swap3A_1146], %gather3A_1141 {strides = array<i32>} : memref<64x512xf32, #tpu.memory_space<vmem>>, vector<16xf32>,
      %broadcast_in_dim3A_1148 = arith.constant 17 : i32
      %broadcast_in_dim3A_1149 = vector.broadcast %broadcast_in_dim3A_1148 : i32 to vector<16xi32>
      %gather3A_1150 = tpu.vector_load_idx %arg6[%broadcast_in_dim3A, %add3A_994, %broadcast_in_dim3A_1149] : memref<4x128x64xf32, #tpu.memory_space<vmem>>[vector<16xi32>, vector<16xi32>, vector<16xi32>], vector<16xf32>,
      %mul3A_1151 = arith.constant 16 : i32
      %mul3A_1152 = arith.muli %scan3A_970, %mul3A_1151 : i32
      %swap3A_1153 = arith.constant 17 : i32
      %swap3A_1154 = arith.index_cast %swap3A_1153 : i32 to index
      %swap3A_1155 = arith.index_cast %mul3A_1152 : i32 to index
      %swap3A_1156 = tpu.vector_load %arg7[%swap3A_1154, %swap3A_1155] {strides = array<i32>} : memref<64x512xf32, #tpu.memory_space<vmem>>, vector<16xf32>,
      tpu.vector_store %arg7[%swap3A_1154, %swap3A_1155], %gather3A_1150 {strides = array<i32>} : memref<64x512xf32, #tpu.memory_space<vmem>>, vector<16xf32>,
      %broadcast_in_dim3A_1157 = arith.constant 18 : i32
      %broadcast_in_dim3A_1158 = vector.broadcast %broadcast_in_dim3A_1157 : i32 to vector<16xi32>
      %gather3A_1159 = tpu.vector_load_idx %arg6[%broadcast_in_dim3A, %add3A_994, %broadcast_in_dim3A_1158] : memref<4x128x64xf32, #tpu.memory_space<vmem>>[vector<16xi32>, vector<16xi32>, vector<16xi32>], vector<16xf32>,
      %mul3A_1160 = arith.constant 16 : i32
      %mul3A_1161 = arith.muli %scan3A_970, %mul3A_1160 : i32
      %swap3A_1162 = arith.constant 18 : i32
      %swap3A_1163 = arith.index_cast %swap3A_1162 : i32 to index
      %swap3A_1164 = arith.index_cast %mul3A_1161 : i32 to index
      %swap3A_1165 = tpu.vector_load %arg7[%swap3A_1163, %swap3A_1164] {strides = array<i32>} : memref<64x512xf32, #tpu.memory_space<vmem>>, vector<16xf32>,
      tpu.vector_store %arg7[%swap3A_1163, %swap3A_1164], %gather3A_1159 {strides = array<i32>} : memref<64x512xf32, #tpu.memory_space<vmem>>, vector<16xf32>,
      %broadcast_in_dim3A_1166 = arith.constant 19 : i32
      %broadcast_in_dim3A_1167 = vector.broadcast %broadcast_in_dim3A_1166 : i32 to vector<16xi32>
      %gather3A_1168 = tpu.vector_load_idx %arg6[%broadcast_in_dim3A, %add3A_994, %broadcast_in_dim3A_1167] : memref<4x128x64xf32, #tpu.memory_space<vmem>>[vector<16xi32>, vector<16xi32>, vector<16xi32>], vector<16xf32>,
      %mul3A_1169 = arith.constant 16 : i32
      %mul3A_1170 = arith.muli %scan3A_970, %mul3A_1169 : i32
      %swap3A_1171 = arith.constant 19 : i32
      %swap3A_1172 = arith.index_cast %swap3A_1171 : i32 to index
      %swap3A_1173 = arith.index_cast %mul3A_1170 : i32 to index
      %swap3A_1174 = tpu.vector_load %arg7[%swap3A_1172, %swap3A_1173] {strides = array<i32>} : memref<64x512xf32, #tpu.memory_space<vmem>>, vector<16xf32>,
      tpu.vector_store %arg7[%swap3A_1172, %swap3A_1173], %gather3A_1168 {strides = array<i32>} : memref<64x512xf32, #tpu.memory_space<vmem>>, vector<16xf32>,
      %broadcast_in_dim3A_1175 = arith.constant 20 : i32
      %broadcast_in_dim3A_1176 = vector.broadcast %broadcast_in_dim3A_1175 : i32 to vector<16xi32>
      %gather3A_1177 = tpu.vector_load_idx %arg6[%broadcast_in_dim3A, %add3A_994, %broadcast_in_dim3A_1176] : memref<4x128x64xf32, #tpu.memory_space<vmem>>[vector<16xi32>, vector<16xi32>, vector<16xi32>], vector<16xf32>,
      %mul3A_1178 = arith.constant 16 : i32
      %mul3A_1179 = arith.muli %scan3A_970, %mul3A_1178 : i32
      %swap3A_1180 = arith.constant 20 : i32
      %swap3A_1181 = arith.index_cast %swap3A_1180 : i32 to index
      %swap3A_1182 = arith.index_cast %mul3A_1179 : i32 to index
      %swap3A_1183 = tpu.vector_load %arg7[%swap3A_1181, %swap3A_1182] {strides = array<i32>} : memref<64x512xf32, #tpu.memory_space<vmem>>, vector<16xf32>,
      tpu.vector_store %arg7[%swap3A_1181, %swap3A_1182], %gather3A_1177 {strides = array<i32>} : memref<64x512xf32, #tpu.memory_space<vmem>>, vector<16xf32>,
      %broadcast_in_dim3A_1184 = arith.constant 21 : i32
      %broadcast_in_dim3A_1185 = vector.broadcast %broadcast_in_dim3A_1184 : i32 to vector<16xi32>
      %gather3A_1186 = tpu.vector_load_idx %arg6[%broadcast_in_dim3A, %add3A_994, %broadcast_in_dim3A_1185] : memref<4x128x64xf32, #tpu.memory_space<vmem>>[vector<16xi32>, vector<16xi32>, vector<16xi32>], vector<16xf32>,
      %mul3A_1187 = arith.constant 16 : i32
      %mul3A_1188 = arith.muli %scan3A_970, %mul3A_1187 : i32
      %swap3A_1189 = arith.constant 21 : i32
      %swap3A_1190 = arith.index_cast %swap3A_1189 : i32 to index
      %swap3A_1191 = arith.index_cast %mul3A_1188 : i32 to index
      %swap3A_1192 = tpu.vector_load %arg7[%swap3A_1190, %swap3A_1191] {strides = array<i32>} : memref<64x512xf32, #tpu.memory_space<vmem>>, vector<16xf32>,
      tpu.vector_store %arg7[%swap3A_1190, %swap3A_1191], %gather3A_1186 {strides = array<i32>} : memref<64x512xf32, #tpu.memory_space<vmem>>, vector<16xf32>,
      %broadcast_in_dim3A_1193 = arith.constant 22 : i32
      %broadcast_in_dim3A_1194 = vector.broadcast %broadcast_in_dim3A_1193 : i32 to vector<16xi32>
      %gather3A_1195 = tpu.vector_load_idx %arg6[%broadcast_in_dim3A, %add3A_994, %broadcast_in_dim3A_1194] : memref<4x128x64xf32, #tpu.memory_space<vmem>>[vector<16xi32>, vector<16xi32>, vector<16xi32>], vector<16xf32>,
      %mul3A_1196 = arith.constant 16 : i32
      %mul3A_1197 = arith.muli %scan3A_970, %mul3A_1196 : i32
      %swap3A_1198 = arith.constant 22 : i32
      %swap3A_1199 = arith.index_cast %swap3A_1198 : i32 to index
      %swap3A_1200 = arith.index_cast %mul3A_1197 : i32 to index
      %swap3A_1201 = tpu.vector_load %arg7[%swap3A_1199, %swap3A_1200] {strides = array<i32>} : memref<64x512xf32, #tpu.memory_space<vmem>>, vector<16xf32>,
      tpu.vector_store %arg7[%swap3A_1199, %swap3A_1200], %gather3A_1195 {strides = array<i32>} : memref<64x512xf32, #tpu.memory_space<vmem>>, vector<16xf32>,
      %broadcast_in_dim3A_1202 = arith.constant 23 : i32
      %broadcast_in_dim3A_1203 = vector.broadcast %broadcast_in_dim3A_1202 : i32 to vector<16xi32>
      %gather3A_1204 = tpu.vector_load_idx %arg6[%broadcast_in_dim3A, %add3A_994, %broadcast_in_dim3A_1203] : memref<4x128x64xf32, #tpu.memory_space<vmem>>[vector<16xi32>, vector<16xi32>, vector<16xi32>], vector<16xf32>,
      %mul3A_1205 = arith.constant 16 : i32
      %mul3A_1206 = arith.muli %scan3A_970, %mul3A_1205 : i32
      %swap3A_1207 = arith.constant 23 : i32
      %swap3A_1208 = arith.index_cast %swap3A_1207 : i32 to index
      %swap3A_1209 = arith.index_cast %mul3A_1206 : i32 to index
      %swap3A_1210 = tpu.vector_load %arg7[%swap3A_1208, %swap3A_1209] {strides = array<i32>} : memref<64x512xf32, #tpu.memory_space<vmem>>, vector<16xf32>,
      tpu.vector_store %arg7[%swap3A_1208, %swap3A_1209], %gather3A_1204 {strides = array<i32>} : memref<64x512xf32, #tpu.memory_space<vmem>>, vector<16xf32>,
      %broadcast_in_dim3A_1211 = arith.constant 24 : i32
      %broadcast_in_dim3A_1212 = vector.broadcast %broadcast_in_dim3A_1211 : i32 to vector<16xi32>
      %gather3A_1213 = tpu.vector_load_idx %arg6[%broadcast_in_dim3A, %add3A_994, %broadcast_in_dim3A_1212] : memref<4x128x64xf32, #tpu.memory_space<vmem>>[vector<16xi32>, vector<16xi32>, vector<16xi32>], vector<16xf32>,
      %mul3A_1214 = arith.constant 16 : i32
      %mul3A_1215 = arith.muli %scan3A_970, %mul3A_1214 : i32
      %swap3A_1216 = arith.constant 24 : i32
      %swap3A_1217 = arith.index_cast %swap3A_1216 : i32 to index
      %swap3A_1218 = arith.index_cast %mul3A_1215 : i32 to index
      %swap3A_1219 = tpu.vector_load %arg7[%swap3A_1217, %swap3A_1218] {strides = array<i32>} : memref<64x512xf32, #tpu.memory_space<vmem>>, vector<16xf32>,
      tpu.vector_store %arg7[%swap3A_1217, %swap3A_1218], %gather3A_1213 {strides = array<i32>} : memref<64x512xf32, #tpu.memory_space<vmem>>, vector<16xf32>,
      %broadcast_in_dim3A_1220 = arith.constant 25 : i32
      %broadcast_in_dim3A_1221 = vector.broadcast %broadcast_in_dim3A_1220 : i32 to vector<16xi32>
      %gather3A_1222 = tpu.vector_load_idx %arg6[%broadcast_in_dim3A, %add3A_994, %broadcast_in_dim3A_1221] : memref<4x128x64xf32, #tpu.memory_space<vmem>>[vector<16xi32>, vector<16xi32>, vector<16xi32>], vector<16xf32>,
      %mul3A_1223 = arith.constant 16 : i32
      %mul3A_1224 = arith.muli %scan3A_970, %mul3A_1223 : i32
      %swap3A_1225 = arith.constant 25 : i32
      %swap3A_1226 = arith.index_cast %swap3A_1225 : i32 to index
      %swap3A_1227 = arith.index_cast %mul3A_1224 : i32 to index
      %swap3A_1228 = tpu.vector_load %arg7[%swap3A_1226, %swap3A_1227] {strides = array<i32>} : memref<64x512xf32, #tpu.memory_space<vmem>>, vector<16xf32>,
      tpu.vector_store %arg7[%swap3A_1226, %swap3A_1227], %gather3A_1222 {strides = array<i32>} : memref<64x512xf32, #tpu.memory_space<vmem>>, vector<16xf32>,
      %broadcast_in_dim3A_1229 = arith.constant 26 : i32
      %broadcast_in_dim3A_1230 = vector.broadcast %broadcast_in_dim3A_1229 : i32 to vector<16xi32>
      %gather3A_1231 = tpu.vector_load_idx %arg6[%broadcast_in_dim3A, %add3A_994, %broadcast_in_dim3A_1230] : memref<4x128x64xf32, #tpu.memory_space<vmem>>[vector<16xi32>, vector<16xi32>, vector<16xi32>], vector<16xf32>,
      %mul3A_1232 = arith.constant 16 : i32
      %mul3A_1233 = arith.muli %scan3A_970, %mul3A_1232 : i32
      %swap3A_1234 = arith.constant 26 : i32
      %swap3A_1235 = arith.index_cast %swap3A_1234 : i32 to index
      %swap3A_1236 = arith.index_cast %mul3A_1233 : i32 to index
      %swap3A_1237 = tpu.vector_load %arg7[%swap3A_1235, %swap3A_1236] {strides = array<i32>} : memref<64x512xf32, #tpu.memory_space<vmem>>, vector<16xf32>,
      tpu.vector_store %arg7[%swap3A_1235, %swap3A_1236], %gather3A_1231 {strides = array<i32>} : memref<64x512xf32, #tpu.memory_space<vmem>>, vector<16xf32>,
      %broadcast_in_dim3A_1238 = arith.constant 27 : i32
      %broadcast_in_dim3A_1239 = vector.broadcast %broadcast_in_dim3A_1238 : i32 to vector<16xi32>
      %gather3A_1240 = tpu.vector_load_idx %arg6[%broadcast_in_dim3A, %add3A_994, %broadcast_in_dim3A_1239] : memref<4x128x64xf32, #tpu.memory_space<vmem>>[vector<16xi32>, vector<16xi32>, vector<16xi32>], vector<16xf32>,
      %mul3A_1241 = arith.constant 16 : i32
      %mul3A_1242 = arith.muli %scan3A_970, %mul3A_1241 : i32
      %swap3A_1243 = arith.constant 27 : i32
      %swap3A_1244 = arith.index_cast %swap3A_1243 : i32 to index
      %swap3A_1245 = arith.index_cast %mul3A_1242 : i32 to index
      %swap3A_1246 = tpu.vector_load %arg7[%swap3A_1244, %swap3A_1245] {strides = array<i32>} : memref<64x512xf32, #tpu.memory_space<vmem>>, vector<16xf32>,
      tpu.vector_store %arg7[%swap3A_1244, %swap3A_1245], %gather3A_1240 {strides = array<i32>} : memref<64x512xf32, #tpu.memory_space<vmem>>, vector<16xf32>,
      %broadcast_in_dim3A_1247 = arith.constant 28 : i32
      %broadcast_in_dim3A_1248 = vector.broadcast %broadcast_in_dim3A_1247 : i32 to vector<16xi32>
      %gather3A_1249 = tpu.vector_load_idx %arg6[%broadcast_in_dim3A, %add3A_994, %broadcast_in_dim3A_1248] : memref<4x128x64xf32, #tpu.memory_space<vmem>>[vector<16xi32>, vector<16xi32>, vector<16xi32>], vector<16xf32>,
      %mul3A_1250 = arith.constant 16 : i32
      %mul3A_1251 = arith.muli %scan3A_970, %mul3A_1250 : i32
      %swap3A_1252 = arith.constant 28 : i32
      %swap3A_1253 = arith.index_cast %swap3A_1252 : i32 to index
      %swap3A_1254 = arith.index_cast %mul3A_1251 : i32 to index
      %swap3A_1255 = tpu.vector_load %arg7[%swap3A_1253, %swap3A_1254] {strides = array<i32>} : memref<64x512xf32, #tpu.memory_space<vmem>>, vector<16xf32>,
      tpu.vector_store %arg7[%swap3A_1253, %swap3A_1254], %gather3A_1249 {strides = array<i32>} : memref<64x512xf32, #tpu.memory_space<vmem>>, vector<16xf32>,
      %broadcast_in_dim3A_1256 = arith.constant 29 : i32
      %broadcast_in_dim3A_1257 = vector.broadcast %broadcast_in_dim3A_1256 : i32 to vector<16xi32>
      %gather3A_1258 = tpu.vector_load_idx %arg6[%broadcast_in_dim3A, %add3A_994, %broadcast_in_dim3A_1257] : memref<4x128x64xf32, #tpu.memory_space<vmem>>[vector<16xi32>, vector<16xi32>, vector<16xi32>], vector<16xf32>,
      %mul3A_1259 = arith.constant 16 : i32
      %mul3A_1260 = arith.muli %scan3A_970, %mul3A_1259 : i32
      %swap3A_1261 = arith.constant 29 : i32
      %swap3A_1262 = arith.index_cast %swap3A_1261 : i32 to index
      %swap3A_1263 = arith.index_cast %mul3A_1260 : i32 to index
      %swap3A_1264 = tpu.vector_load %arg7[%swap3A_1262, %swap3A_1263] {strides = array<i32>} : memref<64x512xf32, #tpu.memory_space<vmem>>, vector<16xf32>,
      tpu.vector_store %arg7[%swap3A_1262, %swap3A_1263], %gather3A_1258 {strides = array<i32>} : memref<64x512xf32, #tpu.memory_space<vmem>>, vector<16xf32>,
      %broadcast_in_dim3A_1265 = arith.constant 30 : i32
      %broadcast_in_dim3A_1266 = vector.broadcast %broadcast_in_dim3A_1265 : i32 to vector<16xi32>
      %gather3A_1267 = tpu.vector_load_idx %arg6[%broadcast_in_dim3A, %add3A_994, %broadcast_in_dim3A_1266] : memref<4x128x64xf32, #tpu.memory_space<vmem>>[vector<16xi32>, vector<16xi32>, vector<16xi32>], vector<16xf32>,
      %mul3A_1268 = arith.constant 16 : i32
      %mul3A_1269 = arith.muli %scan3A_970, %mul3A_1268 : i32
      %swap3A_1270 = arith.constant 30 : i32
      %swap3A_1271 = arith.index_cast %swap3A_1270 : i32 to index
      %swap3A_1272 = arith.index_cast %mul3A_1269 : i32 to index
      %swap3A_1273 = tpu.vector_load %arg7[%swap3A_1271, %swap3A_1272] {strides = array<i32>} : memref<64x512xf32, #tpu.memory_space<vmem>>, vector<16xf32>,
      tpu.vector_store %arg7[%swap3A_1271, %swap3A_1272], %gather3A_1267 {strides = array<i32>} : memref<64x512xf32, #tpu.memory_space<vmem>>, vector<16xf32>,
      %broadcast_in_dim3A_1274 = arith.constant 31 : i32
      %broadcast_in_dim3A_1275 = vector.broadcast %broadcast_in_dim3A_1274 : i32 to vector<16xi32>
      %gather3A_1276 = tpu.vector_load_idx %arg6[%broadcast_in_dim3A, %add3A_994, %broadcast_in_dim3A_1275] : memref<4x128x64xf32, #tpu.memory_space<vmem>>[vector<16xi32>, vector<16xi32>, vector<16xi32>], vector<16xf32>,
      %mul3A_1277 = arith.constant 16 : i32
      %mul3A_1278 = arith.muli %scan3A_970, %mul3A_1277 : i32
      %swap3A_1279 = arith.constant 31 : i32
      %swap3A_1280 = arith.index_cast %swap3A_1279 : i32 to index
      %swap3A_1281 = arith.index_cast %mul3A_1278 : i32 to index
      %swap3A_1282 = tpu.vector_load %arg7[%swap3A_1280, %swap3A_1281] {strides = array<i32>} : memref<64x512xf32, #tpu.memory_space<vmem>>, vector<16xf32>,
      tpu.vector_store %arg7[%swap3A_1280, %swap3A_1281], %gather3A_1276 {strides = array<i32>} : memref<64x512xf32, #tpu.memory_space<vmem>>, vector<16xf32>,
      %broadcast_in_dim3A_1283 = arith.constant 32 : i32
      %broadcast_in_dim3A_1284 = vector.broadcast %broadcast_in_dim3A_1283 : i32 to vector<16xi32>
      %gather3A_1285 = tpu.vector_load_idx %arg6[%broadcast_in_dim3A, %add3A_994, %broadcast_in_dim3A_1284] : memref<4x128x64xf32, #tpu.memory_space<vmem>>[vector<16xi32>, vector<16xi32>, vector<16xi32>], vector<16xf32>,
      %mul3A_1286 = arith.constant 16 : i32
      %mul3A_1287 = arith.muli %scan3A_970, %mul3A_1286 : i32
      %swap3A_1288 = arith.constant 32 : i32
      %swap3A_1289 = arith.index_cast %swap3A_1288 : i32 to index
      %swap3A_1290 = arith.index_cast %mul3A_1287 : i32 to index
      %swap3A_1291 = tpu.vector_load %arg7[%swap3A_1289, %swap3A_1290] {strides = array<i32>} : memref<64x512xf32, #tpu.memory_space<vmem>>, vector<16xf32>,
      tpu.vector_store %arg7[%swap3A_1289, %swap3A_1290], %gather3A_1285 {strides = array<i32>} : memref<64x512xf32, #tpu.memory_space<vmem>>, vector<16xf32>,
      %broadcast_in_dim3A_1292 = arith.constant 33 : i32
      %broadcast_in_dim3A_1293 = vector.broadcast %broadcast_in_dim3A_1292 : i32 to vector<16xi32>
      %gather3A_1294 = tpu.vector_load_idx %arg6[%broadcast_in_dim3A, %add3A_994, %broadcast_in_dim3A_1293] : memref<4x128x64xf32, #tpu.memory_space<vmem>>[vector<16xi32>, vector<16xi32>, vector<16xi32>], vector<16xf32>,
      %mul3A_1295 = arith.constant 16 : i32
      %mul3A_1296 = arith.muli %scan3A_970, %mul3A_1295 : i32
      %swap3A_1297 = arith.constant 33 : i32
      %swap3A_1298 = arith.index_cast %swap3A_1297 : i32 to index
      %swap3A_1299 = arith.index_cast %mul3A_1296 : i32 to index
      %swap3A_1300 = tpu.vector_load %arg7[%swap3A_1298, %swap3A_1299] {strides = array<i32>} : memref<64x512xf32, #tpu.memory_space<vmem>>, vector<16xf32>,
      tpu.vector_store %arg7[%swap3A_1298, %swap3A_1299], %gather3A_1294 {strides = array<i32>} : memref<64x512xf32, #tpu.memory_space<vmem>>, vector<16xf32>,
      %broadcast_in_dim3A_1301 = arith.constant 34 : i32
      %broadcast_in_dim3A_1302 = vector.broadcast %broadcast_in_dim3A_1301 : i32 to vector<16xi32>
      %gather3A_1303 = tpu.vector_load_idx %arg6[%broadcast_in_dim3A, %add3A_994, %broadcast_in_dim3A_1302] : memref<4x128x64xf32, #tpu.memory_space<vmem>>[vector<16xi32>, vector<16xi32>, vector<16xi32>], vector<16xf32>,
      %mul3A_1304 = arith.constant 16 : i32
      %mul3A_1305 = arith.muli %scan3A_970, %mul3A_1304 : i32
      %swap3A_1306 = arith.constant 34 : i32
      %swap3A_1307 = arith.index_cast %swap3A_1306 : i32 to index
      %swap3A_1308 = arith.index_cast %mul3A_1305 : i32 to index
      %swap3A_1309 = tpu.vector_load %arg7[%swap3A_1307, %swap3A_1308] {strides = array<i32>} : memref<64x512xf32, #tpu.memory_space<vmem>>, vector<16xf32>,
      tpu.vector_store %arg7[%swap3A_1307, %swap3A_1308], %gather3A_1303 {strides = array<i32>} : memref<64x512xf32, #tpu.memory_space<vmem>>, vector<16xf32>,
      %broadcast_in_dim3A_1310 = arith.constant 35 : i32
      %broadcast_in_dim3A_1311 = vector.broadcast %broadcast_in_dim3A_1310 : i32 to vector<16xi32>
      %gather3A_1312 = tpu.vector_load_idx %arg6[%broadcast_in_dim3A, %add3A_994, %broadcast_in_dim3A_1311] : memref<4x128x64xf32, #tpu.memory_space<vmem>>[vector<16xi32>, vector<16xi32>, vector<16xi32>], vector<16xf32>,
      %mul3A_1313 = arith.constant 16 : i32
      %mul3A_1314 = arith.muli %scan3A_970, %mul3A_1313 : i32
      %swap3A_1315 = arith.constant 35 : i32
      %swap3A_1316 = arith.index_cast %swap3A_1315 : i32 to index
      %swap3A_1317 = arith.index_cast %mul3A_1314 : i32 to index
      %swap3A_1318 = tpu.vector_load %arg7[%swap3A_1316, %swap3A_1317] {strides = array<i32>} : memref<64x512xf32, #tpu.memory_space<vmem>>, vector<16xf32>,
      tpu.vector_store %arg7[%swap3A_1316, %swap3A_1317], %gather3A_1312 {strides = array<i32>} : memref<64x512xf32, #tpu.memory_space<vmem>>, vector<16xf32>,
      %broadcast_in_dim3A_1319 = arith.constant 36 : i32
      %broadcast_in_dim3A_1320 = vector.broadcast %broadcast_in_dim3A_1319 : i32 to vector<16xi32>
      %gather3A_1321 = tpu.vector_load_idx %arg6[%broadcast_in_dim3A, %add3A_994, %broadcast_in_dim3A_1320] : memref<4x128x64xf32, #tpu.memory_space<vmem>>[vector<16xi32>, vector<16xi32>, vector<16xi32>], vector<16xf32>,
      %mul3A_1322 = arith.constant 16 : i32
      %mul3A_1323 = arith.muli %scan3A_970, %mul3A_1322 : i32
      %swap3A_1324 = arith.constant 36 : i32
      %swap3A_1325 = arith.index_cast %swap3A_1324 : i32 to index
      %swap3A_1326 = arith.index_cast %mul3A_1323 : i32 to index
      %swap3A_1327 = tpu.vector_load %arg7[%swap3A_1325, %swap3A_1326] {strides = array<i32>} : memref<64x512xf32, #tpu.memory_space<vmem>>, vector<16xf32>,
      tpu.vector_store %arg7[%swap3A_1325, %swap3A_1326], %gather3A_1321 {strides = array<i32>} : memref<64x512xf32, #tpu.memory_space<vmem>>, vector<16xf32>,
      %broadcast_in_dim3A_1328 = arith.constant 37 : i32
      %broadcast_in_dim3A_1329 = vector.broadcast %broadcast_in_dim3A_1328 : i32 to vector<16xi32>
      %gather3A_1330 = tpu.vector_load_idx %arg6[%broadcast_in_dim3A, %add3A_994, %broadcast_in_dim3A_1329] : memref<4x128x64xf32, #tpu.memory_space<vmem>>[vector<16xi32>, vector<16xi32>, vector<16xi32>], vector<16xf32>,
      %mul3A_1331 = arith.constant 16 : i32
      %mul3A_1332 = arith.muli %scan3A_970, %mul3A_1331 : i32
      %swap3A_1333 = arith.constant 37 : i32
      %swap3A_1334 = arith.index_cast %swap3A_1333 : i32 to index
      %swap3A_1335 = arith.index_cast %mul3A_1332 : i32 to index
      %swap3A_1336 = tpu.vector_load %arg7[%swap3A_1334, %swap3A_1335] {strides = array<i32>} : memref<64x512xf32, #tpu.memory_space<vmem>>, vector<16xf32>,
      tpu.vector_store %arg7[%swap3A_1334, %swap3A_1335], %gather3A_1330 {strides = array<i32>} : memref<64x512xf32, #tpu.memory_space<vmem>>, vector<16xf32>,
      %broadcast_in_dim3A_1337 = arith.constant 38 : i32
      %broadcast_in_dim3A_1338 = vector.broadcast %broadcast_in_dim3A_1337 : i32 to vector<16xi32>
      %gather3A_1339 = tpu.vector_load_idx %arg6[%broadcast_in_dim3A, %add3A_994, %broadcast_in_dim3A_1338] : memref<4x128x64xf32, #tpu.memory_space<vmem>>[vector<16xi32>, vector<16xi32>, vector<16xi32>], vector<16xf32>,
      %mul3A_1340 = arith.constant 16 : i32
      %mul3A_1341 = arith.muli %scan3A_970, %mul3A_1340 : i32
      %swap3A_1342 = arith.constant 38 : i32
      %swap3A_1343 = arith.index_cast %swap3A_1342 : i32 to index
      %swap3A_1344 = arith.index_cast %mul3A_1341 : i32 to index
      %swap3A_1345 = tpu.vector_load %arg7[%swap3A_1343, %swap3A_1344] {strides = array<i32>} : memref<64x512xf32, #tpu.memory_space<vmem>>, vector<16xf32>,
      tpu.vector_store %arg7[%swap3A_1343, %swap3A_1344], %gather3A_1339 {strides = array<i32>} : memref<64x512xf32, #tpu.memory_space<vmem>>, vector<16xf32>,
      %broadcast_in_dim3A_1346 = arith.constant 39 : i32
      %broadcast_in_dim3A_1347 = vector.broadcast %broadcast_in_dim3A_1346 : i32 to vector<16xi32>
      %gather3A_1348 = tpu.vector_load_idx %arg6[%broadcast_in_dim3A, %add3A_994, %broadcast_in_dim3A_1347] : memref<4x128x64xf32, #tpu.memory_space<vmem>>[vector<16xi32>, vector<16xi32>, vector<16xi32>], vector<16xf32>,
      %mul3A_1349 = arith.constant 16 : i32
      %mul3A_1350 = arith.muli %scan3A_970, %mul3A_1349 : i32
      %swap3A_1351 = arith.constant 39 : i32
      %swap3A_1352 = arith.index_cast %swap3A_1351 : i32 to index
      %swap3A_1353 = arith.index_cast %mul3A_1350 : i32 to index
      %swap3A_1354 = tpu.vector_load %arg7[%swap3A_1352, %swap3A_1353] {strides = array<i32>} : memref<64x512xf32, #tpu.memory_space<vmem>>, vector<16xf32>,
      tpu.vector_store %arg7[%swap3A_1352, %swap3A_1353], %gather3A_1348 {strides = array<i32>} : memref<64x512xf32, #tpu.memory_space<vmem>>, vector<16xf32>,
      %broadcast_in_dim3A_1355 = arith.constant 40 : i32
      %broadcast_in_dim3A_1356 = vector.broadcast %broadcast_in_dim3A_1355 : i32 to vector<16xi32>
      %gather3A_1357 = tpu.vector_load_idx %arg6[%broadcast_in_dim3A, %add3A_994, %broadcast_in_dim3A_1356] : memref<4x128x64xf32, #tpu.memory_space<vmem>>[vector<16xi32>, vector<16xi32>, vector<16xi32>], vector<16xf32>,
      %mul3A_1358 = arith.constant 16 : i32
      %mul3A_1359 = arith.muli %scan3A_970, %mul3A_1358 : i32
      %swap3A_1360 = arith.constant 40 : i32
      %swap3A_1361 = arith.index_cast %swap3A_1360 : i32 to index
      %swap3A_1362 = arith.index_cast %mul3A_1359 : i32 to index
      %swap3A_1363 = tpu.vector_load %arg7[%swap3A_1361, %swap3A_1362] {strides = array<i32>} : memref<64x512xf32, #tpu.memory_space<vmem>>, vector<16xf32>,
      tpu.vector_store %arg7[%swap3A_1361, %swap3A_1362], %gather3A_1357 {strides = array<i32>} : memref<64x512xf32, #tpu.memory_space<vmem>>, vector<16xf32>,
      %broadcast_in_dim3A_1364 = arith.constant 41 : i32
      %broadcast_in_dim3A_1365 = vector.broadcast %broadcast_in_dim3A_1364 : i32 to vector<16xi32>
      %gather3A_1366 = tpu.vector_load_idx %arg6[%broadcast_in_dim3A, %add3A_994, %broadcast_in_dim3A_1365] : memref<4x128x64xf32, #tpu.memory_space<vmem>>[vector<16xi32>, vector<16xi32>, vector<16xi32>], vector<16xf32>,
      %mul3A_1367 = arith.constant 16 : i32
      %mul3A_1368 = arith.muli %scan3A_970, %mul3A_1367 : i32
      %swap3A_1369 = arith.constant 41 : i32
      %swap3A_1370 = arith.index_cast %swap3A_1369 : i32 to index
      %swap3A_1371 = arith.index_cast %mul3A_1368 : i32 to index
      %swap3A_1372 = tpu.vector_load %arg7[%swap3A_1370, %swap3A_1371] {strides = array<i32>} : memref<64x512xf32, #tpu.memory_space<vmem>>, vector<16xf32>,
      tpu.vector_store %arg7[%swap3A_1370, %swap3A_1371], %gather3A_1366 {strides = array<i32>} : memref<64x512xf32, #tpu.memory_space<vmem>>, vector<16xf32>,
      %broadcast_in_dim3A_1373 = arith.constant 42 : i32
      %broadcast_in_dim3A_1374 = vector.broadcast %broadcast_in_dim3A_1373 : i32 to vector<16xi32>
      %gather3A_1375 = tpu.vector_load_idx %arg6[%broadcast_in_dim3A, %add3A_994, %broadcast_in_dim3A_1374] : memref<4x128x64xf32, #tpu.memory_space<vmem>>[vector<16xi32>, vector<16xi32>, vector<16xi32>], vector<16xf32>,
      %mul3A_1376 = arith.constant 16 : i32
      %mul3A_1377 = arith.muli %scan3A_970, %mul3A_1376 : i32
      %swap3A_1378 = arith.constant 42 : i32
      %swap3A_1379 = arith.index_cast %swap3A_1378 : i32 to index
      %swap3A_1380 = arith.index_cast %mul3A_1377 : i32 to index
      %swap3A_1381 = tpu.vector_load %arg7[%swap3A_1379, %swap3A_1380] {strides = array<i32>} : memref<64x512xf32, #tpu.memory_space<vmem>>, vector<16xf32>,
      tpu.vector_store %arg7[%swap3A_1379, %swap3A_1380], %gather3A_1375 {strides = array<i32>} : memref<64x512xf32, #tpu.memory_space<vmem>>, vector<16xf32>,
      %broadcast_in_dim3A_1382 = arith.constant 43 : i32
      %broadcast_in_dim3A_1383 = vector.broadcast %broadcast_in_dim3A_1382 : i32 to vector<16xi32>
      %gather3A_1384 = tpu.vector_load_idx %arg6[%broadcast_in_dim3A, %add3A_994, %broadcast_in_dim3A_1383] : memref<4x128x64xf32, #tpu.memory_space<vmem>>[vector<16xi32>, vector<16xi32>, vector<16xi32>], vector<16xf32>,
      %mul3A_1385 = arith.constant 16 : i32
      %mul3A_1386 = arith.muli %scan3A_970, %mul3A_1385 : i32
      %swap3A_1387 = arith.constant 43 : i32
      %swap3A_1388 = arith.index_cast %swap3A_1387 : i32 to index
      %swap3A_1389 = arith.index_cast %mul3A_1386 : i32 to index
      %swap3A_1390 = tpu.vector_load %arg7[%swap3A_1388, %swap3A_1389] {strides = array<i32>} : memref<64x512xf32, #tpu.memory_space<vmem>>, vector<16xf32>,
      tpu.vector_store %arg7[%swap3A_1388, %swap3A_1389], %gather3A_1384 {strides = array<i32>} : memref<64x512xf32, #tpu.memory_space<vmem>>, vector<16xf32>,
      %broadcast_in_dim3A_1391 = arith.constant 44 : i32
      %broadcast_in_dim3A_1392 = vector.broadcast %broadcast_in_dim3A_1391 : i32 to vector<16xi32>
      %gather3A_1393 = tpu.vector_load_idx %arg6[%broadcast_in_dim3A, %add3A_994, %broadcast_in_dim3A_1392] : memref<4x128x64xf32, #tpu.memory_space<vmem>>[vector<16xi32>, vector<16xi32>, vector<16xi32>], vector<16xf32>,
      %mul3A_1394 = arith.constant 16 : i32
      %mul3A_1395 = arith.muli %scan3A_970, %mul3A_1394 : i32
      %swap3A_1396 = arith.constant 44 : i32
      %swap3A_1397 = arith.index_cast %swap3A_1396 : i32 to index
      %swap3A_1398 = arith.index_cast %mul3A_1395 : i32 to index
      %swap3A_1399 = tpu.vector_load %arg7[%swap3A_1397, %swap3A_1398] {strides = array<i32>} : memref<64x512xf32, #tpu.memory_space<vmem>>, vector<16xf32>,
      tpu.vector_store %arg7[%swap3A_1397, %swap3A_1398], %gather3A_1393 {strides = array<i32>} : memref<64x512xf32, #tpu.memory_space<vmem>>, vector<16xf32>,
      %broadcast_in_dim3A_1400 = arith.constant 45 : i32
      %broadcast_in_dim3A_1401 = vector.broadcast %broadcast_in_dim3A_1400 : i32 to vector<16xi32>
      %gather3A_1402 = tpu.vector_load_idx %arg6[%broadcast_in_dim3A, %add3A_994, %broadcast_in_dim3A_1401] : memref<4x128x64xf32, #tpu.memory_space<vmem>>[vector<16xi32>, vector<16xi32>, vector<16xi32>], vector<16xf32>,
      %mul3A_1403 = arith.constant 16 : i32
      %mul3A_1404 = arith.muli %scan3A_970, %mul3A_1403 : i32
      %swap3A_1405 = arith.constant 45 : i32
      %swap3A_1406 = arith.index_cast %swap3A_1405 : i32 to index
      %swap3A_1407 = arith.index_cast %mul3A_1404 : i32 to index
      %swap3A_1408 = tpu.vector_load %arg7[%swap3A_1406, %swap3A_1407] {strides = array<i32>} : memref<64x512xf32, #tpu.memory_space<vmem>>, vector<16xf32>,
      tpu.vector_store %arg7[%swap3A_1406, %swap3A_1407], %gather3A_1402 {strides = array<i32>} : memref<64x512xf32, #tpu.memory_space<vmem>>, vector<16xf32>,
      %broadcast_in_dim3A_1409 = arith.constant 46 : i32
      %broadcast_in_dim3A_1410 = vector.broadcast %broadcast_in_dim3A_1409 : i32 to vector<16xi32>
      %gather3A_1411 = tpu.vector_load_idx %arg6[%broadcast_in_dim3A, %add3A_994, %broadcast_in_dim3A_1410] : memref<4x128x64xf32, #tpu.memory_space<vmem>>[vector<16xi32>, vector<16xi32>, vector<16xi32>], vector<16xf32>,
      %mul3A_1412 = arith.constant 16 : i32
      %mul3A_1413 = arith.muli %scan3A_970, %mul3A_1412 : i32
      %swap3A_1414 = arith.constant 46 : i32
      %swap3A_1415 = arith.index_cast %swap3A_1414 : i32 to index
      %swap3A_1416 = arith.index_cast %mul3A_1413 : i32 to index
      %swap3A_1417 = tpu.vector_load %arg7[%swap3A_1415, %swap3A_1416] {strides = array<i32>} : memref<64x512xf32, #tpu.memory_space<vmem>>, vector<16xf32>,
      tpu.vector_store %arg7[%swap3A_1415, %swap3A_1416], %gather3A_1411 {strides = array<i32>} : memref<64x512xf32, #tpu.memory_space<vmem>>, vector<16xf32>,
      %broadcast_in_dim3A_1418 = arith.constant 47 : i32
      %broadcast_in_dim3A_1419 = vector.broadcast %broadcast_in_dim3A_1418 : i32 to vector<16xi32>
      %gather3A_1420 = tpu.vector_load_idx %arg6[%broadcast_in_dim3A, %add3A_994, %broadcast_in_dim3A_1419] : memref<4x128x64xf32, #tpu.memory_space<vmem>>[vector<16xi32>, vector<16xi32>, vector<16xi32>], vector<16xf32>,
      %mul3A_1421 = arith.constant 16 : i32
      %mul3A_1422 = arith.muli %scan3A_970, %mul3A_1421 : i32
      %swap3A_1423 = arith.constant 47 : i32
      %swap3A_1424 = arith.index_cast %swap3A_1423 : i32 to index
      %swap3A_1425 = arith.index_cast %mul3A_1422 : i32 to index
      %swap3A_1426 = tpu.vector_load %arg7[%swap3A_1424, %swap3A_1425] {strides = array<i32>} : memref<64x512xf32, #tpu.memory_space<vmem>>, vector<16xf32>,
      tpu.vector_store %arg7[%swap3A_1424, %swap3A_1425], %gather3A_1420 {strides = array<i32>} : memref<64x512xf32, #tpu.memory_space<vmem>>, vector<16xf32>,
      %broadcast_in_dim3A_1427 = arith.constant 48 : i32
      %broadcast_in_dim3A_1428 = vector.broadcast %broadcast_in_dim3A_1427 : i32 to vector<16xi32>
      %gather3A_1429 = tpu.vector_load_idx %arg6[%broadcast_in_dim3A, %add3A_994, %broadcast_in_dim3A_1428] : memref<4x128x64xf32, #tpu.memory_space<vmem>>[vector<16xi32>, vector<16xi32>, vector<16xi32>], vector<16xf32>,
      %mul3A_1430 = arith.constant 16 : i32
      %mul3A_1431 = arith.muli %scan3A_970, %mul3A_1430 : i32
      %swap3A_1432 = arith.constant 48 : i32
      %swap3A_1433 = arith.index_cast %swap3A_1432 : i32 to index
      %swap3A_1434 = arith.index_cast %mul3A_1431 : i32 to index
      %swap3A_1435 = tpu.vector_load %arg7[%swap3A_1433, %swap3A_1434] {strides = array<i32>} : memref<64x512xf32, #tpu.memory_space<vmem>>, vector<16xf32>,
      tpu.vector_store %arg7[%swap3A_1433, %swap3A_1434], %gather3A_1429 {strides = array<i32>} : memref<64x512xf32, #tpu.memory_space<vmem>>, vector<16xf32>,
      %broadcast_in_dim3A_1436 = arith.constant 49 : i32
      %broadcast_in_dim3A_1437 = vector.broadcast %broadcast_in_dim3A_1436 : i32 to vector<16xi32>
      %gather3A_1438 = tpu.vector_load_idx %arg6[%broadcast_in_dim3A, %add3A_994, %broadcast_in_dim3A_1437] : memref<4x128x64xf32, #tpu.memory_space<vmem>>[vector<16xi32>, vector<16xi32>, vector<16xi32>], vector<16xf32>,
      %mul3A_1439 = arith.constant 16 : i32
      %mul3A_1440 = arith.muli %scan3A_970, %mul3A_1439 : i32
      %swap3A_1441 = arith.constant 49 : i32
      %swap3A_1442 = arith.index_cast %swap3A_1441 : i32 to index
      %swap3A_1443 = arith.index_cast %mul3A_1440 : i32 to index
      %swap3A_1444 = tpu.vector_load %arg7[%swap3A_1442, %swap3A_1443] {strides = array<i32>} : memref<64x512xf32, #tpu.memory_space<vmem>>, vector<16xf32>,
      tpu.vector_store %arg7[%swap3A_1442, %swap3A_1443], %gather3A_1438 {strides = array<i32>} : memref<64x512xf32, #tpu.memory_space<vmem>>, vector<16xf32>,
      %broadcast_in_dim3A_1445 = arith.constant 50 : i32
      %broadcast_in_dim3A_1446 = vector.broadcast %broadcast_in_dim3A_1445 : i32 to vector<16xi32>
      %gather3A_1447 = tpu.vector_load_idx %arg6[%broadcast_in_dim3A, %add3A_994, %broadcast_in_dim3A_1446] : memref<4x128x64xf32, #tpu.memory_space<vmem>>[vector<16xi32>, vector<16xi32>, vector<16xi32>], vector<16xf32>,
      %mul3A_1448 = arith.constant 16 : i32
      %mul3A_1449 = arith.muli %scan3A_970, %mul3A_1448 : i32
      %swap3A_1450 = arith.constant 50 : i32
      %swap3A_1451 = arith.index_cast %swap3A_1450 : i32 to index
      %swap3A_1452 = arith.index_cast %mul3A_1449 : i32 to index
      %swap3A_1453 = tpu.vector_load %arg7[%swap3A_1451, %swap3A_1452] {strides = array<i32>} : memref<64x512xf32, #tpu.memory_space<vmem>>, vector<16xf32>,
      tpu.vector_store %arg7[%swap3A_1451, %swap3A_1452], %gather3A_1447 {strides = array<i32>} : memref<64x512xf32, #tpu.memory_space<vmem>>, vector<16xf32>,
      %broadcast_in_dim3A_1454 = arith.constant 51 : i32
      %broadcast_in_dim3A_1455 = vector.broadcast %broadcast_in_dim3A_1454 : i32 to vector<16xi32>
      %gather3A_1456 = tpu.vector_load_idx %arg6[%broadcast_in_dim3A, %add3A_994, %broadcast_in_dim3A_1455] : memref<4x128x64xf32, #tpu.memory_space<vmem>>[vector<16xi32>, vector<16xi32>, vector<16xi32>], vector<16xf32>,
      %mul3A_1457 = arith.constant 16 : i32
      %mul3A_1458 = arith.muli %scan3A_970, %mul3A_1457 : i32
      %swap3A_1459 = arith.constant 51 : i32
      %swap3A_1460 = arith.index_cast %swap3A_1459 : i32 to index
      %swap3A_1461 = arith.index_cast %mul3A_1458 : i32 to index
      %swap3A_1462 = tpu.vector_load %arg7[%swap3A_1460, %swap3A_1461] {strides = array<i32>} : memref<64x512xf32, #tpu.memory_space<vmem>>, vector<16xf32>,
      tpu.vector_store %arg7[%swap3A_1460, %swap3A_1461], %gather3A_1456 {strides = array<i32>} : memref<64x512xf32, #tpu.memory_space<vmem>>, vector<16xf32>,
      %broadcast_in_dim3A_1463 = arith.constant 52 : i32
      %broadcast_in_dim3A_1464 = vector.broadcast %broadcast_in_dim3A_1463 : i32 to vector<16xi32>
      %gather3A_1465 = tpu.vector_load_idx %arg6[%broadcast_in_dim3A, %add3A_994, %broadcast_in_dim3A_1464] : memref<4x128x64xf32, #tpu.memory_space<vmem>>[vector<16xi32>, vector<16xi32>, vector<16xi32>], vector<16xf32>,
      %mul3A_1466 = arith.constant 16 : i32
      %mul3A_1467 = arith.muli %scan3A_970, %mul3A_1466 : i32
      %swap3A_1468 = arith.constant 52 : i32
      %swap3A_1469 = arith.index_cast %swap3A_1468 : i32 to index
      %swap3A_1470 = arith.index_cast %mul3A_1467 : i32 to index
      %swap3A_1471 = tpu.vector_load %arg7[%swap3A_1469, %swap3A_1470] {strides = array<i32>} : memref<64x512xf32, #tpu.memory_space<vmem>>, vector<16xf32>,
      tpu.vector_store %arg7[%swap3A_1469, %swap3A_1470], %gather3A_1465 {strides = array<i32>} : memref<64x512xf32, #tpu.memory_space<vmem>>, vector<16xf32>,
      %broadcast_in_dim3A_1472 = arith.constant 53 : i32
      %broadcast_in_dim3A_1473 = vector.broadcast %broadcast_in_dim3A_1472 : i32 to vector<16xi32>
      %gather3A_1474 = tpu.vector_load_idx %arg6[%broadcast_in_dim3A, %add3A_994, %broadcast_in_dim3A_1473] : memref<4x128x64xf32, #tpu.memory_space<vmem>>[vector<16xi32>, vector<16xi32>, vector<16xi32>], vector<16xf32>,
      %mul3A_1475 = arith.constant 16 : i32
      %mul3A_1476 = arith.muli %scan3A_970, %mul3A_1475 : i32
      %swap3A_1477 = arith.constant 53 : i32
      %swap3A_1478 = arith.index_cast %swap3A_1477 : i32 to index
      %swap3A_1479 = arith.index_cast %mul3A_1476 : i32 to index
      %swap3A_1480 = tpu.vector_load %arg7[%swap3A_1478, %swap3A_1479] {strides = array<i32>} : memref<64x512xf32, #tpu.memory_space<vmem>>, vector<16xf32>,
      tpu.vector_store %arg7[%swap3A_1478, %swap3A_1479], %gather3A_1474 {strides = array<i32>} : memref<64x512xf32, #tpu.memory_space<vmem>>, vector<16xf32>,
      %broadcast_in_dim3A_1481 = arith.constant 54 : i32
      %broadcast_in_dim3A_1482 = vector.broadcast %broadcast_in_dim3A_1481 : i32 to vector<16xi32>
      %gather3A_1483 = tpu.vector_load_idx %arg6[%broadcast_in_dim3A, %add3A_994, %broadcast_in_dim3A_1482] : memref<4x128x64xf32, #tpu.memory_space<vmem>>[vector<16xi32>, vector<16xi32>, vector<16xi32>], vector<16xf32>,
      %mul3A_1484 = arith.constant 16 : i32
      %mul3A_1485 = arith.muli %scan3A_970, %mul3A_1484 : i32
      %swap3A_1486 = arith.constant 54 : i32
      %swap3A_1487 = arith.index_cast %swap3A_1486 : i32 to index
      %swap3A_1488 = arith.index_cast %mul3A_1485 : i32 to index
      %swap3A_1489 = tpu.vector_load %arg7[%swap3A_1487, %swap3A_1488] {strides = array<i32>} : memref<64x512xf32, #tpu.memory_space<vmem>>, vector<16xf32>,
      tpu.vector_store %arg7[%swap3A_1487, %swap3A_1488], %gather3A_1483 {strides = array<i32>} : memref<64x512xf32, #tpu.memory_space<vmem>>, vector<16xf32>,
      %broadcast_in_dim3A_1490 = arith.constant 55 : i32
      %broadcast_in_dim3A_1491 = vector.broadcast %broadcast_in_dim3A_1490 : i32 to vector<16xi32>
      %gather3A_1492 = tpu.vector_load_idx %arg6[%broadcast_in_dim3A, %add3A_994, %broadcast_in_dim3A_1491] : memref<4x128x64xf32, #tpu.memory_space<vmem>>[vector<16xi32>, vector<16xi32>, vector<16xi32>], vector<16xf32>,
      %mul3A_1493 = arith.constant 16 : i32
      %mul3A_1494 = arith.muli %scan3A_970, %mul3A_1493 : i32
      %swap3A_1495 = arith.constant 55 : i32
      %swap3A_1496 = arith.index_cast %swap3A_1495 : i32 to index
      %swap3A_1497 = arith.index_cast %mul3A_1494 : i32 to index
      %swap3A_1498 = tpu.vector_load %arg7[%swap3A_1496, %swap3A_1497] {strides = array<i32>} : memref<64x512xf32, #tpu.memory_space<vmem>>, vector<16xf32>,
      tpu.vector_store %arg7[%swap3A_1496, %swap3A_1497], %gather3A_1492 {strides = array<i32>} : memref<64x512xf32, #tpu.memory_space<vmem>>, vector<16xf32>,
      %broadcast_in_dim3A_1499 = arith.constant 56 : i32
      %broadcast_in_dim3A_1500 = vector.broadcast %broadcast_in_dim3A_1499 : i32 to vector<16xi32>
      %gather3A_1501 = tpu.vector_load_idx %arg6[%broadcast_in_dim3A, %add3A_994, %broadcast_in_dim3A_1500] : memref<4x128x64xf32, #tpu.memory_space<vmem>>[vector<16xi32>, vector<16xi32>, vector<16xi32>], vector<16xf32>,
      %mul3A_1502 = arith.constant 16 : i32
      %mul3A_1503 = arith.muli %scan3A_970, %mul3A_1502 : i32
      %swap3A_1504 = arith.constant 56 : i32
      %swap3A_1505 = arith.index_cast %swap3A_1504 : i32 to index
      %swap3A_1506 = arith.index_cast %mul3A_1503 : i32 to index
      %swap3A_1507 = tpu.vector_load %arg7[%swap3A_1505, %swap3A_1506] {strides = array<i32>} : memref<64x512xf32, #tpu.memory_space<vmem>>, vector<16xf32>,
      tpu.vector_store %arg7[%swap3A_1505, %swap3A_1506], %gather3A_1501 {strides = array<i32>} : memref<64x512xf32, #tpu.memory_space<vmem>>, vector<16xf32>,
      %broadcast_in_dim3A_1508 = arith.constant 57 : i32
      %broadcast_in_dim3A_1509 = vector.broadcast %broadcast_in_dim3A_1508 : i32 to vector<16xi32>
      %gather3A_1510 = tpu.vector_load_idx %arg6[%broadcast_in_dim3A, %add3A_994, %broadcast_in_dim3A_1509] : memref<4x128x64xf32, #tpu.memory_space<vmem>>[vector<16xi32>, vector<16xi32>, vector<16xi32>], vector<16xf32>,
      %mul3A_1511 = arith.constant 16 : i32
      %mul3A_1512 = arith.muli %scan3A_970, %mul3A_1511 : i32
      %swap3A_1513 = arith.constant 57 : i32
      %swap3A_1514 = arith.index_cast %swap3A_1513 : i32 to index
      %swap3A_1515 = arith.index_cast %mul3A_1512 : i32 to index
      %swap3A_1516 = tpu.vector_load %arg7[%swap3A_1514, %swap3A_1515] {strides = array<i32>} : memref<64x512xf32, #tpu.memory_space<vmem>>, vector<16xf32>,
      tpu.vector_store %arg7[%swap3A_1514, %swap3A_1515], %gather3A_1510 {strides = array<i32>} : memref<64x512xf32, #tpu.memory_space<vmem>>, vector<16xf32>,
      %broadcast_in_dim3A_1517 = arith.constant 58 : i32
      %broadcast_in_dim3A_1518 = vector.broadcast %broadcast_in_dim3A_1517 : i32 to vector<16xi32>
      %gather3A_1519 = tpu.vector_load_idx %arg6[%broadcast_in_dim3A, %add3A_994, %broadcast_in_dim3A_1518] : memref<4x128x64xf32, #tpu.memory_space<vmem>>[vector<16xi32>, vector<16xi32>, vector<16xi32>], vector<16xf32>,
      %mul3A_1520 = arith.constant 16 : i32
      %mul3A_1521 = arith.muli %scan3A_970, %mul3A_1520 : i32
      %swap3A_1522 = arith.constant 58 : i32
      %swap3A_1523 = arith.index_cast %swap3A_1522 : i32 to index
      %swap3A_1524 = arith.index_cast %mul3A_1521 : i32 to index
      %swap3A_1525 = tpu.vector_load %arg7[%swap3A_1523, %swap3A_1524] {strides = array<i32>} : memref<64x512xf32, #tpu.memory_space<vmem>>, vector<16xf32>,
      tpu.vector_store %arg7[%swap3A_1523, %swap3A_1524], %gather3A_1519 {strides = array<i32>} : memref<64x512xf32, #tpu.memory_space<vmem>>, vector<16xf32>,
      %broadcast_in_dim3A_1526 = arith.constant 59 : i32
      %broadcast_in_dim3A_1527 = vector.broadcast %broadcast_in_dim3A_1526 : i32 to vector<16xi32>
      %gather3A_1528 = tpu.vector_load_idx %arg6[%broadcast_in_dim3A, %add3A_994, %broadcast_in_dim3A_1527] : memref<4x128x64xf32, #tpu.memory_space<vmem>>[vector<16xi32>, vector<16xi32>, vector<16xi32>], vector<16xf32>,
      %mul3A_1529 = arith.constant 16 : i32
      %mul3A_1530 = arith.muli %scan3A_970, %mul3A_1529 : i32
      %swap3A_1531 = arith.constant 59 : i32
      %swap3A_1532 = arith.index_cast %swap3A_1531 : i32 to index
      %swap3A_1533 = arith.index_cast %mul3A_1530 : i32 to index
      %swap3A_1534 = tpu.vector_load %arg7[%swap3A_1532, %swap3A_1533] {strides = array<i32>} : memref<64x512xf32, #tpu.memory_space<vmem>>, vector<16xf32>,
      tpu.vector_store %arg7[%swap3A_1532, %swap3A_1533], %gather3A_1528 {strides = array<i32>} : memref<64x512xf32, #tpu.memory_space<vmem>>, vector<16xf32>,
      %broadcast_in_dim3A_1535 = arith.constant 60 : i32
      %broadcast_in_dim3A_1536 = vector.broadcast %broadcast_in_dim3A_1535 : i32 to vector<16xi32>
      %gather3A_1537 = tpu.vector_load_idx %arg6[%broadcast_in_dim3A, %add3A_994, %broadcast_in_dim3A_1536] : memref<4x128x64xf32, #tpu.memory_space<vmem>>[vector<16xi32>, vector<16xi32>, vector<16xi32>], vector<16xf32>,
      %mul3A_1538 = arith.constant 16 : i32
      %mul3A_1539 = arith.muli %scan3A_970, %mul3A_1538 : i32
      %swap3A_1540 = arith.constant 60 : i32
      %swap3A_1541 = arith.index_cast %swap3A_1540 : i32 to index
      %swap3A_1542 = arith.index_cast %mul3A_1539 : i32 to index
      %swap3A_1543 = tpu.vector_load %arg7[%swap3A_1541, %swap3A_1542] {strides = array<i32>} : memref<64x512xf32, #tpu.memory_space<vmem>>, vector<16xf32>,
      tpu.vector_store %arg7[%swap3A_1541, %swap3A_1542], %gather3A_1537 {strides = array<i32>} : memref<64x512xf32, #tpu.memory_space<vmem>>, vector<16xf32>,
      %broadcast_in_dim3A_1544 = arith.constant 61 : i32
      %broadcast_in_dim3A_1545 = vector.broadcast %broadcast_in_dim3A_1544 : i32 to vector<16xi32>
      %gather3A_1546 = tpu.vector_load_idx %arg6[%broadcast_in_dim3A, %add3A_994, %broadcast_in_dim3A_1545] : memref<4x128x64xf32, #tpu.memory_space<vmem>>[vector<16xi32>, vector<16xi32>, vector<16xi32>], vector<16xf32>,
      %mul3A_1547 = arith.constant 16 : i32
      %mul3A_1548 = arith.muli %scan3A_970, %mul3A_1547 : i32
      %swap3A_1549 = arith.constant 61 : i32
      %swap3A_1550 = arith.index_cast %swap3A_1549 : i32 to index
      %swap3A_1551 = arith.index_cast %mul3A_1548 : i32 to index
      %swap3A_1552 = tpu.vector_load %arg7[%swap3A_1550, %swap3A_1551] {strides = array<i32>} : memref<64x512xf32, #tpu.memory_space<vmem>>, vector<16xf32>,
      tpu.vector_store %arg7[%swap3A_1550, %swap3A_1551], %gather3A_1546 {strides = array<i32>} : memref<64x512xf32, #tpu.memory_space<vmem>>, vector<16xf32>,
      %broadcast_in_dim3A_1553 = arith.constant 62 : i32
      %broadcast_in_dim3A_1554 = vector.broadcast %broadcast_in_dim3A_1553 : i32 to vector<16xi32>
      %gather3A_1555 = tpu.vector_load_idx %arg6[%broadcast_in_dim3A, %add3A_994, %broadcast_in_dim3A_1554] : memref<4x128x64xf32, #tpu.memory_space<vmem>>[vector<16xi32>, vector<16xi32>, vector<16xi32>], vector<16xf32>,
      %mul3A_1556 = arith.constant 16 : i32
      %mul3A_1557 = arith.muli %scan3A_970, %mul3A_1556 : i32
      %swap3A_1558 = arith.constant 62 : i32
      %swap3A_1559 = arith.index_cast %swap3A_1558 : i32 to index
      %swap3A_1560 = arith.index_cast %mul3A_1557 : i32 to index
      %swap3A_1561 = tpu.vector_load %arg7[%swap3A_1559, %swap3A_1560] {strides = array<i32>} : memref<64x512xf32, #tpu.memory_space<vmem>>, vector<16xf32>,
      tpu.vector_store %arg7[%swap3A_1559, %swap3A_1560], %gather3A_1555 {strides = array<i32>} : memref<64x512xf32, #tpu.memory_space<vmem>>, vector<16xf32>,
      %broadcast_in_dim3A_1562 = arith.constant 63 : i32
      %broadcast_in_dim3A_1563 = vector.broadcast %broadcast_in_dim3A_1562 : i32 to vector<16xi32>
      %gather3A_1564 = tpu.vector_load_idx %arg6[%broadcast_in_dim3A, %add3A_994, %broadcast_in_dim3A_1563] : memref<4x128x64xf32, #tpu.memory_space<vmem>>[vector<16xi32>, vector<16xi32>, vector<16xi32>], vector<16xf32>,
      %mul3A_1565 = arith.constant 16 : i32
      %mul3A_1566 = arith.muli %scan3A_970, %mul3A_1565 : i32
      %swap3A_1567 = arith.constant 63 : i32
      %swap3A_1568 = arith.index_cast %swap3A_1567 : i32 to index
      %swap3A_1569 = arith.index_cast %mul3A_1566 : i32 to index
      %swap3A_1570 = tpu.vector_load %arg7[%swap3A_1568, %swap3A_1569] {strides = array<i32>} : memref<64x512xf32, #tpu.memory_space<vmem>>, vector<16xf32>,
      tpu.vector_store %arg7[%swap3A_1568, %swap3A_1569], %gather3A_1564 {strides = array<i32>} : memref<64x512xf32, #tpu.memory_space<vmem>>, vector<16xf32>,
    }
    %scan3A_969 = arith.constant 32 : i32
    "tpu.region"() ({
      %run_scoped3A = tpu.sem_alloc : memref<!tpu.dma_semaphore, #tpu.memory_space<semaphore_mem>>
      %dma_start3A_970 = arith.constant 0 : i32
      %dma_start3A_971 = tpu.memref_slice %arg4[%dma_start3A_970, %mul3A_2] : memref<64x16384xf32, #tpu.memory_space<hbm>> -> memref<64x512xf32, #tpu.memory_space<hbm>>
      %dma_start3A_972 = arith.constant 0 : i32
      %dma_start3A_973 = tpu.memref_slice %arg4[%dma_start3A_972, %mul3A_2] : memref<64x16384xf32, #tpu.memory_space<hbm>> -> memref<64x512xf32, #tpu.memory_space<hbm>>
      tpu.enqueue_dma source(%arg7 : memref<64x512xf32, #tpu.memory_space<vmem>>) target(%dma_start3A_973 : memref<64x512xf32, #tpu.memory_space<hbm>>) target_semaphore(%run_scoped3A : memref<!tpu.dma_semaphore, #tpu.memory_space<semaphore_mem>>)
      %dma_wait3A = arith.constant 0 : i32
      %dma_wait3A_974 = tpu.memref_slice %arg4[%dma_wait3A, %mul3A_2] : memref<64x16384xf32, #tpu.memory_space<hbm>> -> memref<64x512xf32, #tpu.memory_space<hbm>>
      %dma_wait3A_975 = arith.constant 0 : i32
      %dma_wait3A_976 = tpu.memref_slice %arg4[%dma_wait3A_975, %mul3A_2] : memref<64x16384xf32, #tpu.memory_space<hbm>> -> memref<64x512xf32, #tpu.memory_space<hbm>>
      tpu.wait_dma2 semaphore(%run_scoped3A : memref<!tpu.dma_semaphore, #tpu.memory_space<semaphore_mem>>) src(%arg7 : memref<64x512xf32, #tpu.memory_space<vmem>>) dst(%dma_wait3A_976 : memref<64x512xf32, #tpu.memory_space<hbm>>)
      tpu.yield
    }) : () -> ()
    return
  }
}

</mosaic_0001>

<sc_bundles>
// kernel: kernel.3.cloned.1.call-start
scs
__scs_entry_jumppad:
0x0: {  	(pc) =	sbr.rel $0x88, $3  }
0x1: {  	(tag) =	ssettag $0x0;
	lr =	simm.s32 $0x1  }
0x2: {  	[smem:$0x3F9F] =	sst lr;
	_ =	strace $0xD0000000  }
0x3: {  	_ = 	snop  }
0x4: {  	_ = 	snop  }
0x5: {  	_ = 	snop  }
0x6: {  	_ = 	snop  }
0x7: {  	_ = 	snop  }
__scs_overlays_trampoline_lowered:
0x8: {  	[smem:$0x3FAE] =	sst s0  }
0x9: {  	[smem:$0x3FAF] =	sst s1  }
0xa: {  	[smem:$0x3FB0] =	sst s2  }
0xb: {  	[smem:$0x3FB1] =	sst s3  }
0xc: {  	[smem:$0x3FB2] =	sst s4  }
0xd: {  	[smem:$0x3FB3] =	sst s5  }
0xe: {  	[smem:$0x3FB4] =	sst s6  }
0xf: {  	[smem:$0x3FB5] =	sst s7  }
0x10: {  	[smem:$0x3FB6] =	sst s8  }
0x11: {  	[smem:$0x3FB7] =	sst s9;
	s0 =	simm.s32 @!p0 $0x0  }
0x12: {  	s1 =	sld [smem:$0x3F9D];
	s0 =	simm.s32 @p0 $0x1  }
0x13: {  	[smem:$0x3FB8] =	sst s0;
	s0 =	simm.s32 @!p1 $0x0  }
0x14: {  	s2 =	sld [smem:$0x3F9C];
	s0 =	simm.s32 @p1 $0x1  }
0x15: {  	[smem:$0x3FB9] =	sst s0;
	s0 =	simm.s32 @!p2 $0x0  }
0x16: {  	s3 =	sld [smem:$0x3FDB];
	s0 =	simm.s32 @p2 $0x1  }
0x17: {  	s4 =	simm.s32 $0x1BF5;
	[smem:$0x3FBB] =	sst s0  }
0x18: {  	s0 =	sld [smem:$0x3F9E];
	_ =	swait.ge [sflag:s4], $0x0  }
0x19: {  	s7 =	sld [smem:$0x3F9F]  }
0x1a: {  	s8 =	sadd.s32 $0xFFFFE003, lr  }
0x1b: {  	s9 =	sadd.s32 $0xFFFFFEF7, lr;
	s5 =	simm.s32 $0xFFFFFFFF;
	p2 =	slt.u32 s8, $0xFFFFF086  }
0x1c: {  	p1 =	slt.u32 s9, $0xF7A;
	s5 =	simm.s32 @!p2 $0x0  }
0x1d: {  	s5 =	simm.s32 @p1 $0x1;
	p0 =	seq.s32 s7, s2  }
0x1e: {  	s7 =	smul.u32 @!p0 $0xF7A, s2;
	p2 =	seq.s32 @!p0 s5, $0x0  }
0x1f: {  	s9 =	smul.u32 $0xF7A, s1;
	s8 =	simm.s32 @!p0 $0x1BF5;
	p2 =	por !p2, p0  }
0x20: {  	[sflag:s8] =	ssyncset.s32 @!p0 $0xFFFFF086;
	s6 =	sadd.s32 @!p0 s3, s7;
	s7 =	simm.s32 @!p0 $0x108  }
0x21: {  	s3 =	sadd.s32 s3, s9;
	s6 =	sadd.s32 @!p0 $0x88, s6;
	s7 =	simm.s32 @p2 $0x1082  }
0x22: {  	[simem:s7], [sflag:s8] =	dma.local @!p0 [hbm:s6], $0xF7A  }
0x23: {  	s9 =	sor.u32 $0xD0000000, s2;
	s6 =	simm.s32 $0x108;
	_ =	swait.ge @!p0 [sflag:s8], $0x0  }
0x24: {  	s3 =	sadd.s32 $0x88, s3;
	s6 =	simm.s32 @!p1 $0x1082;
	[sflag:s4] =	ssyncset.s32 $0xFFFFF086  }
0x25: {  	[simem:s6], [sflag:s4] =	dma.local [hbm:s3], $0xF7A  }
0x26: {  	[smem:$0x3F9F] =	sst s1;
	(tag) =	ssettag s2;
	_ =	strace s9  }
0x27: {  	s1 =	sld [smem:$0x3FAF]  }
0x28: {  	s2 =	sld [smem:$0x3FB0]  }
0x29: {  	s4 =	sld [smem:$0x3FB2]  }
0x2a: {  	p0 =	seq.s32 s5, $0x0;
	s5 =	sld [smem:$0x3FB3]  }
0x2b: {  	s6 =	sld [smem:$0x3FB4]  }
0x2c: {  	s7 =	sld [smem:$0x3FB5]  }
0x2d: {  	s3 =	simm.s32 $0x108;
	s8 =	sld [smem:$0x3FB6]  }
0x2e: {  	s3 =	simm.s32 @!p0 $0x1082;
	s9 =	sld [smem:$0x3FB7]  }
0x2f: {  	lr =	sadd.s32 s0, s3;
	s0 =	sld [smem:$0x3FAE]  }
0x30: {  	s3 =	sld [smem:$0x3FB1]  }
0x31: {  	[smem:$0x3FBA] =	sst s10  }
0x32: {  	s10 =	sld [smem:$0x3FB8];
	_ =	sdelay $0x3  }
0x33: {  	p0 =	seq.s32 s10, $0x1;
	s10 =	sld [smem:$0x3FBA];
	_ =	sdelay $0x3  }
0x34: {  	[smem:$0x3FBA] =	sst s10  }
0x35: {  	s10 =	sld [smem:$0x3FB9];
	_ =	sdelay $0x3  }
0x36: {  	p1 =	seq.s32 s10, $0x1;
	s10 =	sld [smem:$0x3FBA];
	_ =	sdelay $0x3  }
0x37: {  	[smem:$0x3FBA] =	sst s10  }
0x38: {  	s10 =	sld [smem:$0x3FBB]  }
0x39: {  	_ = 	snop;
	(pc) =	sbr.ind lr, $3  }
0x3a: {  	_ = 	snop  }
0x3b: {  	_ = 	snop  }
0x3c: {  	p2 =	seq.s32 s10, $0x1;
	s10 =	sld [smem:$0x3FBA]  }
0x3d: {  	_ =	shalt  }
0x3e: {  	_ =	shalt  }
0x3f: {  	_ =	shalt  }
0x40: {  	_ =	shalt  }
0x41: {  	_ =	shalt  }
0x42: {  	_ =	shalt  }
0x43: {  	_ =	shalt  }
0x44: {  	_ =	shalt  }
0x45: {  	_ =	shalt  }
0x46: {  	_ =	shalt  }
0x47: {  	_ =	shalt  }
0x48: {  	_ =	shalt  }
0x49: {  	_ =	shalt  }
0x4a: {  	_ =	shalt  }
0x4b: {  	_ =	shalt  }
0x4c: {  	_ =	shalt  }
0x4d: {  	_ =	shalt  }
0x4e: {  	_ =	shalt  }
0x4f: {  	_ =	shalt  }
0x50: {  	_ =	shalt  }
0x51: {  	_ =	shalt  }
0x52: {  	_ =	shalt  }
0x53: {  	_ =	shalt  }
0x54: {  	_ =	shalt  }
0x55: {  	_ =	shalt  }
0x56: {  	_ =	shalt  }
0x57: {  	_ =	shalt  }
0x58: {  	_ =	shalt  }
0x59: {  	_ =	shalt  }
0x5a: {  	_ =	shalt  }
0x5b: {  	_ =	shalt  }
0x5c: {  	_ =	shalt  }
0x5d: {  	_ =	shalt  }
0x5e: {  	_ =	shalt  }
0x5f: {  	_ =	shalt  }
0x60: {  	_ =	shalt  }
0x61: {  	_ =	shalt  }
0x62: {  	_ =	shalt  }
0x63: {  	_ =	shalt  }
0x64: {  	_ =	shalt  }
0x65: {  	_ =	shalt  }
0x66: {  	_ =	shalt  }
0x67: {  	_ =	shalt  }
0x68: {  	_ =	shalt  }
0x69: {  	_ =	shalt  }
0x6a: {  	_ =	shalt  }
0x6b: {  	_ =	shalt  }
0x6c: {  	_ =	shalt  }
0x6d: {  	_ =	shalt  }
0x6e: {  	_ =	shalt  }
0x6f: {  	_ =	shalt  }
0x70: {  	_ =	shalt  }
0x71: {  	_ =	shalt  }
0x72: {  	_ =	shalt  }
0x73: {  	_ =	shalt  }
0x74: {  	_ =	shalt  }
0x75: {  	_ =	shalt  }
0x76: {  	_ =	shalt  }
0x77: {  	_ =	shalt  }
0x78: {  	_ =	shalt  }
0x79: {  	_ =	shalt  }
0x7a: {  	_ =	shalt  }
0x7b: {  	_ =	shalt  }
0x7c: {  	_ =	shalt  }
0x7d: {  	_ =	shalt  }
0x7e: {  	_ =	shalt  }
0x7f: {  	_ =	shalt  }
0x80: {  	_ =	shalt  }
0x81: {  	_ =	shalt  }
0x82: {  	_ =	shalt  }
0x83: {  	_ =	shalt  }
0x84: {  	_ =	shalt  }
0x85: {  	_ =	shalt  }
0x86: {  	_ =	shalt  }
0x87: {  	_ =	shalt  }
.Lfunc_end0:
.L_simem_size_0:
called_computation_lowered:
.L_overlay_start_0:
0x88: {  	s2 =	sld [smem:$0x3FD9]  }
0x89: {  	s3 =	sld [smem:$0x3FFE];
	_ =	sdelay $0x1  }
0x8a: {  	s1 =	srdreg.scid  }
0x8b: {  	s0 =	sand.u32 $0x1, s1  }
0x8c: {  	s17 =	sshll.u32 s0, $0xA;
	s2 =	sadd.s32 s3, s2  }
0x8d: {  	s2 =	sadd.s32 s2, s17  }
0x8e: {  	[smem:$0x3FC6] =	sst s2  }
0x8f: {  	_ = 	snop  }
0x90: {  	s2 =	sld [smem:$0x3FC9]  }
0x91: {  	s18 =	sld [smem:$0x3FD0];
	(tm) =	ssettm $0x1  }
0x92: {  	s4 =	sld [smem:$0x3FFB];
	_ =	sdelay $0x3  }
0x93: {  	_ =	strace s4  }
0x94: {  	s4 =	sld [smem:$0x3FFC];
	_ =	sdelay $0x3  }
0x95: {  	_ =	strace s4  }
0x96: {  	s4 =	sld [smem:$0x3FFD];
	_ =	sdelay $0x3  }
0x97: {  	_ =	strace s4  }
0x98: {  	_ =	strace $0x8FFFFFFF  }
0x99: {  	s19 =	sld [smem:$0x3FDB];
	_ =	sdelay $0x1  }
0x9a: {  	s5 =	simm.s32 $_scs_section_size  }
0x9b: {  	s6 =	simm.s32 $_size__tile_overlayer_lowered;
	s7 =	simm.s32 $_tile_overlayer_lowered  }
0x9c: {  	s22 =	simm.s32 $0x1BFF;
	s21 =	sshll.u32 s7, $0x1;
	s4 =	sadd.s32 s5, s19  }
0x9d: {  	s8 =	simm.s32 $0x0;
	s20 =	sshll.u32 s6, $0x1;
	s6 =	sadd.s32 s21, s4  }
0x9e: {  	[timem:s8], [sflag:s22] =	dma.local [hbm:s6], s20  }
0x9f: {  	_ =	swait.ge [sflag:s22], s20  }
0xa0: {  	s5 =	ssub.s32 $0x0, s20;
	[sflag:s22] =	ssyncset.done $0x0  }
0xa1: {  	[sflag:s22] =	ssyncadd.s32 s5;
	_ =	sdelay $0x1  }
0xa2: {  	s23 =	simm.s32 $0x1B8B  }
0xa3: {  	_ =	swait.ge [sflag:s23], $0x1  }
0xa4: {  	[sflag:s23] =	ssyncset.done $0x0  }
0xa5: {  	s25 =	simm.s32 $0x1B8E;
	s24 =	sld [smem:$0x3FFE];
	[sflag:s23] =	ssyncadd.s32 $0xFFFFFFFF  }
0xa6: {  	s26 =	simm.s32 $execute0_lowered;
	[smem:$0x3FD2] =	sst s25  }
0xa7: {  	s6 =	sshll.u32 s26, $0x1;
	_ =	strace $0x80000046;
	[dreg:$0x1] =	wrdreg $0xFFFFFFFF  }
0xa8: {  	s28 =	simm.s32 $_size_execute0_lowered;
	s4 =	sadd.s32 s4, s6;
	[dreg:$0x0] =	wrdreg $0x0  }
0xa9: {  	s6 =	sshll.u32 s28, $0x1;
	[dreg:$0x2] =	wrdreg s4  }
0xaa: {  	[dreg:$0x3] =	wrdreg s6  }
0xab: {  	[dreg:$0x4] =	wrdreg $0xC0  }
0xac: {  	_ =	task [dreg:s8], $0x5FFFF  }
0xad: {  	[dreg:$0x1] =	wrdreg $0xFFFFFFFF  }
0xae: {  	[dreg:$0x0] =	wrdreg $0x60  }
0xaf: {  	[dreg:$0x2] =	wrdreg s2  }
0xb0: {  	[dreg:$0x3] =	wrdreg s24  }
0xb1: {  	[dreg:$0x4] =	wrdreg s18  }
0xb2: {  	[dreg:$0x5] =	wrdreg $0x9  }
0xb3: {  	_ =	task.clear_ibuf [dreg:s8], $0x6FFFF;
	_ =	strace $0x90000046  }
0xb4: {  	s29 =	simm.s32 $0x9;
	_ =	strace $0x80000048  }
0xb5: {  	_ =	swait.ge [sflag:s29], $0x1  }
0xb6: {  	[sflag:s29] =	ssyncadd.s32 $0xFFFFFFFF  }
0xb7: {  	_ =	strace $0x90000048  }
0xb8: {  	_ =	sfence  }
0xb9: {  	s30 =	sld [smem:$0x0];
	_ =	sdelay $0x2  }
0xba: {  	s31 =	sshll.u32 s1, $0xD;
	s1 =	sshrl.u32 s1, $0x2  }
0xbb: {  	s3 =	sand.u32 $0x4000, s31;
	s1 =	sadd.s32 s1, s30  }
0xbc: {  	s0 =	sor.u32 s3, s0;
	s1 =	sshll.u32 s1, $0x11  }
0xbd: {  	s0 =	sor.u32 s1, s0  }
0xbe: {  	s0 =	sadd.s32 $0x8F2B, s0  }
0xbf: {  	[sflag:s0] =	ssyncadd.remote.s32 $0x1  }
0xc0: {  	_ =	sfence.sel $0xFFFF  }
0xc1: {  	[dreg:$0x0] =	wrdreg $0xFFFFFFFF;
	(pc) =	sbr.abs _section_cstart, $3  }
0xc2: {  	[dreg:$0x1] =	wrdreg $0xFFFFFFFF  }
0xc3: {  	_ =	task.clear_ibuf [dreg:s8], $0x2FFFF;
	_ =	strace $0x9FFFFFFF  }
0xc4: {  	(tm) =	ssettm $0x7FFFFFFF  }
0xc5: {  	_ =	shalt  }
tec
execute0_lowered:
.L_overlay_start_1:
0x0: {  	(tag) =	ssettag $0x1  }
0x1: {  	s0 =	rddreg [dreg:$0x0]  }
0x2: {  	s1 =	rddreg [dreg:$0x1]  }
0x3: {  	s5 =	rddreg [dreg:$0x2]  }
0x4: {  	s2 =	simm.s32 $0x0;
	s3 =	srdreg.scid;
	s6 =	stileid.u32  }
0x5: {  	s8 =	simm.s32 $0x200;
	s21 =	simm.s32 $0x9600;
	s22 =	simm.s32 $0x9A00  }
0x6: {  	s23 =	simm.s32 $0x9E00;
	s24 =	simm.s32 $0xA200;
	s28 =	simm.s32 $0xAE00  }
0x7: {  	s29 =	simm.s32 $0xB200;
	s30 =	simm.s32 $0xB600;
	s31 =	simm.s32 $0xBA00  }
0x8: {  	s9 =	simm.s32 $0x1000;
	s10 =	simm.s32 $0x20000;
	s11 =	simm.s32 $0x10200  }
0x9: {  	s12 =	simm.s32 $0x0;
	[smem:$0x7FF] =	sst s2;
	s3 =	sand.u32 $0x1, s3  }
0xa: {  	s6 =	sshll.u32 s6, $0xA;
	s4 =	ssub.s32 $0x2, s3;
	s3 =	sshll.u32 s3, $0x9  }
.Ltmp0:
0xb: {  	_ =	strace $0x80000047;
	s7 =	sshrl.u32 s4, $0x1;
	(pc) =	sbr.rel .LBB2_1-.Ltmp0, $4  }
0xc: {  	s6 =	sor.u32 s3, s6;
	s3 =	sadd.s32 $0x400, s1;
	s1 =	simm.s32 $0x1  }
0xd: {  	s25 =	ssub.s32 s4, s7;
	s26 =	sshrl.u32 s6, $0x3;
	s5 =	sadd.s32 s5, s6  }
0xe: {  	v0 =	vlaneseq.u32;
	s7 =	simm.s32 $0x2;
	s4 =	sadd.s32 s0, s26;
	s6 =	smax.u32 s25, $0x1  }
0xf: {  	v0 =	vmul.u32 $0x400, v0;
	s25 =	simm.s32 $0xA600;
	s26 =	simm.s32 $0xAA00;
	s0 =	simm.s32 $0xBE00  }
.LBB2_5:
0x10: {  	s12 =	sadd.s32 $0x1, s12  }
0x11: {  	p0 =	sne.s32 s12, s6  }
.Ltmp1:
0x12: {  	_ = 	snop;
	(pc) =	sbr.rel @!p0 .LBB2_6-.Ltmp1, $4  }
0x13: {  	[hbm4b:s5+s9] =	stream.strided.scatter [tilespmem:s11], [sflag:$0x2], $0x8000, s10, s9, $0x38;
	[tilespmem:$0x18200] =	vst v63  }
0x14: {  	_ =	swait.ge [sflag:s7], $0x8000  }
0x15: {  	[sflag:s7] =	ssyncset.done $0x0  }
0x16: {  	[sflag:s7] =	ssyncadd.s32 $0xFFFF8000  }
.LBB2_1:
0x17: {  	[tilespmem:s2], [sflag:$0x2] =	stream.linear.gather [hbm4b:s4+s2], $0x200, $0x38;
	[tilespmem:$0x18200] =	vst v63  }
0x18: {  	_ =	swait.ge [sflag:s7], $0x200  }
0x19: {  	[sflag:s7] =	ssyncset.done $0x0  }
0x1a: {  	[sflag:s7] =	ssyncadd.s32 $0xFFFFFE00  }
0x1b: {  	v1 =	vld [tilespmem:$0x0];
	_ =	sdelay $0x4  }
0x1c: {  	v1 =	vshll.u32 v1, $0x4  }
0x1d: {  	(v2sf) =	vpush v1, $0x0;
	_ =	sdelay $0x1  }
0x1e: {  	(v2sf) =	vpush v1, $0x1;
	_ =	sdelay $0x1  }
0x1f: {  	(v2sf) =	vpush v1, $0x2;
	_ =	sdelay $0x8  }
0x20: {  	(v2sf) =	vpush v1, $0x3;
	_ =	sdelay $0x1  }
0x21: {  	s13 =	spop (v2sf);
	(v2sf) =	vpush v1, $0x4;
	_ =	sdelay $0x1  }
0x22: {  	s14 =	spop (v2sf);
	(v2sf) =	vpush v1, $0x5;
	_ =	sdelay $0x1  }
0x23: {  	s15 =	spop (v2sf);
	(v2sf) =	vpush v1, $0x6;
	_ =	sdelay $0x1  }
0x24: {  	s13 =	sand.u32 $0xFFFFF80, s13  }
0x25: {  	s13 =	sadd.s32 s3, s13;
	(v2sf) =	vpush v1, $0x7  }
0x26: {  	[tilespmem:s8], [sflag:$0x1] =	stream.linear.gather [hbm4b:s13+s2], $0x400, $0x38;
	[tilespmem:$0x18200] =	vst v63  }
0x27: {  	s13 =	sand.u32 $0xFFFFF80, s14  }
0x28: {  	s14 =	simm.s32 $0x600;
	s13 =	sadd.s32 s3, s13  }
0x29: {  	[tilespmem:s14], [sflag:$0x1] =	stream.linear.gather [hbm4b:s13+s2], $0x400, $0x38;
	[tilespmem:$0x18200] =	vst v63  }
0x2a: {  	s13 =	sand.u32 $0xFFFFF80, s15  }
0x2b: {  	s16 =	simm.s32 $0xA00;
	s17 =	spop (v2sf);
	s13 =	sadd.s32 s3, s13  }
0x2c: {  	[tilespmem:s16], [sflag:$0x1] =	stream.linear.gather [hbm4b:s13+s2], $0x400, $0x38;
	[tilespmem:$0x18200] =	vst v63  }
0x2d: {  	s19 =	spop (v2sf);
	(v2sf) =	vpush v1, $0x8  }
0x2e: {  	s13 =	sand.u32 $0xFFFFF80, s17  }
0x2f: {  	s18 =	simm.s32 $0xE00;
	s13 =	sadd.s32 s3, s13;
	s15 =	spop (v2sf);
	(v2sf) =	vpush v1, $0x9  }
0x30: {  	[tilespmem:s18], [sflag:$0x1] =	stream.linear.gather [hbm4b:s13+s2], $0x400, $0x38;
	[tilespmem:$0x18200] =	vst v63  }
0x31: {  	s13 =	sand.u32 $0xFFFFF80, s19;
	s17 =	spop (v2sf);
	(v2sf) =	vpush v1, $0xA  }
0x32: {  	s20 =	simm.s32 $0x1200;
	s13 =	sadd.s32 s3, s13  }
0x33: {  	[tilespmem:s20], [sflag:$0x1] =	stream.linear.gather [hbm4b:s13+s2], $0x400, $0x38;
	[tilespmem:$0x18200] =	vst v63  }
0x34: {  	s19 =	spop (v2sf);
	(v2sf) =	vpush v1, $0xB  }
0x35: {  	s13 =	sand.u32 $0xFFFFF80, s15  }
0x36: {  	s16 =	simm.s32 $0x1600;
	s13 =	sadd.s32 s3, s13  }
0x37: {  	[tilespmem:s16], [sflag:$0x1] =	stream.linear.gather [hbm4b:s13+s2], $0x400, $0x38;
	[tilespmem:$0x18200] =	vst v63  }
0x38: {  	s13 =	sand.u32 $0xFFFFF80, s17  }
0x39: {  	s18 =	simm.s32 $0x1A00;
	s13 =	sadd.s32 s3, s13  }
0x3a: {  	[tilespmem:s18], [sflag:$0x1] =	stream.linear.gather [hbm4b:s13+s2], $0x400, $0x38;
	[tilespmem:$0x18200] =	vst v63  }
0x3b: {  	s13 =	sand.u32 $0xFFFFF80, s19  }
0x3c: {  	s20 =	simm.s32 $0x1E00;
	s13 =	sadd.s32 s3, s13;
	s15 =	spop (v2sf);
	(v2sf) =	vpush v1, $0xC  }
0x3d: {  	[tilespmem:s20], [sflag:$0x1] =	stream.linear.gather [hbm4b:s13+s2], $0x400, $0x38;
	[tilespmem:$0x18200] =	vst v63  }
0x3e: {  	s17 =	spop (v2sf);
	(v2sf) =	vpush v1, $0xD  }
0x3f: {  	s13 =	sand.u32 $0xFFFFF80, s15  }
0x40: {  	s16 =	simm.s32 $0x2200;
	s13 =	sadd.s32 s3, s13;
	s19 =	spop (v2sf)  }
0x41: {  	(v2sf) =	vpush v1, $0xE;
	[tilespmem:s16], [sflag:$0x1] =	stream.linear.gather [hbm4b:s13+s2], $0x400, $0x38;
	[tilespmem:$0x18200] =	vst v63  }
0x42: {  	s13 =	sand.u32 $0xFFFFF80, s17  }
0x43: {  	s18 =	simm.s32 $0x2600;
	s15 =	spop (v2sf);
	s13 =	sadd.s32 s3, s13  }
0x44: {  	(v2sf) =	vpush v1, $0xF;
	[tilespmem:s18], [sflag:$0x1] =	stream.linear.gather [hbm4b:s13+s2], $0x400, $0x38;
	[tilespmem:$0x18200] =	vst v63  }
0x45: {  	s13 =	sand.u32 $0xFFFFF80, s19  }
0x46: {  	s20 =	simm.s32 $0x2A00;
	s13 =	sadd.s32 s3, s13  }
0x47: {  	[tilespmem:s20], [sflag:$0x1] =	stream.linear.gather [hbm4b:s13+s2], $0x400, $0x38;
	[tilespmem:$0x18200] =	vst v63  }
0x48: {  	s13 =	sand.u32 $0xFFFFF80, s15  }
0x49: {  	s16 =	simm.s32 $0x2E00;
	s13 =	sadd.s32 s3, s13  }
0x4a: {  	[tilespmem:s16], [sflag:$0x1] =	stream.linear.gather [hbm4b:s13+s2], $0x400, $0x38;
	[tilespmem:$0x18200] =	vst v63  }
0x4b: {  	s17 =	spop (v2sf)  }
0x4c: {  	s13 =	sand.u32 $0xFFFFF80, s17  }
0x4d: {  	s18 =	simm.s32 $0x3200;
	s19 =	spop (v2sf);
	s13 =	sadd.s32 s3, s13  }
0x4e: {  	[tilespmem:s18], [sflag:$0x1] =	stream.linear.gather [hbm4b:s13+s2], $0x400, $0x38;
	[tilespmem:$0x18200] =	vst v63  }
0x4f: {  	s13 =	sand.u32 $0xFFFFF80, s19  }
0x50: {  	s20 =	simm.s32 $0x3600;
	s15 =	spop (v2sf);
	s13 =	sadd.s32 s3, s13  }
0x51: {  	[tilespmem:s20], [sflag:$0x1] =	stream.linear.gather [hbm4b:s13+s2], $0x400, $0x38;
	[tilespmem:$0x18200] =	vst v63  }
0x52: {  	s13 =	sand.u32 $0xFFFFF80, s15  }
0x53: {  	s16 =	simm.s32 $0x3A00;
	s17 =	spop (v2sf);
	s13 =	sadd.s32 s3, s13  }
0x54: {  	[tilespmem:s16], [sflag:$0x1] =	stream.linear.gather [hbm4b:s13+s2], $0x400, $0x38;
	[tilespmem:$0x18200] =	vst v63  }
0x55: {  	s13 =	sand.u32 $0xFFFFF80, s17  }
0x56: {  	s18 =	simm.s32 $0x3E00;
	s13 =	sadd.s32 s3, s13  }
0x57: {  	[tilespmem:s18], [sflag:$0x1] =	stream.linear.gather [hbm4b:s13+s2], $0x400, $0x38;
	[tilespmem:$0x18200] =	vst v63  }
0x58: {  	v1 =	vld [tilespmem:$0x10];
	_ =	sdelay $0x4  }
0x59: {  	v1 =	vshll.u32 v1, $0x4  }
0x5a: {  	(v2sf) =	vpush v1, $0x0;
	_ =	sdelay $0x1  }
0x5b: {  	(v2sf) =	vpush v1, $0x1;
	_ =	sdelay $0x1  }
0x5c: {  	(v2sf) =	vpush v1, $0x2  }
0x5d: {  	(v2sf) =	vpush v1, $0x3;
	_ =	sdelay $0x3  }
0x5e: {  	(v2sf) =	vpush v1, $0x4;
	_ =	sdelay $0x5  }
0x5f: {  	s19 =	spop (v2sf);
	(v2sf) =	vpush v1, $0x5;
	_ =	sdelay $0x1  }
0x60: {  	s15 =	spop (v2sf);
	(v2sf) =	vpush v1, $0x6;
	_ =	sdelay $0x1  }
0x61: {  	s17 =	spop (v2sf)  }
0x62: {  	s13 =	sand.u32 $0xFFFFF80, s19;
	s19 =	spop (v2sf);
	(v2sf) =	vpush v1, $0x7  }
0x63: {  	s20 =	simm.s32 $0x4200;
	s13 =	sadd.s32 s3, s13  }
0x64: {  	[tilespmem:s20], [sflag:$0x1] =	stream.linear.gather [hbm4b:s13+s2], $0x400, $0x38;
	[tilespmem:$0x18200] =	vst v63  }
0x65: {  	s13 =	sand.u32 $0xFFFFF80, s15  }
0x66: {  	s16 =	simm.s32 $0x4600;
	s13 =	sadd.s32 s3, s13;
	s15 =	spop (v2sf);
	(v2sf) =	vpush v1, $0x8  }
0x67: {  	[tilespmem:s16], [sflag:$0x1] =	stream.linear.gather [hbm4b:s13+s2], $0x400, $0x38;
	[tilespmem:$0x18200] =	vst v63  }
0x68: {  	s13 =	sand.u32 $0xFFFFF80, s17  }
0x69: {  	s18 =	simm.s32 $0x4A00;
	s13 =	sadd.s32 s3, s13  }
0x6a: {  	[tilespmem:s18], [sflag:$0x1] =	stream.linear.gather [hbm4b:s13+s2], $0x400, $0x38;
	[tilespmem:$0x18200] =	vst v63  }
0x6b: {  	s13 =	sand.u32 $0xFFFFF80, s19  }
0x6c: {  	s20 =	simm.s32 $0x4E00;
	s13 =	sadd.s32 s3, s13;
	s17 =	spop (v2sf);
	(v2sf) =	vpush v1, $0x9  }
0x6d: {  	[tilespmem:s20], [sflag:$0x1] =	stream.linear.gather [hbm4b:s13+s2], $0x400, $0x38;
	[tilespmem:$0x18200] =	vst v63  }
0x6e: {  	s13 =	sand.u32 $0xFFFFF80, s15;
	s19 =	spop (v2sf);
	(v2sf) =	vpush v1, $0xA  }
0x6f: {  	s16 =	simm.s32 $0x5200;
	s13 =	sadd.s32 s3, s13  }
0x70: {  	[tilespmem:s16], [sflag:$0x1] =	stream.linear.gather [hbm4b:s13+s2], $0x400, $0x38;
	[tilespmem:$0x18200] =	vst v63  }
0x71: {  	s13 =	sand.u32 $0xFFFFF80, s17;
	s15 =	spop (v2sf);
	(v2sf) =	vpush v1, $0xB  }
0x72: {  	s18 =	simm.s32 $0x5600;
	s13 =	sadd.s32 s3, s13  }
0x73: {  	[tilespmem:s18], [sflag:$0x1] =	stream.linear.gather [hbm4b:s13+s2], $0x400, $0x38;
	[tilespmem:$0x18200] =	vst v63  }
0x74: {  	s13 =	sand.u32 $0xFFFFF80, s19  }
0x75: {  	s20 =	simm.s32 $0x5A00;
	s13 =	sadd.s32 s3, s13;
	s17 =	spop (v2sf)  }
0x76: {  	(v2sf) =	vpush v1, $0xC;
	[tilespmem:s20], [sflag:$0x1] =	stream.linear.gather [hbm4b:s13+s2], $0x400, $0x38;
	[tilespmem:$0x18200] =	vst v63  }
0x77: {  	s13 =	sand.u32 $0xFFFFF80, s15  }
0x78: {  	s16 =	simm.s32 $0x5E00;
	s13 =	sadd.s32 s3, s13  }
0x79: {  	[tilespmem:s16], [sflag:$0x1] =	stream.linear.gather [hbm4b:s13+s2], $0x400, $0x38;
	[tilespmem:$0x18200] =	vst v63  }
0x7a: {  	s13 =	sand.u32 $0xFFFFF80, s17  }
0x7b: {  	s18 =	simm.s32 $0x6200;
	s13 =	sadd.s32 s3, s13;
	s19 =	spop (v2sf);
	(v2sf) =	vpush v1, $0xD  }
0x7c: {  	[tilespmem:s18], [sflag:$0x1] =	stream.linear.gather [hbm4b:s13+s2], $0x400, $0x38;
	[tilespmem:$0x18200] =	vst v63  }
0x7d: {  	s13 =	sand.u32 $0xFFFFF80, s19;
	s15 =	spop (v2sf);
	(v2sf) =	vpush v1, $0xE  }
0x7e: {  	s20 =	simm.s32 $0x6600;
	s13 =	sadd.s32 s3, s13  }
0x7f: {  	[tilespmem:s20], [sflag:$0x1] =	stream.linear.gather [hbm4b:s13+s2], $0x400, $0x38;
	[tilespmem:$0x18200] =	vst v63  }
0x80: {  	s17 =	spop (v2sf);
	(v2sf) =	vpush v1, $0xF  }
0x81: {  	s13 =	sand.u32 $0xFFFFF80, s15  }
0x82: {  	s16 =	simm.s32 $0x6A00;
	s13 =	sadd.s32 s3, s13  }
0x83: {  	[tilespmem:s16], [sflag:$0x1] =	stream.linear.gather [hbm4b:s13+s2], $0x400, $0x38;
	[tilespmem:$0x18200] =	vst v63  }
0x84: {  	s13 =	sand.u32 $0xFFFFF80, s17  }
0x85: {  	s18 =	simm.s32 $0x6E00;
	s19 =	spop (v2sf);
	s13 =	sadd.s32 s3, s13  }
0x86: {  	[tilespmem:s18], [sflag:$0x1] =	stream.linear.gather [hbm4b:s13+s2], $0x400, $0x38;
	[tilespmem:$0x18200] =	vst v63  }
0x87: {  	s13 =	sand.u32 $0xFFFFF80, s19  }
0x88: {  	s20 =	simm.s32 $0x7200;
	s13 =	sadd.s32 s3, s13  }
0x89: {  	[tilespmem:s20], [sflag:$0x1] =	stream.linear.gather [hbm4b:s13+s2], $0x400, $0x38;
	[tilespmem:$0x18200] =	vst v63  }
0x8a: {  	s15 =	spop (v2sf)  }
0x8b: {  	s13 =	sand.u32 $0xFFFFF80, s15  }
0x8c: {  	s16 =	simm.s32 $0x7600;
	s17 =	spop (v2sf);
	s13 =	sadd.s32 s3, s13  }
0x8d: {  	[tilespmem:s16], [sflag:$0x1] =	stream.linear.gather [hbm4b:s13+s2], $0x400, $0x38;
	[tilespmem:$0x18200] =	vst v63  }
0x8e: {  	s13 =	sand.u32 $0xFFFFF80, s17  }
0x8f: {  	s18 =	simm.s32 $0x7A00;
	s19 =	spop (v2sf);
	s13 =	sadd.s32 s3, s13  }
0x90: {  	[tilespmem:s18], [sflag:$0x1] =	stream.linear.gather [hbm4b:s13+s2], $0x400, $0x38;
	[tilespmem:$0x18200] =	vst v63  }
0x91: {  	s13 =	sand.u32 $0xFFFFF80, s19  }
0x92: {  	s20 =	simm.s32 $0x7E00;
	s13 =	sadd.s32 s3, s13  }
0x93: {  	[tilespmem:s20], [sflag:$0x1] =	stream.linear.gather [hbm4b:s13+s2], $0x400, $0x38;
	[tilespmem:$0x18200] =	vst v63  }
0x94: {  	v1 =	vld [tilespmem:$0x20];
	_ =	sdelay $0x4  }
0x95: {  	v1 =	vshll.u32 v1, $0x4  }
0x96: {  	(v2sf) =	vpush v1, $0x0;
	_ =	sdelay $0x4  }
0x97: {  	(v2sf) =	vpush v1, $0x1  }
0x98: {  	(v2sf) =	vpush v1, $0x2  }
0x99: {  	(v2sf) =	vpush v1, $0x3;
	_ =	sdelay $0x1  }
0x9a: {  	(v2sf) =	vpush v1, $0x4;
	_ =	sdelay $0x5  }
0x9b: {  	s15 =	spop (v2sf);
	(v2sf) =	vpush v1, $0x5;
	_ =	sdelay $0x4  }
0x9c: {  	s17 =	spop (v2sf)  }
0x9d: {  	s13 =	sand.u32 $0xFFFFF80, s15;
	s19 =	spop (v2sf);
	(v2sf) =	vpush v1, $0x6  }
0x9e: {  	s16 =	simm.s32 $0x8200;
	s13 =	sadd.s32 s3, s13;
	s15 =	spop (v2sf);
	(v2sf) =	vpush v1, $0x7  }
0x9f: {  	[tilespmem:s16], [sflag:$0x1] =	stream.linear.gather [hbm4b:s13+s2], $0x400, $0x38;
	[tilespmem:$0x18200] =	vst v63  }
0xa0: {  	s13 =	sand.u32 $0xFFFFF80, s17;
	s17 =	spop (v2sf);
	(v2sf) =	vpush v1, $0x8  }
0xa1: {  	s18 =	simm.s32 $0x8600;
	s13 =	sadd.s32 s3, s13  }
0xa2: {  	[tilespmem:s18], [sflag:$0x1] =	stream.linear.gather [hbm4b:s13+s2], $0x400, $0x38;
	[tilespmem:$0x18200] =	vst v63  }
0xa3: {  	s13 =	sand.u32 $0xFFFFF80, s19  }
0xa4: {  	s20 =	simm.s32 $0x8A00;
	s13 =	sadd.s32 s3, s13  }
0xa5: {  	[tilespmem:s20], [sflag:$0x1] =	stream.linear.gather [hbm4b:s13+s2], $0x400, $0x38;
	[tilespmem:$0x18200] =	vst v63  }
0xa6: {  	s13 =	sand.u32 $0xFFFFF80, s15;
	s19 =	spop (v2sf);
	(v2sf) =	vpush v1, $0x9  }
0xa7: {  	s16 =	simm.s32 $0x8E00;
	s13 =	sadd.s32 s3, s13  }
0xa8: {  	[tilespmem:s16], [sflag:$0x1] =	stream.linear.gather [hbm4b:s13+s2], $0x400, $0x38;
	[tilespmem:$0x18200] =	vst v63  }
0xa9: {  	s13 =	sand.u32 $0xFFFFF80, s17  }
0xaa: {  	s18 =	simm.s32 $0x9200;
	s13 =	sadd.s32 s3, s13;
	(v2sf) =	vpush v1, $0xA  }
0xab: {  	[tilespmem:s18], [sflag:$0x1] =	stream.linear.gather [hbm4b:s13+s2], $0x400, $0x38;
	[tilespmem:$0x18200] =	vst v63  }
0xac: {  	s13 =	sand.u32 $0xFFFFF80, s19;
	s20 =	spop (v2sf);
	(v2sf) =	vpush v1, $0xB  }
0xad: {  	s13 =	sadd.s32 s3, s13;
	s14 =	spop (v2sf);
	(v2sf) =	vpush v1, $0xC  }
0xae: {  	[tilespmem:s21], [sflag:$0x1] =	stream.linear.gather [hbm4b:s13+s2], $0x400, $0x38;
	[tilespmem:$0x18200] =	vst v63  }
0xaf: {  	s13 =	sand.u32 $0xFFFFF80, s20;
	s15 =	spop (v2sf);
	(v2sf) =	vpush v1, $0xD  }
0xb0: {  	s13 =	sadd.s32 s3, s13  }
0xb1: {  	[tilespmem:s22], [sflag:$0x1] =	stream.linear.gather [hbm4b:s13+s2], $0x400, $0x38;
	[tilespmem:$0x18200] =	vst v63  }
0xb2: {  	s13 =	sand.u32 $0xFFFFF80, s14  }
0xb3: {  	s13 =	sadd.s32 s3, s13  }
0xb4: {  	[tilespmem:s23], [sflag:$0x1] =	stream.linear.gather [hbm4b:s13+s2], $0x400, $0x38;
	[tilespmem:$0x18200] =	vst v63  }
0xb5: {  	s13 =	sand.u32 $0xFFFFF80, s15;
	s16 =	spop (v2sf);
	(v2sf) =	vpush v1, $0xE  }
0xb6: {  	s13 =	sadd.s32 s3, s13  }
0xb7: {  	[tilespmem:s24], [sflag:$0x1] =	stream.linear.gather [hbm4b:s13+s2], $0x400, $0x38;
	[tilespmem:$0x18200] =	vst v63  }
0xb8: {  	s13 =	sand.u32 $0xFFFFF80, s16  }
0xb9: {  	s17 =	spop (v2sf);
	(v2sf) =	vpush v1, $0xF;
	s13 =	sadd.s32 s3, s13  }
0xba: {  	[tilespmem:s25], [sflag:$0x1] =	stream.linear.gather [hbm4b:s13+s2], $0x400, $0x38;
	[tilespmem:$0x18200] =	vst v63  }
0xbb: {  	s18 =	spop (v2sf);
	s13 =	sand.u32 $0xFFFFF80, s17  }
0xbc: {  	s19 =	sand.u32 $0xFFFFF80, s18;
	s20 =	spop (v2sf);
	s13 =	sadd.s32 s3, s13  }
0xbd: {  	[tilespmem:s26], [sflag:$0x1] =	stream.linear.gather [hbm4b:s13+s2], $0x400, $0x38;
	[tilespmem:$0x18200] =	vst v63  }
0xbe: {  	s15 =	sand.u32 $0xFFFFF80, s20;
	s16 =	spop (v2sf);
	s13 =	sadd.s32 s3, s19  }
0xbf: {  	[tilespmem:s28], [sflag:$0x1] =	stream.linear.gather [hbm4b:s13+s2], $0x400, $0x38;
	[tilespmem:$0x18200] =	vst v63  }
0xc0: {  	s17 =	sand.u32 $0xFFFFF80, s16;
	s13 =	sadd.s32 s3, s15  }
0xc1: {  	[tilespmem:s29], [sflag:$0x1] =	stream.linear.gather [hbm4b:s13+s2], $0x400, $0x38;
	[tilespmem:$0x18200] =	vst v63  }
0xc2: {  	s13 =	sadd.s32 s3, s17  }
0xc3: {  	[tilespmem:s30], [sflag:$0x1] =	stream.linear.gather [hbm4b:s13+s2], $0x400, $0x38;
	[tilespmem:$0x18200] =	vst v63  }
0xc4: {  	s18 =	spop (v2sf)  }
0xc5: {  	s19 =	sand.u32 $0xFFFFF80, s18  }
0xc6: {  	s13 =	sadd.s32 s3, s19  }
0xc7: {  	[tilespmem:s31], [sflag:$0x1] =	stream.linear.gather [hbm4b:s13+s2], $0x400, $0x38;
	[tilespmem:$0x18200] =	vst v63  }
.Ltmp2:
0xc8: {  	s20 =	spop (v2sf);
	(pc) =	sbr.rel .LBB2_2-.Ltmp2, $4  }
0xc9: {  	s13 =	sand.u32 $0xFFFFF80, s20  }
0xca: {  	s14 =	simm.s32 $0x30;
	s16 =	simm.s32 $0x0;
	s13 =	sadd.s32 s3, s13  }
0xcb: {  	[tilespmem:s0], [sflag:$0x1] =	stream.linear.gather [hbm4b:s13+s2], $0x400, $0x38;
	[tilespmem:$0x18200] =	vst v63  }
0xcc: {  	s15 =	simm.s32 $0x0;
	s17 =	simm.s32 $0x0;
	s13 =	simm.s32 $0xC000  }
.LBB2_4:
0xcd: {  	_ =	swait.ge [sflag:s1], $0x4000  }
0xce: {  	[sflag:s1] =	ssyncset.done $0x0  }
0xcf: {  	[sflag:s1] =	ssyncadd.s32 $0xFFFFC000  }
0xd0: {  	v1 =	vld [tilespmem:s14+$0xFFFFFFD0];
	_ =	sdelay $0x4  }
0xd1: {  	v1 =	vand.u32 $0x7, v1  }
0xd2: {  	s18 =	sand.u32 $0x3, s17;
	v1 =	vshll.u32 v1, $0x7  }
0xd3: {  	s18 =	sshll.u32 s18, $0xE;
	v1 =	vor.u32 v0, v1  }
0xd4: {  	v1 =	vor.u32 s18, v1;
	_ =	sdelay $0x4  }
0xd5: {  	v2 =	vld.idx.msk [tilespmem:v1+s8+$0x0], $0xffff  }
0xd6: {  	v3 =	vor.u32 $0x1, v1;
	_ =	sdelay $0x1  }
0xd7: {  	s20 =	sand.u32 $0x70, s15;
	s19 =	sand.u32 $0xC00, s16  }
0xd8: {  	s18 =	sor.u32 s20, s19  }
0xd9: {  	[tilespmem:s18+$0x10200] =	vst v2  }
0xda: {  	v2 =	vld.idx.msk [tilespmem:v3+s8+$0x0], $0xffff  }
0xdb: {  	v3 =	vor.u32 $0x2, v1;
	_ =	sdelay $0x3  }
0xdc: {  	[tilespmem:s18+$0x10280] =	vst v2  }
0xdd: {  	v2 =	vld.idx.msk [tilespmem:v3+s8+$0x0], $0xffff  }
0xde: {  	v3 =	vor.u32 $0x3, v1;
	_ =	sdelay $0x3  }
0xdf: {  	[tilespmem:s18+$0x10300] =	vst v2  }
0xe0: {  	v2 =	vld.idx.msk [tilespmem:v3+s8+$0x0], $0xffff  }
0xe1: {  	v3 =	vor.u32 $0x4, v1;
	_ =	sdelay $0x3  }
0xe2: {  	[tilespmem:s18+$0x10380] =	vst v2  }
0xe3: {  	v2 =	vld.idx.msk [tilespmem:v3+s8+$0x0], $0xffff  }
0xe4: {  	v3 =	vor.u32 $0x5, v1;
	_ =	sdelay $0x3  }
0xe5: {  	[tilespmem:s18+$0x10400] =	vst v2  }
0xe6: {  	v2 =	vld.idx.msk [tilespmem:v3+s8+$0x0], $0xffff  }
0xe7: {  	v3 =	vor.u32 $0x6, v1;
	_ =	sdelay $0x3  }
0xe8: {  	[tilespmem:s18+$0x10480] =	vst v2  }
0xe9: {  	v2 =	vld.idx.msk [tilespmem:v3+s8+$0x0], $0xffff  }
0xea: {  	v3 =	vor.u32 $0x7, v1;
	_ =	sdelay $0x3  }
0xeb: {  	[tilespmem:s18+$0x10500] =	vst v2  }
0xec: {  	v2 =	vld.idx.msk [tilespmem:v3+s8+$0x0], $0xffff  }
0xed: {  	v3 =	vor.u32 $0x8, v1;
	_ =	sdelay $0x1  }
0xee: {  	s20 =	sor.u32 s16, s15  }
0xef: {  	s19 =	sor.u32 $0x380, s20  }
0xf0: {  	[tilespmem:s19+$0x10200] =	vst v2  }
0xf1: {  	v2 =	vld.idx.msk [tilespmem:v3+s8+$0x0], $0xffff  }
0xf2: {  	v3 =	vor.u32 $0x9, v1;
	_ =	sdelay $0x3  }
0xf3: {  	[tilespmem:s18+$0x11200] =	vst v2  }
0xf4: {  	v2 =	vld.idx.msk [tilespmem:v3+s8+$0x0], $0xffff  }
0xf5: {  	v3 =	vor.u32 $0xA, v1;
	_ =	sdelay $0x3  }
0xf6: {  	[tilespmem:s18+$0x11280] =	vst v2  }
0xf7: {  	v2 =	vld.idx.msk [tilespmem:v3+s8+$0x0], $0xffff  }
0xf8: {  	v3 =	vor.u32 $0xB, v1;
	_ =	sdelay $0x3  }
0xf9: {  	[tilespmem:s18+$0x11300] =	vst v2  }
0xfa: {  	v2 =	vld.idx.msk [tilespmem:v3+s8+$0x0], $0xffff  }
0xfb: {  	v3 =	vor.u32 $0xC, v1;
	_ =	sdelay $0x3  }
0xfc: {  	[tilespmem:s18+$0x11380] =	vst v2  }
0xfd: {  	v2 =	vld.idx.msk [tilespmem:v3+s8+$0x0], $0xffff  }
0xfe: {  	v3 =	vor.u32 $0xD, v1;
	_ =	sdelay $0x3  }
0xff: {  	[tilespmem:s18+$0x11400] =	vst v2  }
0x100: {  	v2 =	vld.idx.msk [tilespmem:v3+s8+$0x0], $0xffff  }
0x101: {  	v3 =	vor.u32 $0xE, v1;
	_ =	sdelay $0x3  }
0x102: {  	[tilespmem:s18+$0x11480] =	vst v2  }
0x103: {  	v2 =	vld.idx.msk [tilespmem:v3+s8+$0x0], $0xffff  }
0x104: {  	v3 =	vor.u32 $0xF, v1;
	_ =	sdelay $0x3  }
0x105: {  	[tilespmem:s18+$0x11500] =	vst v2  }
0x106: {  	v2 =	vld.idx.msk [tilespmem:v3+s8+$0x0], $0xffff  }
0x107: {  	v3 =	vor.u32 $0x10, v1;
	_ =	sdelay $0x3  }
0x108: {  	[tilespmem:s18+$0x11580] =	vst v2  }
0x109: {  	v2 =	vld.idx.msk [tilespmem:v3+s8+$0x0], $0xffff  }
0x10a: {  	v3 =	vor.u32 $0x11, v1;
	_ =	sdelay $0x3  }
0x10b: {  	[tilespmem:s18+$0x12200] =	vst v2  }
0x10c: {  	v2 =	vld.idx.msk [tilespmem:v3+s8+$0x0], $0xffff  }
0x10d: {  	v3 =	vor.u32 $0x12, v1;
	_ =	sdelay $0x3  }
0x10e: {  	[tilespmem:s18+$0x12280] =	vst v2  }
0x10f: {  	v2 =	vld.idx.msk [tilespmem:v3+s8+$0x0], $0xffff  }
0x110: {  	v3 =	vor.u32 $0x13, v1;
	_ =	sdelay $0x3  }
0x111: {  	[tilespmem:s18+$0x12300] =	vst v2  }
0x112: {  	v2 =	vld.idx.msk [tilespmem:v3+s8+$0x0], $0xffff  }
0x113: {  	v3 =	vor.u32 $0x14, v1;
	_ =	sdelay $0x3  }
0x114: {  	[tilespmem:s18+$0x12380] =	vst v2  }
0x115: {  	v2 =	vld.idx.msk [tilespmem:v3+s8+$0x0], $0xffff  }
0x116: {  	v3 =	vor.u32 $0x15, v1;
	_ =	sdelay $0x3  }
0x117: {  	[tilespmem:s18+$0x12400] =	vst v2  }
0x118: {  	v2 =	vld.idx.msk [tilespmem:v3+s8+$0x0], $0xffff  }
0x119: {  	v3 =	vor.u32 $0x16, v1;
	_ =	sdelay $0x3  }
0x11a: {  	[tilespmem:s18+$0x12480] =	vst v2  }
0x11b: {  	v2 =	vld.idx.msk [tilespmem:v3+s8+$0x0], $0xffff  }
0x11c: {  	v3 =	vor.u32 $0x17, v1;
	_ =	sdelay $0x3  }
0x11d: {  	[tilespmem:s18+$0x12500] =	vst v2  }
0x11e: {  	v2 =	vld.idx.msk [tilespmem:v3+s8+$0x0], $0xffff  }
0x11f: {  	v3 =	vor.u32 $0x18, v1;
	_ =	sdelay $0x3  }
0x120: {  	[tilespmem:s18+$0x12580] =	vst v2  }
0x121: {  	v2 =	vld.idx.msk [tilespmem:v3+s8+$0x0], $0xffff  }
0x122: {  	v3 =	vor.u32 $0x19, v1;
	_ =	sdelay $0x3  }
0x123: {  	[tilespmem:s18+$0x13200] =	vst v2  }
0x124: {  	v2 =	vld.idx.msk [tilespmem:v3+s8+$0x0], $0xffff  }
0x125: {  	v3 =	vor.u32 $0x1A, v1;
	_ =	sdelay $0x3  }
0x126: {  	[tilespmem:s18+$0x13280] =	vst v2  }
0x127: {  	v2 =	vld.idx.msk [tilespmem:v3+s8+$0x0], $0xffff  }
0x128: {  	v3 =	vor.u32 $0x1B, v1;
	_ =	sdelay $0x3  }
0x129: {  	[tilespmem:s18+$0x13300] =	vst v2  }
0x12a: {  	v2 =	vld.idx.msk [tilespmem:v3+s8+$0x0], $0xffff  }
0x12b: {  	v3 =	vor.u32 $0x1C, v1;
	_ =	sdelay $0x3  }
0x12c: {  	[tilespmem:s18+$0x13380] =	vst v2  }
0x12d: {  	v2 =	vld.idx.msk [tilespmem:v3+s8+$0x0], $0xffff  }
0x12e: {  	v3 =	vor.u32 $0x1D, v1;
	_ =	sdelay $0x3  }
0x12f: {  	[tilespmem:s18+$0x13400] =	vst v2  }
0x130: {  	v2 =	vld.idx.msk [tilespmem:v3+s8+$0x0], $0xffff  }
0x131: {  	v3 =	vor.u32 $0x1E, v1;
	_ =	sdelay $0x3  }
0x132: {  	[tilespmem:s18+$0x13480] =	vst v2  }
0x133: {  	v2 =	vld.idx.msk [tilespmem:v3+s8+$0x0], $0xffff  }
0x134: {  	v3 =	vor.u32 $0x1F, v1;
	_ =	sdelay $0x3  }
0x135: {  	[tilespmem:s18+$0x13500] =	vst v2  }
0x136: {  	v2 =	vld.idx.msk [tilespmem:v3+s8+$0x0], $0xffff  }
0x137: {  	v3 =	vor.u32 $0x20, v1;
	_ =	sdelay $0x3  }
0x138: {  	[tilespmem:s18+$0x13580] =	vst v2  }
0x139: {  	v2 =	vld.idx.msk [tilespmem:v3+s8+$0x0], $0xffff  }
0x13a: {  	v3 =	vor.u32 $0x21, v1;
	_ =	sdelay $0x3  }
0x13b: {  	[tilespmem:s18+$0x14200] =	vst v2  }
0x13c: {  	v2 =	vld.idx.msk [tilespmem:v3+s8+$0x0], $0xffff  }
0x13d: {  	v3 =	vor.u32 $0x22, v1;
	_ =	sdelay $0x3  }
0x13e: {  	[tilespmem:s18+$0x14280] =	vst v2  }
0x13f: {  	v2 =	vld.idx.msk [tilespmem:v3+s8+$0x0], $0xffff  }
0x140: {  	v3 =	vor.u32 $0x23, v1;
	_ =	sdelay $0x3  }
0x141: {  	[tilespmem:s18+$0x14300] =	vst v2  }
0x142: {  	v2 =	vld.idx.msk [tilespmem:v3+s8+$0x0], $0xffff  }
0x143: {  	v3 =	vor.u32 $0x24, v1;
	_ =	sdelay $0x3  }
0x144: {  	[tilespmem:s18+$0x14380] =	vst v2  }
0x145: {  	v2 =	vld.idx.msk [tilespmem:v3+s8+$0x0], $0xffff  }
0x146: {  	v3 =	vor.u32 $0x25, v1;
	_ =	sdelay $0x3  }
0x147: {  	[tilespmem:s18+$0x14400] =	vst v2  }
0x148: {  	v2 =	vld.idx.msk [tilespmem:v3+s8+$0x0], $0xffff  }
0x149: {  	v3 =	vor.u32 $0x26, v1;
	_ =	sdelay $0x3  }
0x14a: {  	[tilespmem:s18+$0x14480] =	vst v2  }
0x14b: {  	v2 =	vld.idx.msk [tilespmem:v3+s8+$0x0], $0xffff  }
0x14c: {  	v3 =	vor.u32 $0x27, v1;
	_ =	sdelay $0x3  }
0x14d: {  	[tilespmem:s18+$0x14500] =	vst v2  }
0x14e: {  	v2 =	vld.idx.msk [tilespmem:v3+s8+$0x0], $0xffff  }
0x14f: {  	v3 =	vor.u32 $0x28, v1;
	_ =	sdelay $0x3  }
0x150: {  	[tilespmem:s18+$0x14580] =	vst v2  }
0x151: {  	v2 =	vld.idx.msk [tilespmem:v3+s8+$0x0], $0xffff  }
0x152: {  	v3 =	vor.u32 $0x29, v1;
	_ =	sdelay $0x3  }
0x153: {  	[tilespmem:s18+$0x15200] =	vst v2  }
0x154: {  	v2 =	vld.idx.msk [tilespmem:v3+s8+$0x0], $0xffff  }
0x155: {  	v3 =	vor.u32 $0x2A, v1;
	_ =	sdelay $0x3  }
0x156: {  	[tilespmem:s18+$0x15280] =	vst v2  }
0x157: {  	v2 =	vld.idx.msk [tilespmem:v3+s8+$0x0], $0xffff  }
0x158: {  	v3 =	vor.u32 $0x2B, v1;
	_ =	sdelay $0x3  }
0x159: {  	[tilespmem:s18+$0x15300] =	vst v2  }
0x15a: {  	v2 =	vld.idx.msk [tilespmem:v3+s8+$0x0], $0xffff  }
0x15b: {  	v3 =	vor.u32 $0x2C, v1;
	_ =	sdelay $0x3  }
0x15c: {  	[tilespmem:s18+$0x15380] =	vst v2  }
0x15d: {  	v2 =	vld.idx.msk [tilespmem:v3+s8+$0x0], $0xffff  }
0x15e: {  	v3 =	vor.u32 $0x2D, v1;
	_ =	sdelay $0x3  }
0x15f: {  	[tilespmem:s18+$0x15400] =	vst v2  }
0x160: {  	v2 =	vld.idx.msk [tilespmem:v3+s8+$0x0], $0xffff  }
0x161: {  	v3 =	vor.u32 $0x2E, v1;
	_ =	sdelay $0x3  }
0x162: {  	[tilespmem:s18+$0x15480] =	vst v2  }
0x163: {  	v2 =	vld.idx.msk [tilespmem:v3+s8+$0x0], $0xffff  }
0x164: {  	v3 =	vor.u32 $0x2F, v1;
	_ =	sdelay $0x3  }
0x165: {  	[tilespmem:s18+$0x15500] =	vst v2  }
0x166: {  	v2 =	vld.idx.msk [tilespmem:v3+s8+$0x0], $0xffff  }
0x167: {  	v3 =	vor.u32 $0x30, v1;
	_ =	sdelay $0x3  }
0x168: {  	[tilespmem:s18+$0x15580] =	vst v2  }
0x169: {  	v2 =	vld.idx.msk [tilespmem:v3+s8+$0x0], $0xffff  }
0x16a: {  	v3 =	vor.u32 $0x31, v1;
	_ =	sdelay $0x3  }
0x16b: {  	[tilespmem:s18+$0x16200] =	vst v2  }
0x16c: {  	v2 =	vld.idx.msk [tilespmem:v3+s8+$0x0], $0xffff  }
0x16d: {  	v3 =	vor.u32 $0x32, v1;
	_ =	sdelay $0x3  }
0x16e: {  	[tilespmem:s18+$0x16280] =	vst v2  }
0x16f: {  	v2 =	vld.idx.msk [tilespmem:v3+s8+$0x0], $0xffff  }
0x170: {  	v3 =	vor.u32 $0x33, v1;
	_ =	sdelay $0x3  }
0x171: {  	[tilespmem:s18+$0x16300] =	vst v2  }
0x172: {  	v2 =	vld.idx.msk [tilespmem:v3+s8+$0x0], $0xffff  }
0x173: {  	v3 =	vor.u32 $0x34, v1;
	_ =	sdelay $0x3  }
0x174: {  	[tilespmem:s18+$0x16380] =	vst v2  }
0x175: {  	v2 =	vld.idx.msk [tilespmem:v3+s8+$0x0], $0xffff  }
0x176: {  	v3 =	vor.u32 $0x35, v1;
	_ =	sdelay $0x3  }
0x177: {  	[tilespmem:s18+$0x16400] =	vst v2  }
0x178: {  	v2 =	vld.idx.msk [tilespmem:v3+s8+$0x0], $0xffff  }
0x179: {  	v3 =	vor.u32 $0x36, v1;
	_ =	sdelay $0x3  }
0x17a: {  	[tilespmem:s18+$0x16480] =	vst v2  }
0x17b: {  	v2 =	vld.idx.msk [tilespmem:v3+s8+$0x0], $0xffff  }
0x17c: {  	v3 =	vor.u32 $0x37, v1;
	_ =	sdelay $0x3  }
0x17d: {  	[tilespmem:s18+$0x16500] =	vst v2  }
0x17e: {  	v2 =	vld.idx.msk [tilespmem:v3+s8+$0x0], $0xffff  }
0x17f: {  	v3 =	vor.u32 $0x38, v1;
	_ =	sdelay $0x3  }
0x180: {  	[tilespmem:s18+$0x16580] =	vst v2  }
0x181: {  	v2 =	vld.idx.msk [tilespmem:v3+s8+$0x0], $0xffff  }
0x182: {  	v3 =	vor.u32 $0x39, v1;
	_ =	sdelay $0x3  }
0x183: {  	[tilespmem:s18+$0x17200] =	vst v2  }
0x184: {  	v2 =	vld.idx.msk [tilespmem:v3+s8+$0x0], $0xffff  }
0x185: {  	v3 =	vor.u32 $0x3A, v1;
	_ =	sdelay $0x3  }
0x186: {  	[tilespmem:s18+$0x17280] =	vst v2  }
0x187: {  	v2 =	vld.idx.msk [tilespmem:v3+s8+$0x0], $0xffff  }
0x188: {  	v3 =	vor.u32 $0x3B, v1;
	_ =	sdelay $0x3  }
0x189: {  	[tilespmem:s18+$0x17300] =	vst v2  }
0x18a: {  	v2 =	vld.idx.msk [tilespmem:v3+s8+$0x0], $0xffff  }
0x18b: {  	v3 =	vor.u32 $0x3C, v1;
	_ =	sdelay $0x3  }
0x18c: {  	[tilespmem:s18+$0x17380] =	vst v2  }
0x18d: {  	v2 =	vld.idx.msk [tilespmem:v3+s8+$0x0], $0xffff  }
0x18e: {  	v3 =	vor.u32 $0x3D, v1;
	_ =	sdelay $0x3  }
0x18f: {  	[tilespmem:s18+$0x17400] =	vst v2  }
0x190: {  	v2 =	vld.idx.msk [tilespmem:v3+s8+$0x0], $0xffff  }
0x191: {  	v3 =	vor.u32 $0x3E, v1;
	_ =	sdelay $0x3  }
0x192: {  	[tilespmem:s18+$0x17480] =	vst v2  }
0x193: {  	v2 =	vld.idx.msk [tilespmem:v3+s8+$0x0], $0xffff  }
0x194: {  	v1 =	vor.u32 $0x3F, v1;
	_ =	sdelay $0x3  }
0x195: {  	s13 =	sadd.s32 $0x4000, s13;
	[tilespmem:s18+$0x17500] =	vst v2  }
0x196: {  	p0 =	sne.s32 s13, $0x8C000;
	v1 =	vld.idx.msk [tilespmem:v1+s8+$0x0], $0xffff  }
.Ltmp3:
0x197: {  	_ = 	snop;
	(pc) =	sbr.rel @!p0 .LBB2_5-.Ltmp3, $3  }
0x198: {  	_ =	sdelay $0x1  }
0x199: {  	s17 =	sadd.s32 $0x1, s17  }
0x19a: {  	s14 =	sadd.s32 $0x10, s14;
	s16 =	sadd.s32 $0x80, s16;
	s15 =	sadd.s32 $0x10, s15;
	[tilespmem:s18+$0x17580] =	vst v1  }
.LBB2_2:
0x19b: {  	p0 =	sgt.u32 s17, $0x1C  }
.Ltmp4:
0x19c: {  	_ = 	snop;
	(pc) =	sbr.rel @p0 .LBB2_4-.Ltmp4, $1  }
0x19d: {  	_ =	sdelay $0x3  }
0x19e: {  	v1 =	vld [tilespmem:s14+$0x0];
	_ =	sdelay $0x4  }
0x19f: {  	v1 =	vshll.u32 v1, $0x4  }
0x1a0: {  	(v2sf) =	vpush v1, $0x0;
	_ =	sdelay $0x3  }
0x1a1: {  	(v2sf) =	vpush v1, $0x1;
	_ =	sdelay $0x3  }
0x1a2: {  	(v2sf) =	vpush v1, $0x2;
	_ =	sdelay $0x3  }
0x1a3: {  	(v2sf) =	vpush v1, $0x3;
	_ =	sdelay $0x2  }
0x1a4: {  	s19 =	spop (v2sf)  }
0x1a5: {  	s18 =	sand.u32 $0xC000, s13;
	(v2sf) =	vpush v1, $0x4;
	s19 =	sand.u32 $0xFFFFF80, s19  }
0x1a6: {  	s20 =	sor.u32 $0x200, s18;
	s19 =	sadd.s32 s3, s19  }
0x1a7: {  	[tilespmem:s20], [sflag:$0x1] =	stream.linear.gather [hbm4b:s19+s2], $0x400, $0x38;
	[tilespmem:$0x18200] =	vst v63  }
0x1a8: {  	s20 =	spop (v2sf)  }
0x1a9: {  	(v2sf) =	vpush v1, $0x5;
	s19 =	sand.u32 $0xFFFFF80, s20  }
0x1aa: {  	s20 =	sor.u32 $0x600, s18;
	s19 =	sadd.s32 s3, s19  }
0x1ab: {  	[tilespmem:s20], [sflag:$0x1] =	stream.linear.gather [hbm4b:s19+s2], $0x400, $0x38;
	[tilespmem:$0x18200] =	vst v63  }
0x1ac: {  	s20 =	spop (v2sf)  }
0x1ad: {  	(v2sf) =	vpush v1, $0x6;
	s19 =	sand.u32 $0xFFFFF80, s20  }
0x1ae: {  	s20 =	sor.u32 $0xA00, s18;
	s19 =	sadd.s32 s3, s19  }
0x1af: {  	[tilespmem:s20], [sflag:$0x1] =	stream.linear.gather [hbm4b:s19+s2], $0x400, $0x38;
	[tilespmem:$0x18200] =	vst v63  }
0x1b0: {  	s20 =	spop (v2sf)  }
0x1b1: {  	(v2sf) =	vpush v1, $0x7;
	s19 =	sand.u32 $0xFFFFF80, s20  }
0x1b2: {  	s20 =	sor.u32 $0xE00, s18;
	s19 =	sadd.s32 s3, s19  }
0x1b3: {  	[tilespmem:s20], [sflag:$0x1] =	stream.linear.gather [hbm4b:s19+s2], $0x400, $0x38;
	[tilespmem:$0x18200] =	vst v63  }
0x1b4: {  	s20 =	spop (v2sf)  }
0x1b5: {  	(v2sf) =	vpush v1, $0x8;
	s19 =	sand.u32 $0xFFFFF80, s20  }
0x1b6: {  	s20 =	sor.u32 $0x1200, s18;
	s19 =	sadd.s32 s3, s19  }
0x1b7: {  	[tilespmem:s20], [sflag:$0x1] =	stream.linear.gather [hbm4b:s19+s2], $0x400, $0x38;
	[tilespmem:$0x18200] =	vst v63  }
0x1b8: {  	s20 =	spop (v2sf)  }
0x1b9: {  	(v2sf) =	vpush v1, $0x9;
	s19 =	sand.u32 $0xFFFFF80, s20  }
0x1ba: {  	s20 =	sor.u32 $0x1600, s18;
	s19 =	sadd.s32 s3, s19  }
0x1bb: {  	[tilespmem:s20], [sflag:$0x1] =	stream.linear.gather [hbm4b:s19+s2], $0x400, $0x38;
	[tilespmem:$0x18200] =	vst v63  }
0x1bc: {  	s20 =	spop (v2sf)  }
0x1bd: {  	(v2sf) =	vpush v1, $0xA;
	s19 =	sand.u32 $0xFFFFF80, s20  }
0x1be: {  	s20 =	sor.u32 $0x1A00, s18;
	s19 =	sadd.s32 s3, s19  }
0x1bf: {  	[tilespmem:s20], [sflag:$0x1] =	stream.linear.gather [hbm4b:s19+s2], $0x400, $0x38;
	[tilespmem:$0x18200] =	vst v63  }
0x1c0: {  	s20 =	spop (v2sf)  }
0x1c1: {  	(v2sf) =	vpush v1, $0xB;
	s19 =	sand.u32 $0xFFFFF80, s20  }
0x1c2: {  	s20 =	sor.u32 $0x1E00, s18;
	s19 =	sadd.s32 s3, s19  }
0x1c3: {  	[tilespmem:s20], [sflag:$0x1] =	stream.linear.gather [hbm4b:s19+s2], $0x400, $0x38;
	[tilespmem:$0x18200] =	vst v63  }
0x1c4: {  	s20 =	spop (v2sf)  }
0x1c5: {  	(v2sf) =	vpush v1, $0xC;
	s19 =	sand.u32 $0xFFFFF80, s20  }
0x1c6: {  	s20 =	sor.u32 $0x2200, s18;
	s19 =	sadd.s32 s3, s19  }
0x1c7: {  	[tilespmem:s20], [sflag:$0x1] =	stream.linear.gather [hbm4b:s19+s2], $0x400, $0x38;
	[tilespmem:$0x18200] =	vst v63  }
0x1c8: {  	s20 =	spop (v2sf)  }
0x1c9: {  	(v2sf) =	vpush v1, $0xD;
	s19 =	sand.u32 $0xFFFFF80, s20  }
0x1ca: {  	s20 =	sor.u32 $0x2600, s18;
	s19 =	sadd.s32 s3, s19  }
0x1cb: {  	[tilespmem:s20], [sflag:$0x1] =	stream.linear.gather [hbm4b:s19+s2], $0x400, $0x38;
	[tilespmem:$0x18200] =	vst v63  }
0x1cc: {  	s20 =	spop (v2sf)  }
0x1cd: {  	(v2sf) =	vpush v1, $0xE;
	s19 =	sand.u32 $0xFFFFF80, s20  }
0x1ce: {  	s20 =	sor.u32 $0x2A00, s18;
	s19 =	sadd.s32 s3, s19  }
0x1cf: {  	[tilespmem:s20], [sflag:$0x1] =	stream.linear.gather [hbm4b:s19+s2], $0x400, $0x38;
	[tilespmem:$0x18200] =	vst v63  }
0x1d0: {  	s20 =	spop (v2sf)  }
0x1d1: {  	s19 =	sand.u32 $0xFFFFF80, s20  }
0x1d2: {  	(v2sf) =	vpush v1, $0xF;
	s20 =	sor.u32 $0x2E00, s18;
	s19 =	sadd.s32 s3, s19  }
0x1d3: {  	[tilespmem:s20], [sflag:$0x1] =	stream.linear.gather [hbm4b:s19+s2], $0x400, $0x38;
	[tilespmem:$0x18200] =	vst v63  }
0x1d4: {  	s20 =	spop (v2sf)  }
0x1d5: {  	s19 =	sand.u32 $0xFFFFF80, s20  }
0x1d6: {  	s20 =	sor.u32 $0x3200, s18;
	s19 =	sadd.s32 s3, s19  }
0x1d7: {  	[tilespmem:s20], [sflag:$0x1] =	stream.linear.gather [hbm4b:s19+s2], $0x400, $0x38;
	[tilespmem:$0x18200] =	vst v63  }
0x1d8: {  	s20 =	spop (v2sf)  }
0x1d9: {  	s19 =	sand.u32 $0xFFFFF80, s20  }
0x1da: {  	s20 =	sor.u32 $0x3600, s18;
	s19 =	sadd.s32 s3, s19  }
0x1db: {  	[tilespmem:s20], [sflag:$0x1] =	stream.linear.gather [hbm4b:s19+s2], $0x400, $0x38;
	[tilespmem:$0x18200] =	vst v63  }
0x1dc: {  	s20 =	spop (v2sf)  }
0x1dd: {  	s19 =	sand.u32 $0xFFFFF80, s20  }
0x1de: {  	s20 =	sor.u32 $0x3A00, s18;
	s19 =	sadd.s32 s3, s19  }
0x1df: {  	[tilespmem:s20], [sflag:$0x1] =	stream.linear.gather [hbm4b:s19+s2], $0x400, $0x38;
	[tilespmem:$0x18200] =	vst v63  }
.Ltmp5:
0x1e0: {  	_ = 	snop;
	(pc) =	sbr.rel .LBB2_4-.Ltmp5, $4  }
0x1e1: {  	s20 =	spop (v2sf)  }
0x1e2: {  	s19 =	sand.u32 $0xFFFFF80, s20  }
0x1e3: {  	s18 =	sor.u32 $0x3E00, s18;
	s19 =	sadd.s32 s3, s19  }
0x1e4: {  	[tilespmem:s18], [sflag:$0x1] =	stream.linear.gather [hbm4b:s19+s2], $0x400, $0x38;
	[tilespmem:$0x18200] =	vst v63  }
.LBB2_6:
0x1e5: {  	_ =	sfence.sel $0x180000  }
0x1e6: {  	[bflag:$0x0] =	sbarrier.arrive $0xFFFF  }
0x1e7: {  	_ =	strace $0x90000047  }
0x1e8: {  	s0 =	stileid.u32;
	[bflag:$0x2] =	sbarrier.arrive $0xFFFF  }
0x1e9: {  	p0 =	sne.s32 s0, $0x0;
	s0 =	rddreg [dreg:$0x3]  }
0x1ea: {  	s0 =	sadd.s32 @!p0 $0x100000, s0  }
0x1eb: {  	[sflag:s0] =	ssyncadd.tile.s32 @!p0 $0x1;
	_ =	shalt  }
.Lfunc_end2:
_tile_overlayer_lowered:
.L_overlay_start_2:
0x1ec: {  	(tag) =	ssettag $0x2  }
0x1ed: {  	s0 =	rddreg [dreg:$0x0];
	s2 =	stileid.u32  }
0x1ee: {  	s1 =	rddreg [dreg:$0x1];
	p0 =	sne.s32 s2, $0x0  }
0x1ef: {  	s3 =	rddreg [dreg:$0x2];
	[bflag:$0x3] =	sbarrier.arrive $0xFFFF;
	s2 =	simm.s32 @!p0 $0x1C02  }
0x1f0: {  	[timem:s3], [sflag:s2] =	dma.local @!p0 [hbm:s0], s1  }
0x1f1: {  	s0 =	simm.s32 @!p0 $0x2  }
0x1f2: {  	_ =	swait.ge @!p0 [sflag:s0], s1  }
0x1f3: {  	s1 =	ssub.s32 @!p0 $0x0, s1;
	[sflag:s0] =	ssyncset.done @!p0 $0x0  }
0x1f4: {  	[sflag:s0] =	ssyncadd.s32 @!p0 s1  }
0x1f5: {  	[bflag:$0x3] =	sbarrier.arrive $0xFFFF  }
0x1f6: {  	_ =	shalt  }

</sc_bundles>
